<compile_context>
chip_gen: v7x
topology: tpu7x:2x2x1
jax: 0.10.2.dev20260603
libtpu: 0.0.44.dev20260713+nightly
codegen_flags: <defaults>
</compile_context>

<pallas_src>
import functools

import jax
import jax.numpy as jnp
from jax import lax
from jax.experimental import pallas as pl
from jax.experimental.pallas import tpu as pltpu
from jax.experimental.pallas import tpu_sc as plsc

BATCH = 4096
HIST = 50
DIM = 128

_info = plsc.get_sparse_core_info()
NC, NS, L = _info.num_cores, _info.num_subcores, _info.num_lanes
NW = NC * NS
B = BATCH * HIST
BATCH_PER_W = BATCH // NW
NBUF = 7
NGROUPS = (HIST - 1) // NBUF

_mesh = plsc.VectorSubcoreMesh(core_axis_name="c", subcore_axis_name="s")


@functools.partial(
    pl.kernel,
    mesh=_mesh,
    out_type=jax.ShapeDtypeStruct((HIST, BATCH, DIM), jnp.float32),
    scratch_types=(
        [pltpu.VMEM((HIST, BATCH_PER_W), jnp.int32)]
        + [pltpu.VMEM((BATCH_PER_W, DIM), jnp.float32)] * NBUF
        + [pltpu.SemaphoreType.DMA] * (2 * NBUF)
    ),
    compiler_params=pltpu.CompilerParams(needs_layout_passes=False),
)
def _embed_gather(xt_hbm, table_hbm, out_hbm, idx_v, *bufs):
    rows = bufs[:NBUF]
    gsem = bufs[NBUF:2 * NBUF]
    wsem = bufs[2 * NBUF:]
    wid = lax.axis_index("s") * NC + lax.axis_index("c")
    base_b = wid * BATCH_PER_W

    pltpu.sync_copy(xt_hbm.at[pl.ds(0, HIST), pl.ds(base_b, BATCH_PER_W)],
                    idx_v)

    def shift(h):
        for l in range(BATCH_PER_W // L):
            sl = pl.ds(l * L, L)
            idx_v[h, sl] = idx_v[h, sl] + 1

    def issue_gather(h, b):
        pltpu.async_copy(table_hbm.at[idx_v.at[h]], rows[b], gsem[b])

    def wait_gather(b):
        pltpu.make_async_copy(
            table_hbm.at[pl.ds(0, BATCH_PER_W)], rows[b], gsem[b]).wait()

    def issue_write(h, b):
        pltpu.async_copy(rows[b],
                         out_hbm.at[h, pl.ds(base_b, BATCH_PER_W)], wsem[b])

    def wait_write(b):
        pltpu.make_async_copy(
            rows[b], out_hbm.at[0, pl.ds(0, BATCH_PER_W)], wsem[b]).wait()

    for b in range(NBUF):
        shift(b)
    for b in range(NBUF):
        issue_gather(b, b)

    def group_body(g, _):
        for b in range(NBUF):
            shift((g + 1) * NBUF + b)
        for b in range(NBUF):
            wait_gather(b)
            issue_write(g * NBUF + b, b)
        for b in range(NBUF):
            wait_write(b)
            issue_gather((g + 1) * NBUF + b, b)
        return 0

    lax.fori_loop(0, NGROUPS - 1, group_body, 0)

    shift(HIST - 1)
    for b in range(NBUF):
        wait_gather(b)
        issue_write((NGROUPS - 1) * NBUF + b, b)
    wait_write(0)
    issue_gather(HIST - 1, 0)
    wait_gather(0)
    issue_write(HIST - 1, 0)
    wait_write(0)
    for b in range(1, NBUF):
        wait_write(b)


def kernel(x, table):
    xt = jnp.transpose(x.astype(jnp.int32))
    out = _embed_gather(xt, table)
    return jnp.transpose(out, (1, 0, 2))

# --- scband reference (transcript-rebuilt; emitter-appended) ---
"""Pipeline reference for scband-padded-embed-52106543235074 (READ-ONLY COPY).

The authoritative reference and input builder live on the scoring server;
editing this copy changes nothing except your own understanding.
"""

import jax, jax.numpy as jnp
import numpy as np

NUM_EMBEDDINGS = 100000
OUTPUT_DIM = 128
BATCH = 4096
HIST_LEN = 50


def setup_inputs(seed: int = 0) -> dict:
    key = jax.random.key(seed)
    k1, k2 = jax.random.split(key)
    x = jax.random.randint(k1, (BATCH, HIST_LEN), 0, NUM_EMBEDDINGS)
    # nn.Embedding(num_embeddings + 1, output_dim, padding_idx=0): row 0 is the padding row (zeros)
    table = jax.random.normal(k2, (NUM_EMBEDDINGS + 1, OUTPUT_DIM), dtype=jnp.float32)
    table = table.at[0].set(0.0)
    return {"x": x, "table": table}


def reference(x, table):
    # PaddedEmbed.forward with embed_type='embed', dropout=0 (identity):
    #   x = self.embed((x + 1).to(torch.int32))
    idx = (x + 1).astype(jnp.int32)
    out = jnp.take(table, idx, axis=0)
    return out

if __name__ == "__main__":
    import jax
    _d = setup_inputs()
    print(jax.jit(kernel)(*tuple(_d.values())))

</pallas_src>

<mosaic_0001>
#map = affine_map<(d0, d1) -> (0, 0)>
#map1 = affine_map<(d0, d1) -> (0, 0, 0)>
module attributes {stable_mosaic.version = 14 : i64} {
  func.func @_embed_gather(%arg0: i32, %arg1: i32, %arg2: memref<50x4096xi32, #tpu.memory_space<hbm>>, %arg3: memref<100001x128xf32, #tpu.memory_space<hbm>>, %arg4: memref<50x4096x128xf32, #tpu.memory_space<hbm>>, %arg5: memref<50x128xi32, #tpu.memory_space<vmem>>, %arg6: memref<128x128xf32, #tpu.memory_space<vmem>>, %arg7: memref<128x128xf32, #tpu.memory_space<vmem>>, %arg8: memref<128x128xf32, #tpu.memory_space<vmem>>, %arg9: memref<128x128xf32, #tpu.memory_space<vmem>>, %arg10: memref<128x128xf32, #tpu.memory_space<vmem>>, %arg11: memref<128x128xf32, #tpu.memory_space<vmem>>, %arg12: memref<128x128xf32, #tpu.memory_space<vmem>>, %arg13: memref<!tpu.dma_semaphore, #tpu.memory_space<semaphore_mem>>, %arg14: memref<!tpu.dma_semaphore, #tpu.memory_space<semaphore_mem>>, %arg15: memref<!tpu.dma_semaphore, #tpu.memory_space<semaphore_mem>>, %arg16: memref<!tpu.dma_semaphore, #tpu.memory_space<semaphore_mem>>, %arg17: memref<!tpu.dma_semaphore, #tpu.memory_space<semaphore_mem>>, %arg18: memref<!tpu.dma_semaphore, #tpu.memory_space<semaphore_mem>>, %arg19: memref<!tpu.dma_semaphore, #tpu.memory_space<semaphore_mem>>, %arg20: memref<!tpu.dma_semaphore, #tpu.memory_space<semaphore_mem>>, %arg21: memref<!tpu.dma_semaphore, #tpu.memory_space<semaphore_mem>>, %arg22: memref<!tpu.dma_semaphore, #tpu.memory_space<semaphore_mem>>, %arg23: memref<!tpu.dma_semaphore, #tpu.memory_space<semaphore_mem>>, %arg24: memref<!tpu.dma_semaphore, #tpu.memory_space<semaphore_mem>>, %arg25: memref<!tpu.dma_semaphore, #tpu.memory_space<semaphore_mem>>, %arg26: memref<!tpu.dma_semaphore, #tpu.memory_space<semaphore_mem>>) attributes {dimension_semantics = [#tpu.dimension_semantics<core_parallel>, #tpu.dimension_semantics<subcore_parallel>], iteration_bounds = array<i64: 2, 16>, scalar_prefetch = 0 : i64, scratch_operands = 22 : i64, tpu.core_type = #tpu.core_type<sc_vector_subcore>, window_params = [{transform_indices = #map}, {transform_indices = #map}, {transform_indices = #map1}]} {
    %mul3A = arith.constant 2 : i32
    %mul3A_0 = arith.muli %arg1, %mul3A : i32
    %add3A = arith.addi %mul3A_0, %arg0 : i32
    %mul3A_1 = arith.constant 128 : i32
    %mul3A_2 = arith.muli %add3A, %mul3A_1 : i32
    "tpu.region"() ({
      %run_scoped3A = tpu.sem_alloc : memref<!tpu.dma_semaphore, #tpu.memory_space<semaphore_mem>>
      %dma_start3A_941 = arith.constant 0 : i32
      %dma_start3A_942 = tpu.memref_slice %arg2[%dma_start3A_941, %mul3A_2] : memref<50x4096xi32, #tpu.memory_space<hbm>> -> memref<50x128xi32, #tpu.memory_space<hbm>>
      %dma_start3A_943 = arith.constant 0 : i32
      %dma_start3A_944 = tpu.memref_slice %arg2[%dma_start3A_943, %mul3A_2] : memref<50x4096xi32, #tpu.memory_space<hbm>> -> memref<50x128xi32, #tpu.memory_space<hbm>>
      tpu.enqueue_dma source(%dma_start3A_944 : memref<50x128xi32, #tpu.memory_space<hbm>>) target(%arg5 : memref<50x128xi32, #tpu.memory_space<vmem>>) target_semaphore(%run_scoped3A : memref<!tpu.dma_semaphore, #tpu.memory_space<semaphore_mem>>)
      %dma_wait3A_945 = arith.constant 0 : i32
      %dma_wait3A_946 = tpu.memref_slice %arg2[%dma_wait3A_945, %mul3A_2] : memref<50x4096xi32, #tpu.memory_space<hbm>> -> memref<50x128xi32, #tpu.memory_space<hbm>>
      %dma_wait3A_947 = arith.constant 0 : i32
      %dma_wait3A_948 = tpu.memref_slice %arg2[%dma_wait3A_947, %mul3A_2] : memref<50x4096xi32, #tpu.memory_space<hbm>> -> memref<50x128xi32, #tpu.memory_space<hbm>>
      tpu.wait_dma2 semaphore(%run_scoped3A : memref<!tpu.dma_semaphore, #tpu.memory_space<semaphore_mem>>) src(%dma_wait3A_948 : memref<50x128xi32, #tpu.memory_space<hbm>>) dst(%arg5 : memref<50x128xi32, #tpu.memory_space<vmem>>)
      tpu.yield
    }) : () -> ()
    %get3A = arith.constant 0 : i32
    %get3A_3 = arith.index_cast %get3A : i32 to index
    %get3A_4 = arith.constant 0 : index
    %get3A_5 = tpu.vector_load %arg5[%get3A_3, %get3A_4] {strides = array<i32>} : memref<50x128xi32, #tpu.memory_space<vmem>>, vector<16xi32>,
    %add3A_6 = arith.constant 1 : i32
    %add3A_7 = vector.broadcast %add3A_6 : i32 to vector<16xi32>
    %add3A_8 = arith.addi %get3A_5, %add3A_7 : vector<16xi32>
    %swap3A = arith.constant 0 : i32
    %swap3A_9 = arith.index_cast %swap3A : i32 to index
    %swap3A_10 = arith.constant 0 : index
    %swap3A_11 = tpu.vector_load %arg5[%swap3A_9, %swap3A_10] {strides = array<i32>} : memref<50x128xi32, #tpu.memory_space<vmem>>, vector<16xi32>,
    tpu.vector_store %arg5[%swap3A_9, %swap3A_10], %add3A_8 {strides = array<i32>} : memref<50x128xi32, #tpu.memory_space<vmem>>, vector<16xi32>,
    %get3A_12 = arith.constant 0 : i32
    %get3A_13 = arith.index_cast %get3A_12 : i32 to index
    %get3A_14 = arith.constant 16 : index
    %get3A_15 = tpu.vector_load %arg5[%get3A_13, %get3A_14] {strides = array<i32>} : memref<50x128xi32, #tpu.memory_space<vmem>>, vector<16xi32>,
    %add3A_16 = arith.constant 1 : i32
    %add3A_17 = vector.broadcast %add3A_16 : i32 to vector<16xi32>
    %add3A_18 = arith.addi %get3A_15, %add3A_17 : vector<16xi32>
    %swap3A_19 = arith.constant 0 : i32
    %swap3A_20 = arith.index_cast %swap3A_19 : i32 to index
    %swap3A_21 = arith.constant 16 : index
    %swap3A_22 = tpu.vector_load %arg5[%swap3A_20, %swap3A_21] {strides = array<i32>} : memref<50x128xi32, #tpu.memory_space<vmem>>, vector<16xi32>,
    tpu.vector_store %arg5[%swap3A_20, %swap3A_21], %add3A_18 {strides = array<i32>} : memref<50x128xi32, #tpu.memory_space<vmem>>, vector<16xi32>,
    %get3A_23 = arith.constant 0 : i32
    %get3A_24 = arith.index_cast %get3A_23 : i32 to index
    %get3A_25 = arith.constant 32 : index
    %get3A_26 = tpu.vector_load %arg5[%get3A_24, %get3A_25] {strides = array<i32>} : memref<50x128xi32, #tpu.memory_space<vmem>>, vector<16xi32>,
    %add3A_27 = arith.constant 1 : i32
    %add3A_28 = vector.broadcast %add3A_27 : i32 to vector<16xi32>
    %add3A_29 = arith.addi %get3A_26, %add3A_28 : vector<16xi32>
    %swap3A_30 = arith.constant 0 : i32
    %swap3A_31 = arith.index_cast %swap3A_30 : i32 to index
    %swap3A_32 = arith.constant 32 : index
    %swap3A_33 = tpu.vector_load %arg5[%swap3A_31, %swap3A_32] {strides = array<i32>} : memref<50x128xi32, #tpu.memory_space<vmem>>, vector<16xi32>,
    tpu.vector_store %arg5[%swap3A_31, %swap3A_32], %add3A_29 {strides = array<i32>} : memref<50x128xi32, #tpu.memory_space<vmem>>, vector<16xi32>,
    %get3A_34 = arith.constant 0 : i32
    %get3A_35 = arith.index_cast %get3A_34 : i32 to index
    %get3A_36 = arith.constant 48 : index
    %get3A_37 = tpu.vector_load %arg5[%get3A_35, %get3A_36] {strides = array<i32>} : memref<50x128xi32, #tpu.memory_space<vmem>>, vector<16xi32>,
    %add3A_38 = arith.constant 1 : i32
    %add3A_39 = vector.broadcast %add3A_38 : i32 to vector<16xi32>
    %add3A_40 = arith.addi %get3A_37, %add3A_39 : vector<16xi32>
    %swap3A_41 = arith.constant 0 : i32
    %swap3A_42 = arith.index_cast %swap3A_41 : i32 to index
    %swap3A_43 = arith.constant 48 : index
    %swap3A_44 = tpu.vector_load %arg5[%swap3A_42, %swap3A_43] {strides = array<i32>} : memref<50x128xi32, #tpu.memory_space<vmem>>, vector<16xi32>,
    tpu.vector_store %arg5[%swap3A_42, %swap3A_43], %add3A_40 {strides = array<i32>} : memref<50x128xi32, #tpu.memory_space<vmem>>, vector<16xi32>,
    %get3A_45 = arith.constant 0 : i32
    %get3A_46 = arith.index_cast %get3A_45 : i32 to index
    %get3A_47 = arith.constant 64 : index
    %get3A_48 = tpu.vector_load %arg5[%get3A_46, %get3A_47] {strides = array<i32>} : memref<50x128xi32, #tpu.memory_space<vmem>>, vector<16xi32>,
    %add3A_49 = arith.constant 1 : i32
    %add3A_50 = vector.broadcast %add3A_49 : i32 to vector<16xi32>
    %add3A_51 = arith.addi %get3A_48, %add3A_50 : vector<16xi32>
    %swap3A_52 = arith.constant 0 : i32
    %swap3A_53 = arith.index_cast %swap3A_52 : i32 to index
    %swap3A_54 = arith.constant 64 : index
    %swap3A_55 = tpu.vector_load %arg5[%swap3A_53, %swap3A_54] {strides = array<i32>} : memref<50x128xi32, #tpu.memory_space<vmem>>, vector<16xi32>,
    tpu.vector_store %arg5[%swap3A_53, %swap3A_54], %add3A_51 {strides = array<i32>} : memref<50x128xi32, #tpu.memory_space<vmem>>, vector<16xi32>,
    %get3A_56 = arith.constant 0 : i32
    %get3A_57 = arith.index_cast %get3A_56 : i32 to index
    %get3A_58 = arith.constant 80 : index
    %get3A_59 = tpu.vector_load %arg5[%get3A_57, %get3A_58] {strides = array<i32>} : memref<50x128xi32, #tpu.memory_space<vmem>>, vector<16xi32>,
    %add3A_60 = arith.constant 1 : i32
    %add3A_61 = vector.broadcast %add3A_60 : i32 to vector<16xi32>
    %add3A_62 = arith.addi %get3A_59, %add3A_61 : vector<16xi32>
    %swap3A_63 = arith.constant 0 : i32
    %swap3A_64 = arith.index_cast %swap3A_63 : i32 to index
    %swap3A_65 = arith.constant 80 : index
    %swap3A_66 = tpu.vector_load %arg5[%swap3A_64, %swap3A_65] {strides = array<i32>} : memref<50x128xi32, #tpu.memory_space<vmem>>, vector<16xi32>,
    tpu.vector_store %arg5[%swap3A_64, %swap3A_65], %add3A_62 {strides = array<i32>} : memref<50x128xi32, #tpu.memory_space<vmem>>, vector<16xi32>,
    %get3A_67 = arith.constant 0 : i32
    %get3A_68 = arith.index_cast %get3A_67 : i32 to index
    %get3A_69 = arith.constant 96 : index
    %get3A_70 = tpu.vector_load %arg5[%get3A_68, %get3A_69] {strides = array<i32>} : memref<50x128xi32, #tpu.memory_space<vmem>>, vector<16xi32>,
    %add3A_71 = arith.constant 1 : i32
    %add3A_72 = vector.broadcast %add3A_71 : i32 to vector<16xi32>
    %add3A_73 = arith.addi %get3A_70, %add3A_72 : vector<16xi32>
    %swap3A_74 = arith.constant 0 : i32
    %swap3A_75 = arith.index_cast %swap3A_74 : i32 to index
    %swap3A_76 = arith.constant 96 : index
    %swap3A_77 = tpu.vector_load %arg5[%swap3A_75, %swap3A_76] {strides = array<i32>} : memref<50x128xi32, #tpu.memory_space<vmem>>, vector<16xi32>,
    tpu.vector_store %arg5[%swap3A_75, %swap3A_76], %add3A_73 {strides = array<i32>} : memref<50x128xi32, #tpu.memory_space<vmem>>, vector<16xi32>,
    %get3A_78 = arith.constant 0 : i32
    %get3A_79 = arith.index_cast %get3A_78 : i32 to index
    %get3A_80 = arith.constant 112 : index
    %get3A_81 = tpu.vector_load %arg5[%get3A_79, %get3A_80] {strides = array<i32>} : memref<50x128xi32, #tpu.memory_space<vmem>>, vector<16xi32>,
    %add3A_82 = arith.constant 1 : i32
    %add3A_83 = vector.broadcast %add3A_82 : i32 to vector<16xi32>
    %add3A_84 = arith.addi %get3A_81, %add3A_83 : vector<16xi32>
    %swap3A_85 = arith.constant 0 : i32
    %swap3A_86 = arith.index_cast %swap3A_85 : i32 to index
    %swap3A_87 = arith.constant 112 : index
    %swap3A_88 = tpu.vector_load %arg5[%swap3A_86, %swap3A_87] {strides = array<i32>} : memref<50x128xi32, #tpu.memory_space<vmem>>, vector<16xi32>,
    tpu.vector_store %arg5[%swap3A_86, %swap3A_87], %add3A_84 {strides = array<i32>} : memref<50x128xi32, #tpu.memory_space<vmem>>, vector<16xi32>,
    %get3A_89 = arith.constant 1 : i32
    %get3A_90 = arith.index_cast %get3A_89 : i32 to index
    %get3A_91 = arith.constant 0 : index
    %get3A_92 = tpu.vector_load %arg5[%get3A_90, %get3A_91] {strides = array<i32>} : memref<50x128xi32, #tpu.memory_space<vmem>>, vector<16xi32>,
    %add3A_93 = arith.constant 1 : i32
    %add3A_94 = vector.broadcast %add3A_93 : i32 to vector<16xi32>
    %add3A_95 = arith.addi %get3A_92, %add3A_94 : vector<16xi32>
    %swap3A_96 = arith.constant 1 : i32
    %swap3A_97 = arith.index_cast %swap3A_96 : i32 to index
    %swap3A_98 = arith.constant 0 : index
    %swap3A_99 = tpu.vector_load %arg5[%swap3A_97, %swap3A_98] {strides = array<i32>} : memref<50x128xi32, #tpu.memory_space<vmem>>, vector<16xi32>,
    tpu.vector_store %arg5[%swap3A_97, %swap3A_98], %add3A_95 {strides = array<i32>} : memref<50x128xi32, #tpu.memory_space<vmem>>, vector<16xi32>,
    %get3A_100 = arith.constant 1 : i32
    %get3A_101 = arith.index_cast %get3A_100 : i32 to index
    %get3A_102 = arith.constant 16 : index
    %get3A_103 = tpu.vector_load %arg5[%get3A_101, %get3A_102] {strides = array<i32>} : memref<50x128xi32, #tpu.memory_space<vmem>>, vector<16xi32>,
    %add3A_104 = arith.constant 1 : i32
    %add3A_105 = vector.broadcast %add3A_104 : i32 to vector<16xi32>
    %add3A_106 = arith.addi %get3A_103, %add3A_105 : vector<16xi32>
    %swap3A_107 = arith.constant 1 : i32
    %swap3A_108 = arith.index_cast %swap3A_107 : i32 to index
    %swap3A_109 = arith.constant 16 : index
    %swap3A_110 = tpu.vector_load %arg5[%swap3A_108, %swap3A_109] {strides = array<i32>} : memref<50x128xi32, #tpu.memory_space<vmem>>, vector<16xi32>,
    tpu.vector_store %arg5[%swap3A_108, %swap3A_109], %add3A_106 {strides = array<i32>} : memref<50x128xi32, #tpu.memory_space<vmem>>, vector<16xi32>,
    %get3A_111 = arith.constant 1 : i32
    %get3A_112 = arith.index_cast %get3A_111 : i32 to index
    %get3A_113 = arith.constant 32 : index
    %get3A_114 = tpu.vector_load %arg5[%get3A_112, %get3A_113] {strides = array<i32>} : memref<50x128xi32, #tpu.memory_space<vmem>>, vector<16xi32>,
    %add3A_115 = arith.constant 1 : i32
    %add3A_116 = vector.broadcast %add3A_115 : i32 to vector<16xi32>
    %add3A_117 = arith.addi %get3A_114, %add3A_116 : vector<16xi32>
    %swap3A_118 = arith.constant 1 : i32
    %swap3A_119 = arith.index_cast %swap3A_118 : i32 to index
    %swap3A_120 = arith.constant 32 : index
    %swap3A_121 = tpu.vector_load %arg5[%swap3A_119, %swap3A_120] {strides = array<i32>} : memref<50x128xi32, #tpu.memory_space<vmem>>, vector<16xi32>,
    tpu.vector_store %arg5[%swap3A_119, %swap3A_120], %add3A_117 {strides = array<i32>} : memref<50x128xi32, #tpu.memory_space<vmem>>, vector<16xi32>,
    %get3A_122 = arith.constant 1 : i32
    %get3A_123 = arith.index_cast %get3A_122 : i32 to index
    %get3A_124 = arith.constant 48 : index
    %get3A_125 = tpu.vector_load %arg5[%get3A_123, %get3A_124] {strides = array<i32>} : memref<50x128xi32, #tpu.memory_space<vmem>>, vector<16xi32>,
    %add3A_126 = arith.constant 1 : i32
    %add3A_127 = vector.broadcast %add3A_126 : i32 to vector<16xi32>
    %add3A_128 = arith.addi %get3A_125, %add3A_127 : vector<16xi32>
    %swap3A_129 = arith.constant 1 : i32
    %swap3A_130 = arith.index_cast %swap3A_129 : i32 to index
    %swap3A_131 = arith.constant 48 : index
    %swap3A_132 = tpu.vector_load %arg5[%swap3A_130, %swap3A_131] {strides = array<i32>} : memref<50x128xi32, #tpu.memory_space<vmem>>, vector<16xi32>,
    tpu.vector_store %arg5[%swap3A_130, %swap3A_131], %add3A_128 {strides = array<i32>} : memref<50x128xi32, #tpu.memory_space<vmem>>, vector<16xi32>,
    %get3A_133 = arith.constant 1 : i32
    %get3A_134 = arith.index_cast %get3A_133 : i32 to index
    %get3A_135 = arith.constant 64 : index
    %get3A_136 = tpu.vector_load %arg5[%get3A_134, %get3A_135] {strides = array<i32>} : memref<50x128xi32, #tpu.memory_space<vmem>>, vector<16xi32>,
    %add3A_137 = arith.constant 1 : i32
    %add3A_138 = vector.broadcast %add3A_137 : i32 to vector<16xi32>
    %add3A_139 = arith.addi %get3A_136, %add3A_138 : vector<16xi32>
    %swap3A_140 = arith.constant 1 : i32
    %swap3A_141 = arith.index_cast %swap3A_140 : i32 to index
    %swap3A_142 = arith.constant 64 : index
    %swap3A_143 = tpu.vector_load %arg5[%swap3A_141, %swap3A_142] {strides = array<i32>} : memref<50x128xi32, #tpu.memory_space<vmem>>, vector<16xi32>,
    tpu.vector_store %arg5[%swap3A_141, %swap3A_142], %add3A_139 {strides = array<i32>} : memref<50x128xi32, #tpu.memory_space<vmem>>, vector<16xi32>,
    %get3A_144 = arith.constant 1 : i32
    %get3A_145 = arith.index_cast %get3A_144 : i32 to index
    %get3A_146 = arith.constant 80 : index
    %get3A_147 = tpu.vector_load %arg5[%get3A_145, %get3A_146] {strides = array<i32>} : memref<50x128xi32, #tpu.memory_space<vmem>>, vector<16xi32>,
    %add3A_148 = arith.constant 1 : i32
    %add3A_149 = vector.broadcast %add3A_148 : i32 to vector<16xi32>
    %add3A_150 = arith.addi %get3A_147, %add3A_149 : vector<16xi32>
    %swap3A_151 = arith.constant 1 : i32
    %swap3A_152 = arith.index_cast %swap3A_151 : i32 to index
    %swap3A_153 = arith.constant 80 : index
    %swap3A_154 = tpu.vector_load %arg5[%swap3A_152, %swap3A_153] {strides = array<i32>} : memref<50x128xi32, #tpu.memory_space<vmem>>, vector<16xi32>,
    tpu.vector_store %arg5[%swap3A_152, %swap3A_153], %add3A_150 {strides = array<i32>} : memref<50x128xi32, #tpu.memory_space<vmem>>, vector<16xi32>,
    %get3A_155 = arith.constant 1 : i32
    %get3A_156 = arith.index_cast %get3A_155 : i32 to index
    %get3A_157 = arith.constant 96 : index
    %get3A_158 = tpu.vector_load %arg5[%get3A_156, %get3A_157] {strides = array<i32>} : memref<50x128xi32, #tpu.memory_space<vmem>>, vector<16xi32>,
    %add3A_159 = arith.constant 1 : i32
    %add3A_160 = vector.broadcast %add3A_159 : i32 to vector<16xi32>
    %add3A_161 = arith.addi %get3A_158, %add3A_160 : vector<16xi32>
    %swap3A_162 = arith.constant 1 : i32
    %swap3A_163 = arith.index_cast %swap3A_162 : i32 to index
    %swap3A_164 = arith.constant 96 : index
    %swap3A_165 = tpu.vector_load %arg5[%swap3A_163, %swap3A_164] {strides = array<i32>} : memref<50x128xi32, #tpu.memory_space<vmem>>, vector<16xi32>,
    tpu.vector_store %arg5[%swap3A_163, %swap3A_164], %add3A_161 {strides = array<i32>} : memref<50x128xi32, #tpu.memory_space<vmem>>, vector<16xi32>,
    %get3A_166 = arith.constant 1 : i32
    %get3A_167 = arith.index_cast %get3A_166 : i32 to index
    %get3A_168 = arith.constant 112 : index
    %get3A_169 = tpu.vector_load %arg5[%get3A_167, %get3A_168] {strides = array<i32>} : memref<50x128xi32, #tpu.memory_space<vmem>>, vector<16xi32>,
    %add3A_170 = arith.constant 1 : i32
    %add3A_171 = vector.broadcast %add3A_170 : i32 to vector<16xi32>
    %add3A_172 = arith.addi %get3A_169, %add3A_171 : vector<16xi32>
    %swap3A_173 = arith.constant 1 : i32
    %swap3A_174 = arith.index_cast %swap3A_173 : i32 to index
    %swap3A_175 = arith.constant 112 : index
    %swap3A_176 = tpu.vector_load %arg5[%swap3A_174, %swap3A_175] {strides = array<i32>} : memref<50x128xi32, #tpu.memory_space<vmem>>, vector<16xi32>,
    tpu.vector_store %arg5[%swap3A_174, %swap3A_175], %add3A_172 {strides = array<i32>} : memref<50x128xi32, #tpu.memory_space<vmem>>, vector<16xi32>,
    %get3A_177 = arith.constant 2 : i32
    %get3A_178 = arith.index_cast %get3A_177 : i32 to index
    %get3A_179 = arith.constant 0 : index
    %get3A_180 = tpu.vector_load %arg5[%get3A_178, %get3A_179] {strides = array<i32>} : memref<50x128xi32, #tpu.memory_space<vmem>>, vector<16xi32>,
    %add3A_181 = arith.constant 1 : i32
    %add3A_182 = vector.broadcast %add3A_181 : i32 to vector<16xi32>
    %add3A_183 = arith.addi %get3A_180, %add3A_182 : vector<16xi32>
    %swap3A_184 = arith.constant 2 : i32
    %swap3A_185 = arith.index_cast %swap3A_184 : i32 to index
    %swap3A_186 = arith.constant 0 : index
    %swap3A_187 = tpu.vector_load %arg5[%swap3A_185, %swap3A_186] {strides = array<i32>} : memref<50x128xi32, #tpu.memory_space<vmem>>, vector<16xi32>,
    tpu.vector_store %arg5[%swap3A_185, %swap3A_186], %add3A_183 {strides = array<i32>} : memref<50x128xi32, #tpu.memory_space<vmem>>, vector<16xi32>,
    %get3A_188 = arith.constant 2 : i32
    %get3A_189 = arith.index_cast %get3A_188 : i32 to index
    %get3A_190 = arith.constant 16 : index
    %get3A_191 = tpu.vector_load %arg5[%get3A_189, %get3A_190] {strides = array<i32>} : memref<50x128xi32, #tpu.memory_space<vmem>>, vector<16xi32>,
    %add3A_192 = arith.constant 1 : i32
    %add3A_193 = vector.broadcast %add3A_192 : i32 to vector<16xi32>
    %add3A_194 = arith.addi %get3A_191, %add3A_193 : vector<16xi32>
    %swap3A_195 = arith.constant 2 : i32
    %swap3A_196 = arith.index_cast %swap3A_195 : i32 to index
    %swap3A_197 = arith.constant 16 : index
    %swap3A_198 = tpu.vector_load %arg5[%swap3A_196, %swap3A_197] {strides = array<i32>} : memref<50x128xi32, #tpu.memory_space<vmem>>, vector<16xi32>,
    tpu.vector_store %arg5[%swap3A_196, %swap3A_197], %add3A_194 {strides = array<i32>} : memref<50x128xi32, #tpu.memory_space<vmem>>, vector<16xi32>,
    %get3A_199 = arith.constant 2 : i32
    %get3A_200 = arith.index_cast %get3A_199 : i32 to index
    %get3A_201 = arith.constant 32 : index
    %get3A_202 = tpu.vector_load %arg5[%get3A_200, %get3A_201] {strides = array<i32>} : memref<50x128xi32, #tpu.memory_space<vmem>>, vector<16xi32>,
    %add3A_203 = arith.constant 1 : i32
    %add3A_204 = vector.broadcast %add3A_203 : i32 to vector<16xi32>
    %add3A_205 = arith.addi %get3A_202, %add3A_204 : vector<16xi32>
    %swap3A_206 = arith.constant 2 : i32
    %swap3A_207 = arith.index_cast %swap3A_206 : i32 to index
    %swap3A_208 = arith.constant 32 : index
    %swap3A_209 = tpu.vector_load %arg5[%swap3A_207, %swap3A_208] {strides = array<i32>} : memref<50x128xi32, #tpu.memory_space<vmem>>, vector<16xi32>,
    tpu.vector_store %arg5[%swap3A_207, %swap3A_208], %add3A_205 {strides = array<i32>} : memref<50x128xi32, #tpu.memory_space<vmem>>, vector<16xi32>,
    %get3A_210 = arith.constant 2 : i32
    %get3A_211 = arith.index_cast %get3A_210 : i32 to index
    %get3A_212 = arith.constant 48 : index
    %get3A_213 = tpu.vector_load %arg5[%get3A_211, %get3A_212] {strides = array<i32>} : memref<50x128xi32, #tpu.memory_space<vmem>>, vector<16xi32>,
    %add3A_214 = arith.constant 1 : i32
    %add3A_215 = vector.broadcast %add3A_214 : i32 to vector<16xi32>
    %add3A_216 = arith.addi %get3A_213, %add3A_215 : vector<16xi32>
    %swap3A_217 = arith.constant 2 : i32
    %swap3A_218 = arith.index_cast %swap3A_217 : i32 to index
    %swap3A_219 = arith.constant 48 : index
    %swap3A_220 = tpu.vector_load %arg5[%swap3A_218, %swap3A_219] {strides = array<i32>} : memref<50x128xi32, #tpu.memory_space<vmem>>, vector<16xi32>,
    tpu.vector_store %arg5[%swap3A_218, %swap3A_219], %add3A_216 {strides = array<i32>} : memref<50x128xi32, #tpu.memory_space<vmem>>, vector<16xi32>,
    %get3A_221 = arith.constant 2 : i32
    %get3A_222 = arith.index_cast %get3A_221 : i32 to index
    %get3A_223 = arith.constant 64 : index
    %get3A_224 = tpu.vector_load %arg5[%get3A_222, %get3A_223] {strides = array<i32>} : memref<50x128xi32, #tpu.memory_space<vmem>>, vector<16xi32>,
    %add3A_225 = arith.constant 1 : i32
    %add3A_226 = vector.broadcast %add3A_225 : i32 to vector<16xi32>
    %add3A_227 = arith.addi %get3A_224, %add3A_226 : vector<16xi32>
    %swap3A_228 = arith.constant 2 : i32
    %swap3A_229 = arith.index_cast %swap3A_228 : i32 to index
    %swap3A_230 = arith.constant 64 : index
    %swap3A_231 = tpu.vector_load %arg5[%swap3A_229, %swap3A_230] {strides = array<i32>} : memref<50x128xi32, #tpu.memory_space<vmem>>, vector<16xi32>,
    tpu.vector_store %arg5[%swap3A_229, %swap3A_230], %add3A_227 {strides = array<i32>} : memref<50x128xi32, #tpu.memory_space<vmem>>, vector<16xi32>,
    %get3A_232 = arith.constant 2 : i32
    %get3A_233 = arith.index_cast %get3A_232 : i32 to index
    %get3A_234 = arith.constant 80 : index
    %get3A_235 = tpu.vector_load %arg5[%get3A_233, %get3A_234] {strides = array<i32>} : memref<50x128xi32, #tpu.memory_space<vmem>>, vector<16xi32>,
    %add3A_236 = arith.constant 1 : i32
    %add3A_237 = vector.broadcast %add3A_236 : i32 to vector<16xi32>
    %add3A_238 = arith.addi %get3A_235, %add3A_237 : vector<16xi32>
    %swap3A_239 = arith.constant 2 : i32
    %swap3A_240 = arith.index_cast %swap3A_239 : i32 to index
    %swap3A_241 = arith.constant 80 : index
    %swap3A_242 = tpu.vector_load %arg5[%swap3A_240, %swap3A_241] {strides = array<i32>} : memref<50x128xi32, #tpu.memory_space<vmem>>, vector<16xi32>,
    tpu.vector_store %arg5[%swap3A_240, %swap3A_241], %add3A_238 {strides = array<i32>} : memref<50x128xi32, #tpu.memory_space<vmem>>, vector<16xi32>,
    %get3A_243 = arith.constant 2 : i32
    %get3A_244 = arith.index_cast %get3A_243 : i32 to index
    %get3A_245 = arith.constant 96 : index
    %get3A_246 = tpu.vector_load %arg5[%get3A_244, %get3A_245] {strides = array<i32>} : memref<50x128xi32, #tpu.memory_space<vmem>>, vector<16xi32>,
    %add3A_247 = arith.constant 1 : i32
    %add3A_248 = vector.broadcast %add3A_247 : i32 to vector<16xi32>
    %add3A_249 = arith.addi %get3A_246, %add3A_248 : vector<16xi32>
    %swap3A_250 = arith.constant 2 : i32
    %swap3A_251 = arith.index_cast %swap3A_250 : i32 to index
    %swap3A_252 = arith.constant 96 : index
    %swap3A_253 = tpu.vector_load %arg5[%swap3A_251, %swap3A_252] {strides = array<i32>} : memref<50x128xi32, #tpu.memory_space<vmem>>, vector<16xi32>,
    tpu.vector_store %arg5[%swap3A_251, %swap3A_252], %add3A_249 {strides = array<i32>} : memref<50x128xi32, #tpu.memory_space<vmem>>, vector<16xi32>,
    %get3A_254 = arith.constant 2 : i32
    %get3A_255 = arith.index_cast %get3A_254 : i32 to index
    %get3A_256 = arith.constant 112 : index
    %get3A_257 = tpu.vector_load %arg5[%get3A_255, %get3A_256] {strides = array<i32>} : memref<50x128xi32, #tpu.memory_space<vmem>>, vector<16xi32>,
    %add3A_258 = arith.constant 1 : i32
    %add3A_259 = vector.broadcast %add3A_258 : i32 to vector<16xi32>
    %add3A_260 = arith.addi %get3A_257, %add3A_259 : vector<16xi32>
    %swap3A_261 = arith.constant 2 : i32
    %swap3A_262 = arith.index_cast %swap3A_261 : i32 to index
    %swap3A_263 = arith.constant 112 : index
    %swap3A_264 = tpu.vector_load %arg5[%swap3A_262, %swap3A_263] {strides = array<i32>} : memref<50x128xi32, #tpu.memory_space<vmem>>, vector<16xi32>,
    tpu.vector_store %arg5[%swap3A_262, %swap3A_263], %add3A_260 {strides = array<i32>} : memref<50x128xi32, #tpu.memory_space<vmem>>, vector<16xi32>,
    %get3A_265 = arith.constant 3 : i32
    %get3A_266 = arith.index_cast %get3A_265 : i32 to index
    %get3A_267 = arith.constant 0 : index
    %get3A_268 = tpu.vector_load %arg5[%get3A_266, %get3A_267] {strides = array<i32>} : memref<50x128xi32, #tpu.memory_space<vmem>>, vector<16xi32>,
    %add3A_269 = arith.constant 1 : i32
    %add3A_270 = vector.broadcast %add3A_269 : i32 to vector<16xi32>
    %add3A_271 = arith.addi %get3A_268, %add3A_270 : vector<16xi32>
    %swap3A_272 = arith.constant 3 : i32
    %swap3A_273 = arith.index_cast %swap3A_272 : i32 to index
    %swap3A_274 = arith.constant 0 : index
    %swap3A_275 = tpu.vector_load %arg5[%swap3A_273, %swap3A_274] {strides = array<i32>} : memref<50x128xi32, #tpu.memory_space<vmem>>, vector<16xi32>,
    tpu.vector_store %arg5[%swap3A_273, %swap3A_274], %add3A_271 {strides = array<i32>} : memref<50x128xi32, #tpu.memory_space<vmem>>, vector<16xi32>,
    %get3A_276 = arith.constant 3 : i32
    %get3A_277 = arith.index_cast %get3A_276 : i32 to index
    %get3A_278 = arith.constant 16 : index
    %get3A_279 = tpu.vector_load %arg5[%get3A_277, %get3A_278] {strides = array<i32>} : memref<50x128xi32, #tpu.memory_space<vmem>>, vector<16xi32>,
    %add3A_280 = arith.constant 1 : i32
    %add3A_281 = vector.broadcast %add3A_280 : i32 to vector<16xi32>
    %add3A_282 = arith.addi %get3A_279, %add3A_281 : vector<16xi32>
    %swap3A_283 = arith.constant 3 : i32
    %swap3A_284 = arith.index_cast %swap3A_283 : i32 to index
    %swap3A_285 = arith.constant 16 : index
    %swap3A_286 = tpu.vector_load %arg5[%swap3A_284, %swap3A_285] {strides = array<i32>} : memref<50x128xi32, #tpu.memory_space<vmem>>, vector<16xi32>,
    tpu.vector_store %arg5[%swap3A_284, %swap3A_285], %add3A_282 {strides = array<i32>} : memref<50x128xi32, #tpu.memory_space<vmem>>, vector<16xi32>,
    %get3A_287 = arith.constant 3 : i32
    %get3A_288 = arith.index_cast %get3A_287 : i32 to index
    %get3A_289 = arith.constant 32 : index
    %get3A_290 = tpu.vector_load %arg5[%get3A_288, %get3A_289] {strides = array<i32>} : memref<50x128xi32, #tpu.memory_space<vmem>>, vector<16xi32>,
    %add3A_291 = arith.constant 1 : i32
    %add3A_292 = vector.broadcast %add3A_291 : i32 to vector<16xi32>
    %add3A_293 = arith.addi %get3A_290, %add3A_292 : vector<16xi32>
    %swap3A_294 = arith.constant 3 : i32
    %swap3A_295 = arith.index_cast %swap3A_294 : i32 to index
    %swap3A_296 = arith.constant 32 : index
    %swap3A_297 = tpu.vector_load %arg5[%swap3A_295, %swap3A_296] {strides = array<i32>} : memref<50x128xi32, #tpu.memory_space<vmem>>, vector<16xi32>,
    tpu.vector_store %arg5[%swap3A_295, %swap3A_296], %add3A_293 {strides = array<i32>} : memref<50x128xi32, #tpu.memory_space<vmem>>, vector<16xi32>,
    %get3A_298 = arith.constant 3 : i32
    %get3A_299 = arith.index_cast %get3A_298 : i32 to index
    %get3A_300 = arith.constant 48 : index
    %get3A_301 = tpu.vector_load %arg5[%get3A_299, %get3A_300] {strides = array<i32>} : memref<50x128xi32, #tpu.memory_space<vmem>>, vector<16xi32>,
    %add3A_302 = arith.constant 1 : i32
    %add3A_303 = vector.broadcast %add3A_302 : i32 to vector<16xi32>
    %add3A_304 = arith.addi %get3A_301, %add3A_303 : vector<16xi32>
    %swap3A_305 = arith.constant 3 : i32
    %swap3A_306 = arith.index_cast %swap3A_305 : i32 to index
    %swap3A_307 = arith.constant 48 : index
    %swap3A_308 = tpu.vector_load %arg5[%swap3A_306, %swap3A_307] {strides = array<i32>} : memref<50x128xi32, #tpu.memory_space<vmem>>, vector<16xi32>,
    tpu.vector_store %arg5[%swap3A_306, %swap3A_307], %add3A_304 {strides = array<i32>} : memref<50x128xi32, #tpu.memory_space<vmem>>, vector<16xi32>,
    %get3A_309 = arith.constant 3 : i32
    %get3A_310 = arith.index_cast %get3A_309 : i32 to index
    %get3A_311 = arith.constant 64 : index
    %get3A_312 = tpu.vector_load %arg5[%get3A_310, %get3A_311] {strides = array<i32>} : memref<50x128xi32, #tpu.memory_space<vmem>>, vector<16xi32>,
    %add3A_313 = arith.constant 1 : i32
    %add3A_314 = vector.broadcast %add3A_313 : i32 to vector<16xi32>
    %add3A_315 = arith.addi %get3A_312, %add3A_314 : vector<16xi32>
    %swap3A_316 = arith.constant 3 : i32
    %swap3A_317 = arith.index_cast %swap3A_316 : i32 to index
    %swap3A_318 = arith.constant 64 : index
    %swap3A_319 = tpu.vector_load %arg5[%swap3A_317, %swap3A_318] {strides = array<i32>} : memref<50x128xi32, #tpu.memory_space<vmem>>, vector<16xi32>,
    tpu.vector_store %arg5[%swap3A_317, %swap3A_318], %add3A_315 {strides = array<i32>} : memref<50x128xi32, #tpu.memory_space<vmem>>, vector<16xi32>,
    %get3A_320 = arith.constant 3 : i32
    %get3A_321 = arith.index_cast %get3A_320 : i32 to index
    %get3A_322 = arith.constant 80 : index
    %get3A_323 = tpu.vector_load %arg5[%get3A_321, %get3A_322] {strides = array<i32>} : memref<50x128xi32, #tpu.memory_space<vmem>>, vector<16xi32>,
    %add3A_324 = arith.constant 1 : i32
    %add3A_325 = vector.broadcast %add3A_324 : i32 to vector<16xi32>
    %add3A_326 = arith.addi %get3A_323, %add3A_325 : vector<16xi32>
    %swap3A_327 = arith.constant 3 : i32
    %swap3A_328 = arith.index_cast %swap3A_327 : i32 to index
    %swap3A_329 = arith.constant 80 : index
    %swap3A_330 = tpu.vector_load %arg5[%swap3A_328, %swap3A_329] {strides = array<i32>} : memref<50x128xi32, #tpu.memory_space<vmem>>, vector<16xi32>,
    tpu.vector_store %arg5[%swap3A_328, %swap3A_329], %add3A_326 {strides = array<i32>} : memref<50x128xi32, #tpu.memory_space<vmem>>, vector<16xi32>,
    %get3A_331 = arith.constant 3 : i32
    %get3A_332 = arith.index_cast %get3A_331 : i32 to index
    %get3A_333 = arith.constant 96 : index
    %get3A_334 = tpu.vector_load %arg5[%get3A_332, %get3A_333] {strides = array<i32>} : memref<50x128xi32, #tpu.memory_space<vmem>>, vector<16xi32>,
    %add3A_335 = arith.constant 1 : i32
    %add3A_336 = vector.broadcast %add3A_335 : i32 to vector<16xi32>
    %add3A_337 = arith.addi %get3A_334, %add3A_336 : vector<16xi32>
    %swap3A_338 = arith.constant 3 : i32
    %swap3A_339 = arith.index_cast %swap3A_338 : i32 to index
    %swap3A_340 = arith.constant 96 : index
    %swap3A_341 = tpu.vector_load %arg5[%swap3A_339, %swap3A_340] {strides = array<i32>} : memref<50x128xi32, #tpu.memory_space<vmem>>, vector<16xi32>,
    tpu.vector_store %arg5[%swap3A_339, %swap3A_340], %add3A_337 {strides = array<i32>} : memref<50x128xi32, #tpu.memory_space<vmem>>, vector<16xi32>,
    %get3A_342 = arith.constant 3 : i32
    %get3A_343 = arith.index_cast %get3A_342 : i32 to index
    %get3A_344 = arith.constant 112 : index
    %get3A_345 = tpu.vector_load %arg5[%get3A_343, %get3A_344] {strides = array<i32>} : memref<50x128xi32, #tpu.memory_space<vmem>>, vector<16xi32>,
    %add3A_346 = arith.constant 1 : i32
    %add3A_347 = vector.broadcast %add3A_346 : i32 to vector<16xi32>
    %add3A_348 = arith.addi %get3A_345, %add3A_347 : vector<16xi32>
    %swap3A_349 = arith.constant 3 : i32
    %swap3A_350 = arith.index_cast %swap3A_349 : i32 to index
    %swap3A_351 = arith.constant 112 : index
    %swap3A_352 = tpu.vector_load %arg5[%swap3A_350, %swap3A_351] {strides = array<i32>} : memref<50x128xi32, #tpu.memory_space<vmem>>, vector<16xi32>,
    tpu.vector_store %arg5[%swap3A_350, %swap3A_351], %add3A_348 {strides = array<i32>} : memref<50x128xi32, #tpu.memory_space<vmem>>, vector<16xi32>,
    %get3A_353 = arith.constant 4 : i32
    %get3A_354 = arith.index_cast %get3A_353 : i32 to index
    %get3A_355 = arith.constant 0 : index
    %get3A_356 = tpu.vector_load %arg5[%get3A_354, %get3A_355] {strides = array<i32>} : memref<50x128xi32, #tpu.memory_space<vmem>>, vector<16xi32>,
    %add3A_357 = arith.constant 1 : i32
    %add3A_358 = vector.broadcast %add3A_357 : i32 to vector<16xi32>
    %add3A_359 = arith.addi %get3A_356, %add3A_358 : vector<16xi32>
    %swap3A_360 = arith.constant 4 : i32
    %swap3A_361 = arith.index_cast %swap3A_360 : i32 to index
    %swap3A_362 = arith.constant 0 : index
    %swap3A_363 = tpu.vector_load %arg5[%swap3A_361, %swap3A_362] {strides = array<i32>} : memref<50x128xi32, #tpu.memory_space<vmem>>, vector<16xi32>,
    tpu.vector_store %arg5[%swap3A_361, %swap3A_362], %add3A_359 {strides = array<i32>} : memref<50x128xi32, #tpu.memory_space<vmem>>, vector<16xi32>,
    %get3A_364 = arith.constant 4 : i32
    %get3A_365 = arith.index_cast %get3A_364 : i32 to index
    %get3A_366 = arith.constant 16 : index
    %get3A_367 = tpu.vector_load %arg5[%get3A_365, %get3A_366] {strides = array<i32>} : memref<50x128xi32, #tpu.memory_space<vmem>>, vector<16xi32>,
    %add3A_368 = arith.constant 1 : i32
    %add3A_369 = vector.broadcast %add3A_368 : i32 to vector<16xi32>
    %add3A_370 = arith.addi %get3A_367, %add3A_369 : vector<16xi32>
    %swap3A_371 = arith.constant 4 : i32
    %swap3A_372 = arith.index_cast %swap3A_371 : i32 to index
    %swap3A_373 = arith.constant 16 : index
    %swap3A_374 = tpu.vector_load %arg5[%swap3A_372, %swap3A_373] {strides = array<i32>} : memref<50x128xi32, #tpu.memory_space<vmem>>, vector<16xi32>,
    tpu.vector_store %arg5[%swap3A_372, %swap3A_373], %add3A_370 {strides = array<i32>} : memref<50x128xi32, #tpu.memory_space<vmem>>, vector<16xi32>,
    %get3A_375 = arith.constant 4 : i32
    %get3A_376 = arith.index_cast %get3A_375 : i32 to index
    %get3A_377 = arith.constant 32 : index
    %get3A_378 = tpu.vector_load %arg5[%get3A_376, %get3A_377] {strides = array<i32>} : memref<50x128xi32, #tpu.memory_space<vmem>>, vector<16xi32>,
    %add3A_379 = arith.constant 1 : i32
    %add3A_380 = vector.broadcast %add3A_379 : i32 to vector<16xi32>
    %add3A_381 = arith.addi %get3A_378, %add3A_380 : vector<16xi32>
    %swap3A_382 = arith.constant 4 : i32
    %swap3A_383 = arith.index_cast %swap3A_382 : i32 to index
    %swap3A_384 = arith.constant 32 : index
    %swap3A_385 = tpu.vector_load %arg5[%swap3A_383, %swap3A_384] {strides = array<i32>} : memref<50x128xi32, #tpu.memory_space<vmem>>, vector<16xi32>,
    tpu.vector_store %arg5[%swap3A_383, %swap3A_384], %add3A_381 {strides = array<i32>} : memref<50x128xi32, #tpu.memory_space<vmem>>, vector<16xi32>,
    %get3A_386 = arith.constant 4 : i32
    %get3A_387 = arith.index_cast %get3A_386 : i32 to index
    %get3A_388 = arith.constant 48 : index
    %get3A_389 = tpu.vector_load %arg5[%get3A_387, %get3A_388] {strides = array<i32>} : memref<50x128xi32, #tpu.memory_space<vmem>>, vector<16xi32>,
    %add3A_390 = arith.constant 1 : i32
    %add3A_391 = vector.broadcast %add3A_390 : i32 to vector<16xi32>
    %add3A_392 = arith.addi %get3A_389, %add3A_391 : vector<16xi32>
    %swap3A_393 = arith.constant 4 : i32
    %swap3A_394 = arith.index_cast %swap3A_393 : i32 to index
    %swap3A_395 = arith.constant 48 : index
    %swap3A_396 = tpu.vector_load %arg5[%swap3A_394, %swap3A_395] {strides = array<i32>} : memref<50x128xi32, #tpu.memory_space<vmem>>, vector<16xi32>,
    tpu.vector_store %arg5[%swap3A_394, %swap3A_395], %add3A_392 {strides = array<i32>} : memref<50x128xi32, #tpu.memory_space<vmem>>, vector<16xi32>,
    %get3A_397 = arith.constant 4 : i32
    %get3A_398 = arith.index_cast %get3A_397 : i32 to index
    %get3A_399 = arith.constant 64 : index
    %get3A_400 = tpu.vector_load %arg5[%get3A_398, %get3A_399] {strides = array<i32>} : memref<50x128xi32, #tpu.memory_space<vmem>>, vector<16xi32>,
    %add3A_401 = arith.constant 1 : i32
    %add3A_402 = vector.broadcast %add3A_401 : i32 to vector<16xi32>
    %add3A_403 = arith.addi %get3A_400, %add3A_402 : vector<16xi32>
    %swap3A_404 = arith.constant 4 : i32
    %swap3A_405 = arith.index_cast %swap3A_404 : i32 to index
    %swap3A_406 = arith.constant 64 : index
    %swap3A_407 = tpu.vector_load %arg5[%swap3A_405, %swap3A_406] {strides = array<i32>} : memref<50x128xi32, #tpu.memory_space<vmem>>, vector<16xi32>,
    tpu.vector_store %arg5[%swap3A_405, %swap3A_406], %add3A_403 {strides = array<i32>} : memref<50x128xi32, #tpu.memory_space<vmem>>, vector<16xi32>,
    %get3A_408 = arith.constant 4 : i32
    %get3A_409 = arith.index_cast %get3A_408 : i32 to index
    %get3A_410 = arith.constant 80 : index
    %get3A_411 = tpu.vector_load %arg5[%get3A_409, %get3A_410] {strides = array<i32>} : memref<50x128xi32, #tpu.memory_space<vmem>>, vector<16xi32>,
    %add3A_412 = arith.constant 1 : i32
    %add3A_413 = vector.broadcast %add3A_412 : i32 to vector<16xi32>
    %add3A_414 = arith.addi %get3A_411, %add3A_413 : vector<16xi32>
    %swap3A_415 = arith.constant 4 : i32
    %swap3A_416 = arith.index_cast %swap3A_415 : i32 to index
    %swap3A_417 = arith.constant 80 : index
    %swap3A_418 = tpu.vector_load %arg5[%swap3A_416, %swap3A_417] {strides = array<i32>} : memref<50x128xi32, #tpu.memory_space<vmem>>, vector<16xi32>,
    tpu.vector_store %arg5[%swap3A_416, %swap3A_417], %add3A_414 {strides = array<i32>} : memref<50x128xi32, #tpu.memory_space<vmem>>, vector<16xi32>,
    %get3A_419 = arith.constant 4 : i32
    %get3A_420 = arith.index_cast %get3A_419 : i32 to index
    %get3A_421 = arith.constant 96 : index
    %get3A_422 = tpu.vector_load %arg5[%get3A_420, %get3A_421] {strides = array<i32>} : memref<50x128xi32, #tpu.memory_space<vmem>>, vector<16xi32>,
    %add3A_423 = arith.constant 1 : i32
    %add3A_424 = vector.broadcast %add3A_423 : i32 to vector<16xi32>
    %add3A_425 = arith.addi %get3A_422, %add3A_424 : vector<16xi32>
    %swap3A_426 = arith.constant 4 : i32
    %swap3A_427 = arith.index_cast %swap3A_426 : i32 to index
    %swap3A_428 = arith.constant 96 : index
    %swap3A_429 = tpu.vector_load %arg5[%swap3A_427, %swap3A_428] {strides = array<i32>} : memref<50x128xi32, #tpu.memory_space<vmem>>, vector<16xi32>,
    tpu.vector_store %arg5[%swap3A_427, %swap3A_428], %add3A_425 {strides = array<i32>} : memref<50x128xi32, #tpu.memory_space<vmem>>, vector<16xi32>,
    %get3A_430 = arith.constant 4 : i32
    %get3A_431 = arith.index_cast %get3A_430 : i32 to index
    %get3A_432 = arith.constant 112 : index
    %get3A_433 = tpu.vector_load %arg5[%get3A_431, %get3A_432] {strides = array<i32>} : memref<50x128xi32, #tpu.memory_space<vmem>>, vector<16xi32>,
    %add3A_434 = arith.constant 1 : i32
    %add3A_435 = vector.broadcast %add3A_434 : i32 to vector<16xi32>
    %add3A_436 = arith.addi %get3A_433, %add3A_435 : vector<16xi32>
    %swap3A_437 = arith.constant 4 : i32
    %swap3A_438 = arith.index_cast %swap3A_437 : i32 to index
    %swap3A_439 = arith.constant 112 : index
    %swap3A_440 = tpu.vector_load %arg5[%swap3A_438, %swap3A_439] {strides = array<i32>} : memref<50x128xi32, #tpu.memory_space<vmem>>, vector<16xi32>,
    tpu.vector_store %arg5[%swap3A_438, %swap3A_439], %add3A_436 {strides = array<i32>} : memref<50x128xi32, #tpu.memory_space<vmem>>, vector<16xi32>,
    %get3A_441 = arith.constant 5 : i32
    %get3A_442 = arith.index_cast %get3A_441 : i32 to index
    %get3A_443 = arith.constant 0 : index
    %get3A_444 = tpu.vector_load %arg5[%get3A_442, %get3A_443] {strides = array<i32>} : memref<50x128xi32, #tpu.memory_space<vmem>>, vector<16xi32>,
    %add3A_445 = arith.constant 1 : i32
    %add3A_446 = vector.broadcast %add3A_445 : i32 to vector<16xi32>
    %add3A_447 = arith.addi %get3A_444, %add3A_446 : vector<16xi32>
    %swap3A_448 = arith.constant 5 : i32
    %swap3A_449 = arith.index_cast %swap3A_448 : i32 to index
    %swap3A_450 = arith.constant 0 : index
    %swap3A_451 = tpu.vector_load %arg5[%swap3A_449, %swap3A_450] {strides = array<i32>} : memref<50x128xi32, #tpu.memory_space<vmem>>, vector<16xi32>,
    tpu.vector_store %arg5[%swap3A_449, %swap3A_450], %add3A_447 {strides = array<i32>} : memref<50x128xi32, #tpu.memory_space<vmem>>, vector<16xi32>,
    %get3A_452 = arith.constant 5 : i32
    %get3A_453 = arith.index_cast %get3A_452 : i32 to index
    %get3A_454 = arith.constant 16 : index
    %get3A_455 = tpu.vector_load %arg5[%get3A_453, %get3A_454] {strides = array<i32>} : memref<50x128xi32, #tpu.memory_space<vmem>>, vector<16xi32>,
    %add3A_456 = arith.constant 1 : i32
    %add3A_457 = vector.broadcast %add3A_456 : i32 to vector<16xi32>
    %add3A_458 = arith.addi %get3A_455, %add3A_457 : vector<16xi32>
    %swap3A_459 = arith.constant 5 : i32
    %swap3A_460 = arith.index_cast %swap3A_459 : i32 to index
    %swap3A_461 = arith.constant 16 : index
    %swap3A_462 = tpu.vector_load %arg5[%swap3A_460, %swap3A_461] {strides = array<i32>} : memref<50x128xi32, #tpu.memory_space<vmem>>, vector<16xi32>,
    tpu.vector_store %arg5[%swap3A_460, %swap3A_461], %add3A_458 {strides = array<i32>} : memref<50x128xi32, #tpu.memory_space<vmem>>, vector<16xi32>,
    %get3A_463 = arith.constant 5 : i32
    %get3A_464 = arith.index_cast %get3A_463 : i32 to index
    %get3A_465 = arith.constant 32 : index
    %get3A_466 = tpu.vector_load %arg5[%get3A_464, %get3A_465] {strides = array<i32>} : memref<50x128xi32, #tpu.memory_space<vmem>>, vector<16xi32>,
    %add3A_467 = arith.constant 1 : i32
    %add3A_468 = vector.broadcast %add3A_467 : i32 to vector<16xi32>
    %add3A_469 = arith.addi %get3A_466, %add3A_468 : vector<16xi32>
    %swap3A_470 = arith.constant 5 : i32
    %swap3A_471 = arith.index_cast %swap3A_470 : i32 to index
    %swap3A_472 = arith.constant 32 : index
    %swap3A_473 = tpu.vector_load %arg5[%swap3A_471, %swap3A_472] {strides = array<i32>} : memref<50x128xi32, #tpu.memory_space<vmem>>, vector<16xi32>,
    tpu.vector_store %arg5[%swap3A_471, %swap3A_472], %add3A_469 {strides = array<i32>} : memref<50x128xi32, #tpu.memory_space<vmem>>, vector<16xi32>,
    %get3A_474 = arith.constant 5 : i32
    %get3A_475 = arith.index_cast %get3A_474 : i32 to index
    %get3A_476 = arith.constant 48 : index
    %get3A_477 = tpu.vector_load %arg5[%get3A_475, %get3A_476] {strides = array<i32>} : memref<50x128xi32, #tpu.memory_space<vmem>>, vector<16xi32>,
    %add3A_478 = arith.constant 1 : i32
    %add3A_479 = vector.broadcast %add3A_478 : i32 to vector<16xi32>
    %add3A_480 = arith.addi %get3A_477, %add3A_479 : vector<16xi32>
    %swap3A_481 = arith.constant 5 : i32
    %swap3A_482 = arith.index_cast %swap3A_481 : i32 to index
    %swap3A_483 = arith.constant 48 : index
    %swap3A_484 = tpu.vector_load %arg5[%swap3A_482, %swap3A_483] {strides = array<i32>} : memref<50x128xi32, #tpu.memory_space<vmem>>, vector<16xi32>,
    tpu.vector_store %arg5[%swap3A_482, %swap3A_483], %add3A_480 {strides = array<i32>} : memref<50x128xi32, #tpu.memory_space<vmem>>, vector<16xi32>,
    %get3A_485 = arith.constant 5 : i32
    %get3A_486 = arith.index_cast %get3A_485 : i32 to index
    %get3A_487 = arith.constant 64 : index
    %get3A_488 = tpu.vector_load %arg5[%get3A_486, %get3A_487] {strides = array<i32>} : memref<50x128xi32, #tpu.memory_space<vmem>>, vector<16xi32>,
    %add3A_489 = arith.constant 1 : i32
    %add3A_490 = vector.broadcast %add3A_489 : i32 to vector<16xi32>
    %add3A_491 = arith.addi %get3A_488, %add3A_490 : vector<16xi32>
    %swap3A_492 = arith.constant 5 : i32
    %swap3A_493 = arith.index_cast %swap3A_492 : i32 to index
    %swap3A_494 = arith.constant 64 : index
    %swap3A_495 = tpu.vector_load %arg5[%swap3A_493, %swap3A_494] {strides = array<i32>} : memref<50x128xi32, #tpu.memory_space<vmem>>, vector<16xi32>,
    tpu.vector_store %arg5[%swap3A_493, %swap3A_494], %add3A_491 {strides = array<i32>} : memref<50x128xi32, #tpu.memory_space<vmem>>, vector<16xi32>,
    %get3A_496 = arith.constant 5 : i32
    %get3A_497 = arith.index_cast %get3A_496 : i32 to index
    %get3A_498 = arith.constant 80 : index
    %get3A_499 = tpu.vector_load %arg5[%get3A_497, %get3A_498] {strides = array<i32>} : memref<50x128xi32, #tpu.memory_space<vmem>>, vector<16xi32>,
    %add3A_500 = arith.constant 1 : i32
    %add3A_501 = vector.broadcast %add3A_500 : i32 to vector<16xi32>
    %add3A_502 = arith.addi %get3A_499, %add3A_501 : vector<16xi32>
    %swap3A_503 = arith.constant 5 : i32
    %swap3A_504 = arith.index_cast %swap3A_503 : i32 to index
    %swap3A_505 = arith.constant 80 : index
    %swap3A_506 = tpu.vector_load %arg5[%swap3A_504, %swap3A_505] {strides = array<i32>} : memref<50x128xi32, #tpu.memory_space<vmem>>, vector<16xi32>,
    tpu.vector_store %arg5[%swap3A_504, %swap3A_505], %add3A_502 {strides = array<i32>} : memref<50x128xi32, #tpu.memory_space<vmem>>, vector<16xi32>,
    %get3A_507 = arith.constant 5 : i32
    %get3A_508 = arith.index_cast %get3A_507 : i32 to index
    %get3A_509 = arith.constant 96 : index
    %get3A_510 = tpu.vector_load %arg5[%get3A_508, %get3A_509] {strides = array<i32>} : memref<50x128xi32, #tpu.memory_space<vmem>>, vector<16xi32>,
    %add3A_511 = arith.constant 1 : i32
    %add3A_512 = vector.broadcast %add3A_511 : i32 to vector<16xi32>
    %add3A_513 = arith.addi %get3A_510, %add3A_512 : vector<16xi32>
    %swap3A_514 = arith.constant 5 : i32
    %swap3A_515 = arith.index_cast %swap3A_514 : i32 to index
    %swap3A_516 = arith.constant 96 : index
    %swap3A_517 = tpu.vector_load %arg5[%swap3A_515, %swap3A_516] {strides = array<i32>} : memref<50x128xi32, #tpu.memory_space<vmem>>, vector<16xi32>,
    tpu.vector_store %arg5[%swap3A_515, %swap3A_516], %add3A_513 {strides = array<i32>} : memref<50x128xi32, #tpu.memory_space<vmem>>, vector<16xi32>,
    %get3A_518 = arith.constant 5 : i32
    %get3A_519 = arith.index_cast %get3A_518 : i32 to index
    %get3A_520 = arith.constant 112 : index
    %get3A_521 = tpu.vector_load %arg5[%get3A_519, %get3A_520] {strides = array<i32>} : memref<50x128xi32, #tpu.memory_space<vmem>>, vector<16xi32>,
    %add3A_522 = arith.constant 1 : i32
    %add3A_523 = vector.broadcast %add3A_522 : i32 to vector<16xi32>
    %add3A_524 = arith.addi %get3A_521, %add3A_523 : vector<16xi32>
    %swap3A_525 = arith.constant 5 : i32
    %swap3A_526 = arith.index_cast %swap3A_525 : i32 to index
    %swap3A_527 = arith.constant 112 : index
    %swap3A_528 = tpu.vector_load %arg5[%swap3A_526, %swap3A_527] {strides = array<i32>} : memref<50x128xi32, #tpu.memory_space<vmem>>, vector<16xi32>,
    tpu.vector_store %arg5[%swap3A_526, %swap3A_527], %add3A_524 {strides = array<i32>} : memref<50x128xi32, #tpu.memory_space<vmem>>, vector<16xi32>,
    %get3A_529 = arith.constant 6 : i32
    %get3A_530 = arith.index_cast %get3A_529 : i32 to index
    %get3A_531 = arith.constant 0 : index
    %get3A_532 = tpu.vector_load %arg5[%get3A_530, %get3A_531] {strides = array<i32>} : memref<50x128xi32, #tpu.memory_space<vmem>>, vector<16xi32>,
    %add3A_533 = arith.constant 1 : i32
    %add3A_534 = vector.broadcast %add3A_533 : i32 to vector<16xi32>
    %add3A_535 = arith.addi %get3A_532, %add3A_534 : vector<16xi32>
    %swap3A_536 = arith.constant 6 : i32
    %swap3A_537 = arith.index_cast %swap3A_536 : i32 to index
    %swap3A_538 = arith.constant 0 : index
    %swap3A_539 = tpu.vector_load %arg5[%swap3A_537, %swap3A_538] {strides = array<i32>} : memref<50x128xi32, #tpu.memory_space<vmem>>, vector<16xi32>,
    tpu.vector_store %arg5[%swap3A_537, %swap3A_538], %add3A_535 {strides = array<i32>} : memref<50x128xi32, #tpu.memory_space<vmem>>, vector<16xi32>,
    %get3A_540 = arith.constant 6 : i32
    %get3A_541 = arith.index_cast %get3A_540 : i32 to index
    %get3A_542 = arith.constant 16 : index
    %get3A_543 = tpu.vector_load %arg5[%get3A_541, %get3A_542] {strides = array<i32>} : memref<50x128xi32, #tpu.memory_space<vmem>>, vector<16xi32>,
    %add3A_544 = arith.constant 1 : i32
    %add3A_545 = vector.broadcast %add3A_544 : i32 to vector<16xi32>
    %add3A_546 = arith.addi %get3A_543, %add3A_545 : vector<16xi32>
    %swap3A_547 = arith.constant 6 : i32
    %swap3A_548 = arith.index_cast %swap3A_547 : i32 to index
    %swap3A_549 = arith.constant 16 : index
    %swap3A_550 = tpu.vector_load %arg5[%swap3A_548, %swap3A_549] {strides = array<i32>} : memref<50x128xi32, #tpu.memory_space<vmem>>, vector<16xi32>,
    tpu.vector_store %arg5[%swap3A_548, %swap3A_549], %add3A_546 {strides = array<i32>} : memref<50x128xi32, #tpu.memory_space<vmem>>, vector<16xi32>,
    %get3A_551 = arith.constant 6 : i32
    %get3A_552 = arith.index_cast %get3A_551 : i32 to index
    %get3A_553 = arith.constant 32 : index
    %get3A_554 = tpu.vector_load %arg5[%get3A_552, %get3A_553] {strides = array<i32>} : memref<50x128xi32, #tpu.memory_space<vmem>>, vector<16xi32>,
    %add3A_555 = arith.constant 1 : i32
    %add3A_556 = vector.broadcast %add3A_555 : i32 to vector<16xi32>
    %add3A_557 = arith.addi %get3A_554, %add3A_556 : vector<16xi32>
    %swap3A_558 = arith.constant 6 : i32
    %swap3A_559 = arith.index_cast %swap3A_558 : i32 to index
    %swap3A_560 = arith.constant 32 : index
    %swap3A_561 = tpu.vector_load %arg5[%swap3A_559, %swap3A_560] {strides = array<i32>} : memref<50x128xi32, #tpu.memory_space<vmem>>, vector<16xi32>,
    tpu.vector_store %arg5[%swap3A_559, %swap3A_560], %add3A_557 {strides = array<i32>} : memref<50x128xi32, #tpu.memory_space<vmem>>, vector<16xi32>,
    %get3A_562 = arith.constant 6 : i32
    %get3A_563 = arith.index_cast %get3A_562 : i32 to index
    %get3A_564 = arith.constant 48 : index
    %get3A_565 = tpu.vector_load %arg5[%get3A_563, %get3A_564] {strides = array<i32>} : memref<50x128xi32, #tpu.memory_space<vmem>>, vector<16xi32>,
    %add3A_566 = arith.constant 1 : i32
    %add3A_567 = vector.broadcast %add3A_566 : i32 to vector<16xi32>
    %add3A_568 = arith.addi %get3A_565, %add3A_567 : vector<16xi32>
    %swap3A_569 = arith.constant 6 : i32
    %swap3A_570 = arith.index_cast %swap3A_569 : i32 to index
    %swap3A_571 = arith.constant 48 : index
    %swap3A_572 = tpu.vector_load %arg5[%swap3A_570, %swap3A_571] {strides = array<i32>} : memref<50x128xi32, #tpu.memory_space<vmem>>, vector<16xi32>,
    tpu.vector_store %arg5[%swap3A_570, %swap3A_571], %add3A_568 {strides = array<i32>} : memref<50x128xi32, #tpu.memory_space<vmem>>, vector<16xi32>,
    %get3A_573 = arith.constant 6 : i32
    %get3A_574 = arith.index_cast %get3A_573 : i32 to index
    %get3A_575 = arith.constant 64 : index
    %get3A_576 = tpu.vector_load %arg5[%get3A_574, %get3A_575] {strides = array<i32>} : memref<50x128xi32, #tpu.memory_space<vmem>>, vector<16xi32>,
    %add3A_577 = arith.constant 1 : i32
    %add3A_578 = vector.broadcast %add3A_577 : i32 to vector<16xi32>
    %add3A_579 = arith.addi %get3A_576, %add3A_578 : vector<16xi32>
    %swap3A_580 = arith.constant 6 : i32
    %swap3A_581 = arith.index_cast %swap3A_580 : i32 to index
    %swap3A_582 = arith.constant 64 : index
    %swap3A_583 = tpu.vector_load %arg5[%swap3A_581, %swap3A_582] {strides = array<i32>} : memref<50x128xi32, #tpu.memory_space<vmem>>, vector<16xi32>,
    tpu.vector_store %arg5[%swap3A_581, %swap3A_582], %add3A_579 {strides = array<i32>} : memref<50x128xi32, #tpu.memory_space<vmem>>, vector<16xi32>,
    %get3A_584 = arith.constant 6 : i32
    %get3A_585 = arith.index_cast %get3A_584 : i32 to index
    %get3A_586 = arith.constant 80 : index
    %get3A_587 = tpu.vector_load %arg5[%get3A_585, %get3A_586] {strides = array<i32>} : memref<50x128xi32, #tpu.memory_space<vmem>>, vector<16xi32>,
    %add3A_588 = arith.constant 1 : i32
    %add3A_589 = vector.broadcast %add3A_588 : i32 to vector<16xi32>
    %add3A_590 = arith.addi %get3A_587, %add3A_589 : vector<16xi32>
    %swap3A_591 = arith.constant 6 : i32
    %swap3A_592 = arith.index_cast %swap3A_591 : i32 to index
    %swap3A_593 = arith.constant 80 : index
    %swap3A_594 = tpu.vector_load %arg5[%swap3A_592, %swap3A_593] {strides = array<i32>} : memref<50x128xi32, #tpu.memory_space<vmem>>, vector<16xi32>,
    tpu.vector_store %arg5[%swap3A_592, %swap3A_593], %add3A_590 {strides = array<i32>} : memref<50x128xi32, #tpu.memory_space<vmem>>, vector<16xi32>,
    %get3A_595 = arith.constant 6 : i32
    %get3A_596 = arith.index_cast %get3A_595 : i32 to index
    %get3A_597 = arith.constant 96 : index
    %get3A_598 = tpu.vector_load %arg5[%get3A_596, %get3A_597] {strides = array<i32>} : memref<50x128xi32, #tpu.memory_space<vmem>>, vector<16xi32>,
    %add3A_599 = arith.constant 1 : i32
    %add3A_600 = vector.broadcast %add3A_599 : i32 to vector<16xi32>
    %add3A_601 = arith.addi %get3A_598, %add3A_600 : vector<16xi32>
    %swap3A_602 = arith.constant 6 : i32
    %swap3A_603 = arith.index_cast %swap3A_602 : i32 to index
    %swap3A_604 = arith.constant 96 : index
    %swap3A_605 = tpu.vector_load %arg5[%swap3A_603, %swap3A_604] {strides = array<i32>} : memref<50x128xi32, #tpu.memory_space<vmem>>, vector<16xi32>,
    tpu.vector_store %arg5[%swap3A_603, %swap3A_604], %add3A_601 {strides = array<i32>} : memref<50x128xi32, #tpu.memory_space<vmem>>, vector<16xi32>,
    %get3A_606 = arith.constant 6 : i32
    %get3A_607 = arith.index_cast %get3A_606 : i32 to index
    %get3A_608 = arith.constant 112 : index
    %get3A_609 = tpu.vector_load %arg5[%get3A_607, %get3A_608] {strides = array<i32>} : memref<50x128xi32, #tpu.memory_space<vmem>>, vector<16xi32>,
    %add3A_610 = arith.constant 1 : i32
    %add3A_611 = vector.broadcast %add3A_610 : i32 to vector<16xi32>
    %add3A_612 = arith.addi %get3A_609, %add3A_611 : vector<16xi32>
    %swap3A_613 = arith.constant 6 : i32
    %swap3A_614 = arith.index_cast %swap3A_613 : i32 to index
    %swap3A_615 = arith.constant 112 : index
    %swap3A_616 = tpu.vector_load %arg5[%swap3A_614, %swap3A_615] {strides = array<i32>} : memref<50x128xi32, #tpu.memory_space<vmem>>, vector<16xi32>,
    tpu.vector_store %arg5[%swap3A_614, %swap3A_615], %add3A_612 {strides = array<i32>} : memref<50x128xi32, #tpu.memory_space<vmem>>, vector<16xi32>,
    %dma_start3A = arith.constant 0 : i32
    %dma_start3A_617 = arith.constant 0 : i32
    %dma_start3A_618 = tpu.memref_slice %arg5[%dma_start3A, %dma_start3A_617] : memref<50x128xi32, #tpu.memory_space<vmem>> -> memref<1x128xi32, #tpu.memory_space<vmem>>
    %dma_start3A_619 = tpu.memref_squeeze %dma_start3A_618 : memref<1x128xi32, #tpu.memory_space<vmem>> -> memref<128xi32, #tpu.memory_space<vmem>>
    %dma_start3A_620 = arith.constant 0 : i32
    %dma_start3A_621 = arith.constant 0 : i32
    %dma_start3A_622 = tpu.memref_slice %arg3[%dma_start3A_620, %dma_start3A_621] : memref<100001x128xf32, #tpu.memory_space<hbm>> -> memref<100001x128xf32, #tpu.memory_space<hbm>>
    tpu.enqueue_indirect_dma source(%dma_start3A_622 : memref<100001x128xf32, #tpu.memory_space<hbm>>) target(%arg6 : memref<128x128xf32, #tpu.memory_space<vmem>>) offsets(%dma_start3A_619 : memref<128xi32, #tpu.memory_space<vmem>>) semaphore(%arg13 : memref<!tpu.dma_semaphore, #tpu.memory_space<semaphore_mem>>)
    %dma_start3A_623 = arith.constant 1 : i32
    %dma_start3A_624 = arith.constant 0 : i32
    %dma_start3A_625 = tpu.memref_slice %arg5[%dma_start3A_623, %dma_start3A_624] : memref<50x128xi32, #tpu.memory_space<vmem>> -> memref<1x128xi32, #tpu.memory_space<vmem>>
    %dma_start3A_626 = tpu.memref_squeeze %dma_start3A_625 : memref<1x128xi32, #tpu.memory_space<vmem>> -> memref<128xi32, #tpu.memory_space<vmem>>
    %dma_start3A_627 = arith.constant 0 : i32
    %dma_start3A_628 = arith.constant 0 : i32
    %dma_start3A_629 = tpu.memref_slice %arg3[%dma_start3A_627, %dma_start3A_628] : memref<100001x128xf32, #tpu.memory_space<hbm>> -> memref<100001x128xf32, #tpu.memory_space<hbm>>
    tpu.enqueue_indirect_dma source(%dma_start3A_629 : memref<100001x128xf32, #tpu.memory_space<hbm>>) target(%arg7 : memref<128x128xf32, #tpu.memory_space<vmem>>) offsets(%dma_start3A_626 : memref<128xi32, #tpu.memory_space<vmem>>) semaphore(%arg14 : memref<!tpu.dma_semaphore, #tpu.memory_space<semaphore_mem>>)
    %dma_start3A_630 = arith.constant 2 : i32
    %dma_start3A_631 = arith.constant 0 : i32
    %dma_start3A_632 = tpu.memref_slice %arg5[%dma_start3A_630, %dma_start3A_631] : memref<50x128xi32, #tpu.memory_space<vmem>> -> memref<1x128xi32, #tpu.memory_space<vmem>>
    %dma_start3A_633 = tpu.memref_squeeze %dma_start3A_632 : memref<1x128xi32, #tpu.memory_space<vmem>> -> memref<128xi32, #tpu.memory_space<vmem>>
    %dma_start3A_634 = arith.constant 0 : i32
    %dma_start3A_635 = arith.constant 0 : i32
    %dma_start3A_636 = tpu.memref_slice %arg3[%dma_start3A_634, %dma_start3A_635] : memref<100001x128xf32, #tpu.memory_space<hbm>> -> memref<100001x128xf32, #tpu.memory_space<hbm>>
    tpu.enqueue_indirect_dma source(%dma_start3A_636 : memref<100001x128xf32, #tpu.memory_space<hbm>>) target(%arg8 : memref<128x128xf32, #tpu.memory_space<vmem>>) offsets(%dma_start3A_633 : memref<128xi32, #tpu.memory_space<vmem>>) semaphore(%arg15 : memref<!tpu.dma_semaphore, #tpu.memory_space<semaphore_mem>>)
    %dma_start3A_637 = arith.constant 3 : i32
    %dma_start3A_638 = arith.constant 0 : i32
    %dma_start3A_639 = tpu.memref_slice %arg5[%dma_start3A_637, %dma_start3A_638] : memref<50x128xi32, #tpu.memory_space<vmem>> -> memref<1x128xi32, #tpu.memory_space<vmem>>
    %dma_start3A_640 = tpu.memref_squeeze %dma_start3A_639 : memref<1x128xi32, #tpu.memory_space<vmem>> -> memref<128xi32, #tpu.memory_space<vmem>>
    %dma_start3A_641 = arith.constant 0 : i32
    %dma_start3A_642 = arith.constant 0 : i32
    %dma_start3A_643 = tpu.memref_slice %arg3[%dma_start3A_641, %dma_start3A_642] : memref<100001x128xf32, #tpu.memory_space<hbm>> -> memref<100001x128xf32, #tpu.memory_space<hbm>>
    tpu.enqueue_indirect_dma source(%dma_start3A_643 : memref<100001x128xf32, #tpu.memory_space<hbm>>) target(%arg9 : memref<128x128xf32, #tpu.memory_space<vmem>>) offsets(%dma_start3A_640 : memref<128xi32, #tpu.memory_space<vmem>>) semaphore(%arg16 : memref<!tpu.dma_semaphore, #tpu.memory_space<semaphore_mem>>)
    %dma_start3A_644 = arith.constant 4 : i32
    %dma_start3A_645 = arith.constant 0 : i32
    %dma_start3A_646 = tpu.memref_slice %arg5[%dma_start3A_644, %dma_start3A_645] : memref<50x128xi32, #tpu.memory_space<vmem>> -> memref<1x128xi32, #tpu.memory_space<vmem>>
    %dma_start3A_647 = tpu.memref_squeeze %dma_start3A_646 : memref<1x128xi32, #tpu.memory_space<vmem>> -> memref<128xi32, #tpu.memory_space<vmem>>
    %dma_start3A_648 = arith.constant 0 : i32
    %dma_start3A_649 = arith.constant 0 : i32
    %dma_start3A_650 = tpu.memref_slice %arg3[%dma_start3A_648, %dma_start3A_649] : memref<100001x128xf32, #tpu.memory_space<hbm>> -> memref<100001x128xf32, #tpu.memory_space<hbm>>
    tpu.enqueue_indirect_dma source(%dma_start3A_650 : memref<100001x128xf32, #tpu.memory_space<hbm>>) target(%arg10 : memref<128x128xf32, #tpu.memory_space<vmem>>) offsets(%dma_start3A_647 : memref<128xi32, #tpu.memory_space<vmem>>) semaphore(%arg17 : memref<!tpu.dma_semaphore, #tpu.memory_space<semaphore_mem>>)
    %dma_start3A_651 = arith.constant 5 : i32
    %dma_start3A_652 = arith.constant 0 : i32
    %dma_start3A_653 = tpu.memref_slice %arg5[%dma_start3A_651, %dma_start3A_652] : memref<50x128xi32, #tpu.memory_space<vmem>> -> memref<1x128xi32, #tpu.memory_space<vmem>>
    %dma_start3A_654 = tpu.memref_squeeze %dma_start3A_653 : memref<1x128xi32, #tpu.memory_space<vmem>> -> memref<128xi32, #tpu.memory_space<vmem>>
    %dma_start3A_655 = arith.constant 0 : i32
    %dma_start3A_656 = arith.constant 0 : i32
    %dma_start3A_657 = tpu.memref_slice %arg3[%dma_start3A_655, %dma_start3A_656] : memref<100001x128xf32, #tpu.memory_space<hbm>> -> memref<100001x128xf32, #tpu.memory_space<hbm>>
    tpu.enqueue_indirect_dma source(%dma_start3A_657 : memref<100001x128xf32, #tpu.memory_space<hbm>>) target(%arg11 : memref<128x128xf32, #tpu.memory_space<vmem>>) offsets(%dma_start3A_654 : memref<128xi32, #tpu.memory_space<vmem>>) semaphore(%arg18 : memref<!tpu.dma_semaphore, #tpu.memory_space<semaphore_mem>>)
    %dma_start3A_658 = arith.constant 6 : i32
    %dma_start3A_659 = arith.constant 0 : i32
    %dma_start3A_660 = tpu.memref_slice %arg5[%dma_start3A_658, %dma_start3A_659] : memref<50x128xi32, #tpu.memory_space<vmem>> -> memref<1x128xi32, #tpu.memory_space<vmem>>
    %dma_start3A_661 = tpu.memref_squeeze %dma_start3A_660 : memref<1x128xi32, #tpu.memory_space<vmem>> -> memref<128xi32, #tpu.memory_space<vmem>>
    %dma_start3A_662 = arith.constant 0 : i32
    %dma_start3A_663 = arith.constant 0 : i32
    %dma_start3A_664 = tpu.memref_slice %arg3[%dma_start3A_662, %dma_start3A_663] : memref<100001x128xf32, #tpu.memory_space<hbm>> -> memref<100001x128xf32, #tpu.memory_space<hbm>>
    tpu.enqueue_indirect_dma source(%dma_start3A_664 : memref<100001x128xf32, #tpu.memory_space<hbm>>) target(%arg12 : memref<128x128xf32, #tpu.memory_space<vmem>>) offsets(%dma_start3A_661 : memref<128xi32, #tpu.memory_space<vmem>>) semaphore(%arg19 : memref<!tpu.dma_semaphore, #tpu.memory_space<semaphore_mem>>)
    %scan3A = arith.constant 0 : i32
    %scan3A_665 = arith.constant 0 : i32
    %scan3A_666 = arith.constant 6 : i32
    %scan3A_667 = arith.addi %scan3A_665, %scan3A_666 : i32
    %scan3A_668 = arith.constant 1 : i32
    %scan3A_669 = scf.for %scan3A_941 = %scan3A_665 to %scan3A_667 step %scan3A_668 iter_args(%scan3A_942 = %scan3A) -> (i32)  : i32 {
      %add3A_943 = arith.constant 1 : i32
      %add3A_944 = arith.addi %scan3A_941, %add3A_943 : i32
      %mul3A_945 = arith.constant 7 : i32
      %mul3A_946 = arith.muli %add3A_944, %mul3A_945 : i32
      %add3A_947 = arith.constant 0 : i32
      %add3A_948 = arith.addi %mul3A_946, %add3A_947 : i32
      %get3A_949 = arith.index_cast %add3A_948 : i32 to index
      %get3A_950 = arith.constant 0 : index
      %get3A_951 = tpu.vector_load %arg5[%get3A_949, %get3A_950] {strides = array<i32>} : memref<50x128xi32, #tpu.memory_space<vmem>>, vector<16xi32>,
      %add3A_952 = arith.constant 1 : i32
      %add3A_953 = vector.broadcast %add3A_952 : i32 to vector<16xi32>
      %add3A_954 = arith.addi %get3A_951, %add3A_953 : vector<16xi32>
      %swap3A_955 = arith.index_cast %add3A_948 : i32 to index
      %swap3A_956 = arith.constant 0 : index
      %swap3A_957 = tpu.vector_load %arg5[%swap3A_955, %swap3A_956] {strides = array<i32>} : memref<50x128xi32, #tpu.memory_space<vmem>>, vector<16xi32>,
      tpu.vector_store %arg5[%swap3A_955, %swap3A_956], %add3A_954 {strides = array<i32>} : memref<50x128xi32, #tpu.memory_space<vmem>>, vector<16xi32>,
      %get3A_958 = arith.index_cast %add3A_948 : i32 to index
      %get3A_959 = arith.constant 16 : index
      %get3A_960 = tpu.vector_load %arg5[%get3A_958, %get3A_959] {strides = array<i32>} : memref<50x128xi32, #tpu.memory_space<vmem>>, vector<16xi32>,
      %add3A_961 = arith.constant 1 : i32
      %add3A_962 = vector.broadcast %add3A_961 : i32 to vector<16xi32>
      %add3A_963 = arith.addi %get3A_960, %add3A_962 : vector<16xi32>
      %swap3A_964 = arith.index_cast %add3A_948 : i32 to index
      %swap3A_965 = arith.constant 16 : index
      %swap3A_966 = tpu.vector_load %arg5[%swap3A_964, %swap3A_965] {strides = array<i32>} : memref<50x128xi32, #tpu.memory_space<vmem>>, vector<16xi32>,
      tpu.vector_store %arg5[%swap3A_964, %swap3A_965], %add3A_963 {strides = array<i32>} : memref<50x128xi32, #tpu.memory_space<vmem>>, vector<16xi32>,
      %get3A_967 = arith.index_cast %add3A_948 : i32 to index
      %get3A_968 = arith.constant 32 : index
      %get3A_969 = tpu.vector_load %arg5[%get3A_967, %get3A_968] {strides = array<i32>} : memref<50x128xi32, #tpu.memory_space<vmem>>, vector<16xi32>,
      %add3A_970 = arith.constant 1 : i32
      %add3A_971 = vector.broadcast %add3A_970 : i32 to vector<16xi32>
      %add3A_972 = arith.addi %get3A_969, %add3A_971 : vector<16xi32>
      %swap3A_973 = arith.index_cast %add3A_948 : i32 to index
      %swap3A_974 = arith.constant 32 : index
      %swap3A_975 = tpu.vector_load %arg5[%swap3A_973, %swap3A_974] {strides = array<i32>} : memref<50x128xi32, #tpu.memory_space<vmem>>, vector<16xi32>,
      tpu.vector_store %arg5[%swap3A_973, %swap3A_974], %add3A_972 {strides = array<i32>} : memref<50x128xi32, #tpu.memory_space<vmem>>, vector<16xi32>,
      %get3A_976 = arith.index_cast %add3A_948 : i32 to index
      %get3A_977 = arith.constant 48 : index
      %get3A_978 = tpu.vector_load %arg5[%get3A_976, %get3A_977] {strides = array<i32>} : memref<50x128xi32, #tpu.memory_space<vmem>>, vector<16xi32>,
      %add3A_979 = arith.constant 1 : i32
      %add3A_980 = vector.broadcast %add3A_979 : i32 to vector<16xi32>
      %add3A_981 = arith.addi %get3A_978, %add3A_980 : vector<16xi32>
      %swap3A_982 = arith.index_cast %add3A_948 : i32 to index
      %swap3A_983 = arith.constant 48 : index
      %swap3A_984 = tpu.vector_load %arg5[%swap3A_982, %swap3A_983] {strides = array<i32>} : memref<50x128xi32, #tpu.memory_space<vmem>>, vector<16xi32>,
      tpu.vector_store %arg5[%swap3A_982, %swap3A_983], %add3A_981 {strides = array<i32>} : memref<50x128xi32, #tpu.memory_space<vmem>>, vector<16xi32>,
      %get3A_985 = arith.index_cast %add3A_948 : i32 to index
      %get3A_986 = arith.constant 64 : index
      %get3A_987 = tpu.vector_load %arg5[%get3A_985, %get3A_986] {strides = array<i32>} : memref<50x128xi32, #tpu.memory_space<vmem>>, vector<16xi32>,
      %add3A_988 = arith.constant 1 : i32
      %add3A_989 = vector.broadcast %add3A_988 : i32 to vector<16xi32>
      %add3A_990 = arith.addi %get3A_987, %add3A_989 : vector<16xi32>
      %swap3A_991 = arith.index_cast %add3A_948 : i32 to index
      %swap3A_992 = arith.constant 64 : index
      %swap3A_993 = tpu.vector_load %arg5[%swap3A_991, %swap3A_992] {strides = array<i32>} : memref<50x128xi32, #tpu.memory_space<vmem>>, vector<16xi32>,
      tpu.vector_store %arg5[%swap3A_991, %swap3A_992], %add3A_990 {strides = array<i32>} : memref<50x128xi32, #tpu.memory_space<vmem>>, vector<16xi32>,
      %get3A_994 = arith.index_cast %add3A_948 : i32 to index
      %get3A_995 = arith.constant 80 : index
      %get3A_996 = tpu.vector_load %arg5[%get3A_994, %get3A_995] {strides = array<i32>} : memref<50x128xi32, #tpu.memory_space<vmem>>, vector<16xi32>,
      %add3A_997 = arith.constant 1 : i32
      %add3A_998 = vector.broadcast %add3A_997 : i32 to vector<16xi32>
      %add3A_999 = arith.addi %get3A_996, %add3A_998 : vector<16xi32>
      %swap3A_1000 = arith.index_cast %add3A_948 : i32 to index
      %swap3A_1001 = arith.constant 80 : index
      %swap3A_1002 = tpu.vector_load %arg5[%swap3A_1000, %swap3A_1001] {strides = array<i32>} : memref<50x128xi32, #tpu.memory_space<vmem>>, vector<16xi32>,
      tpu.vector_store %arg5[%swap3A_1000, %swap3A_1001], %add3A_999 {strides = array<i32>} : memref<50x128xi32, #tpu.memory_space<vmem>>, vector<16xi32>,
      %get3A_1003 = arith.index_cast %add3A_948 : i32 to index
      %get3A_1004 = arith.constant 96 : index
      %get3A_1005 = tpu.vector_load %arg5[%get3A_1003, %get3A_1004] {strides = array<i32>} : memref<50x128xi32, #tpu.memory_space<vmem>>, vector<16xi32>,
      %add3A_1006 = arith.constant 1 : i32
      %add3A_1007 = vector.broadcast %add3A_1006 : i32 to vector<16xi32>
      %add3A_1008 = arith.addi %get3A_1005, %add3A_1007 : vector<16xi32>
      %swap3A_1009 = arith.index_cast %add3A_948 : i32 to index
      %swap3A_1010 = arith.constant 96 : index
      %swap3A_1011 = tpu.vector_load %arg5[%swap3A_1009, %swap3A_1010] {strides = array<i32>} : memref<50x128xi32, #tpu.memory_space<vmem>>, vector<16xi32>,
      tpu.vector_store %arg5[%swap3A_1009, %swap3A_1010], %add3A_1008 {strides = array<i32>} : memref<50x128xi32, #tpu.memory_space<vmem>>, vector<16xi32>,
      %get3A_1012 = arith.index_cast %add3A_948 : i32 to index
      %get3A_1013 = arith.constant 112 : index
      %get3A_1014 = tpu.vector_load %arg5[%get3A_1012, %get3A_1013] {strides = array<i32>} : memref<50x128xi32, #tpu.memory_space<vmem>>, vector<16xi32>,
      %add3A_1015 = arith.constant 1 : i32
      %add3A_1016 = vector.broadcast %add3A_1015 : i32 to vector<16xi32>
      %add3A_1017 = arith.addi %get3A_1014, %add3A_1016 : vector<16xi32>
      %swap3A_1018 = arith.index_cast %add3A_948 : i32 to index
      %swap3A_1019 = arith.constant 112 : index
      %swap3A_1020 = tpu.vector_load %arg5[%swap3A_1018, %swap3A_1019] {strides = array<i32>} : memref<50x128xi32, #tpu.memory_space<vmem>>, vector<16xi32>,
      tpu.vector_store %arg5[%swap3A_1018, %swap3A_1019], %add3A_1017 {strides = array<i32>} : memref<50x128xi32, #tpu.memory_space<vmem>>, vector<16xi32>,
      %add3A_1021 = arith.constant 1 : i32
      %add3A_1022 = arith.addi %scan3A_941, %add3A_1021 : i32
      %mul3A_1023 = arith.constant 7 : i32
      %mul3A_1024 = arith.muli %add3A_1022, %mul3A_1023 : i32
      %add3A_1025 = arith.constant 1 : i32
      %add3A_1026 = arith.addi %mul3A_1024, %add3A_1025 : i32
      %get3A_1027 = arith.index_cast %add3A_1026 : i32 to index
      %get3A_1028 = arith.constant 0 : index
      %get3A_1029 = tpu.vector_load %arg5[%get3A_1027, %get3A_1028] {strides = array<i32>} : memref<50x128xi32, #tpu.memory_space<vmem>>, vector<16xi32>,
      %add3A_1030 = arith.constant 1 : i32
      %add3A_1031 = vector.broadcast %add3A_1030 : i32 to vector<16xi32>
      %add3A_1032 = arith.addi %get3A_1029, %add3A_1031 : vector<16xi32>
      %swap3A_1033 = arith.index_cast %add3A_1026 : i32 to index
      %swap3A_1034 = arith.constant 0 : index
      %swap3A_1035 = tpu.vector_load %arg5[%swap3A_1033, %swap3A_1034] {strides = array<i32>} : memref<50x128xi32, #tpu.memory_space<vmem>>, vector<16xi32>,
      tpu.vector_store %arg5[%swap3A_1033, %swap3A_1034], %add3A_1032 {strides = array<i32>} : memref<50x128xi32, #tpu.memory_space<vmem>>, vector<16xi32>,
      %get3A_1036 = arith.index_cast %add3A_1026 : i32 to index
      %get3A_1037 = arith.constant 16 : index
      %get3A_1038 = tpu.vector_load %arg5[%get3A_1036, %get3A_1037] {strides = array<i32>} : memref<50x128xi32, #tpu.memory_space<vmem>>, vector<16xi32>,
      %add3A_1039 = arith.constant 1 : i32
      %add3A_1040 = vector.broadcast %add3A_1039 : i32 to vector<16xi32>
      %add3A_1041 = arith.addi %get3A_1038, %add3A_1040 : vector<16xi32>
      %swap3A_1042 = arith.index_cast %add3A_1026 : i32 to index
      %swap3A_1043 = arith.constant 16 : index
      %swap3A_1044 = tpu.vector_load %arg5[%swap3A_1042, %swap3A_1043] {strides = array<i32>} : memref<50x128xi32, #tpu.memory_space<vmem>>, vector<16xi32>,
      tpu.vector_store %arg5[%swap3A_1042, %swap3A_1043], %add3A_1041 {strides = array<i32>} : memref<50x128xi32, #tpu.memory_space<vmem>>, vector<16xi32>,
      %get3A_1045 = arith.index_cast %add3A_1026 : i32 to index
      %get3A_1046 = arith.constant 32 : index
      %get3A_1047 = tpu.vector_load %arg5[%get3A_1045, %get3A_1046] {strides = array<i32>} : memref<50x128xi32, #tpu.memory_space<vmem>>, vector<16xi32>,
      %add3A_1048 = arith.constant 1 : i32
      %add3A_1049 = vector.broadcast %add3A_1048 : i32 to vector<16xi32>
      %add3A_1050 = arith.addi %get3A_1047, %add3A_1049 : vector<16xi32>
      %swap3A_1051 = arith.index_cast %add3A_1026 : i32 to index
      %swap3A_1052 = arith.constant 32 : index
      %swap3A_1053 = tpu.vector_load %arg5[%swap3A_1051, %swap3A_1052] {strides = array<i32>} : memref<50x128xi32, #tpu.memory_space<vmem>>, vector<16xi32>,
      tpu.vector_store %arg5[%swap3A_1051, %swap3A_1052], %add3A_1050 {strides = array<i32>} : memref<50x128xi32, #tpu.memory_space<vmem>>, vector<16xi32>,
      %get3A_1054 = arith.index_cast %add3A_1026 : i32 to index
      %get3A_1055 = arith.constant 48 : index
      %get3A_1056 = tpu.vector_load %arg5[%get3A_1054, %get3A_1055] {strides = array<i32>} : memref<50x128xi32, #tpu.memory_space<vmem>>, vector<16xi32>,
      %add3A_1057 = arith.constant 1 : i32
      %add3A_1058 = vector.broadcast %add3A_1057 : i32 to vector<16xi32>
      %add3A_1059 = arith.addi %get3A_1056, %add3A_1058 : vector<16xi32>
      %swap3A_1060 = arith.index_cast %add3A_1026 : i32 to index
      %swap3A_1061 = arith.constant 48 : index
      %swap3A_1062 = tpu.vector_load %arg5[%swap3A_1060, %swap3A_1061] {strides = array<i32>} : memref<50x128xi32, #tpu.memory_space<vmem>>, vector<16xi32>,
      tpu.vector_store %arg5[%swap3A_1060, %swap3A_1061], %add3A_1059 {strides = array<i32>} : memref<50x128xi32, #tpu.memory_space<vmem>>, vector<16xi32>,
      %get3A_1063 = arith.index_cast %add3A_1026 : i32 to index
      %get3A_1064 = arith.constant 64 : index
      %get3A_1065 = tpu.vector_load %arg5[%get3A_1063, %get3A_1064] {strides = array<i32>} : memref<50x128xi32, #tpu.memory_space<vmem>>, vector<16xi32>,
      %add3A_1066 = arith.constant 1 : i32
      %add3A_1067 = vector.broadcast %add3A_1066 : i32 to vector<16xi32>
      %add3A_1068 = arith.addi %get3A_1065, %add3A_1067 : vector<16xi32>
      %swap3A_1069 = arith.index_cast %add3A_1026 : i32 to index
      %swap3A_1070 = arith.constant 64 : index
      %swap3A_1071 = tpu.vector_load %arg5[%swap3A_1069, %swap3A_1070] {strides = array<i32>} : memref<50x128xi32, #tpu.memory_space<vmem>>, vector<16xi32>,
      tpu.vector_store %arg5[%swap3A_1069, %swap3A_1070], %add3A_1068 {strides = array<i32>} : memref<50x128xi32, #tpu.memory_space<vmem>>, vector<16xi32>,
      %get3A_1072 = arith.index_cast %add3A_1026 : i32 to index
      %get3A_1073 = arith.constant 80 : index
      %get3A_1074 = tpu.vector_load %arg5[%get3A_1072, %get3A_1073] {strides = array<i32>} : memref<50x128xi32, #tpu.memory_space<vmem>>, vector<16xi32>,
      %add3A_1075 = arith.constant 1 : i32
      %add3A_1076 = vector.broadcast %add3A_1075 : i32 to vector<16xi32>
      %add3A_1077 = arith.addi %get3A_1074, %add3A_1076 : vector<16xi32>
      %swap3A_1078 = arith.index_cast %add3A_1026 : i32 to index
      %swap3A_1079 = arith.constant 80 : index
      %swap3A_1080 = tpu.vector_load %arg5[%swap3A_1078, %swap3A_1079] {strides = array<i32>} : memref<50x128xi32, #tpu.memory_space<vmem>>, vector<16xi32>,
      tpu.vector_store %arg5[%swap3A_1078, %swap3A_1079], %add3A_1077 {strides = array<i32>} : memref<50x128xi32, #tpu.memory_space<vmem>>, vector<16xi32>,
      %get3A_1081 = arith.index_cast %add3A_1026 : i32 to index
      %get3A_1082 = arith.constant 96 : index
      %get3A_1083 = tpu.vector_load %arg5[%get3A_1081, %get3A_1082] {strides = array<i32>} : memref<50x128xi32, #tpu.memory_space<vmem>>, vector<16xi32>,
      %add3A_1084 = arith.constant 1 : i32
      %add3A_1085 = vector.broadcast %add3A_1084 : i32 to vector<16xi32>
      %add3A_1086 = arith.addi %get3A_1083, %add3A_1085 : vector<16xi32>
      %swap3A_1087 = arith.index_cast %add3A_1026 : i32 to index
      %swap3A_1088 = arith.constant 96 : index
      %swap3A_1089 = tpu.vector_load %arg5[%swap3A_1087, %swap3A_1088] {strides = array<i32>} : memref<50x128xi32, #tpu.memory_space<vmem>>, vector<16xi32>,
      tpu.vector_store %arg5[%swap3A_1087, %swap3A_1088], %add3A_1086 {strides = array<i32>} : memref<50x128xi32, #tpu.memory_space<vmem>>, vector<16xi32>,
      %get3A_1090 = arith.index_cast %add3A_1026 : i32 to index
      %get3A_1091 = arith.constant 112 : index
      %get3A_1092 = tpu.vector_load %arg5[%get3A_1090, %get3A_1091] {strides = array<i32>} : memref<50x128xi32, #tpu.memory_space<vmem>>, vector<16xi32>,
      %add3A_1093 = arith.constant 1 : i32
      %add3A_1094 = vector.broadcast %add3A_1093 : i32 to vector<16xi32>
      %add3A_1095 = arith.addi %get3A_1092, %add3A_1094 : vector<16xi32>
      %swap3A_1096 = arith.index_cast %add3A_1026 : i32 to index
      %swap3A_1097 = arith.constant 112 : index
      %swap3A_1098 = tpu.vector_load %arg5[%swap3A_1096, %swap3A_1097] {strides = array<i32>} : memref<50x128xi32, #tpu.memory_space<vmem>>, vector<16xi32>,
      tpu.vector_store %arg5[%swap3A_1096, %swap3A_1097], %add3A_1095 {strides = array<i32>} : memref<50x128xi32, #tpu.memory_space<vmem>>, vector<16xi32>,
      %add3A_1099 = arith.constant 1 : i32
      %add3A_1100 = arith.addi %scan3A_941, %add3A_1099 : i32
      %mul3A_1101 = arith.constant 7 : i32
      %mul3A_1102 = arith.muli %add3A_1100, %mul3A_1101 : i32
      %add3A_1103 = arith.constant 2 : i32
      %add3A_1104 = arith.addi %mul3A_1102, %add3A_1103 : i32
      %get3A_1105 = arith.index_cast %add3A_1104 : i32 to index
      %get3A_1106 = arith.constant 0 : index
      %get3A_1107 = tpu.vector_load %arg5[%get3A_1105, %get3A_1106] {strides = array<i32>} : memref<50x128xi32, #tpu.memory_space<vmem>>, vector<16xi32>,
      %add3A_1108 = arith.constant 1 : i32
      %add3A_1109 = vector.broadcast %add3A_1108 : i32 to vector<16xi32>
      %add3A_1110 = arith.addi %get3A_1107, %add3A_1109 : vector<16xi32>
      %swap3A_1111 = arith.index_cast %add3A_1104 : i32 to index
      %swap3A_1112 = arith.constant 0 : index
      %swap3A_1113 = tpu.vector_load %arg5[%swap3A_1111, %swap3A_1112] {strides = array<i32>} : memref<50x128xi32, #tpu.memory_space<vmem>>, vector<16xi32>,
      tpu.vector_store %arg5[%swap3A_1111, %swap3A_1112], %add3A_1110 {strides = array<i32>} : memref<50x128xi32, #tpu.memory_space<vmem>>, vector<16xi32>,
      %get3A_1114 = arith.index_cast %add3A_1104 : i32 to index
      %get3A_1115 = arith.constant 16 : index
      %get3A_1116 = tpu.vector_load %arg5[%get3A_1114, %get3A_1115] {strides = array<i32>} : memref<50x128xi32, #tpu.memory_space<vmem>>, vector<16xi32>,
      %add3A_1117 = arith.constant 1 : i32
      %add3A_1118 = vector.broadcast %add3A_1117 : i32 to vector<16xi32>
      %add3A_1119 = arith.addi %get3A_1116, %add3A_1118 : vector<16xi32>
      %swap3A_1120 = arith.index_cast %add3A_1104 : i32 to index
      %swap3A_1121 = arith.constant 16 : index
      %swap3A_1122 = tpu.vector_load %arg5[%swap3A_1120, %swap3A_1121] {strides = array<i32>} : memref<50x128xi32, #tpu.memory_space<vmem>>, vector<16xi32>,
      tpu.vector_store %arg5[%swap3A_1120, %swap3A_1121], %add3A_1119 {strides = array<i32>} : memref<50x128xi32, #tpu.memory_space<vmem>>, vector<16xi32>,
      %get3A_1123 = arith.index_cast %add3A_1104 : i32 to index
      %get3A_1124 = arith.constant 32 : index
      %get3A_1125 = tpu.vector_load %arg5[%get3A_1123, %get3A_1124] {strides = array<i32>} : memref<50x128xi32, #tpu.memory_space<vmem>>, vector<16xi32>,
      %add3A_1126 = arith.constant 1 : i32
      %add3A_1127 = vector.broadcast %add3A_1126 : i32 to vector<16xi32>
      %add3A_1128 = arith.addi %get3A_1125, %add3A_1127 : vector<16xi32>
      %swap3A_1129 = arith.index_cast %add3A_1104 : i32 to index
      %swap3A_1130 = arith.constant 32 : index
      %swap3A_1131 = tpu.vector_load %arg5[%swap3A_1129, %swap3A_1130] {strides = array<i32>} : memref<50x128xi32, #tpu.memory_space<vmem>>, vector<16xi32>,
      tpu.vector_store %arg5[%swap3A_1129, %swap3A_1130], %add3A_1128 {strides = array<i32>} : memref<50x128xi32, #tpu.memory_space<vmem>>, vector<16xi32>,
      %get3A_1132 = arith.index_cast %add3A_1104 : i32 to index
      %get3A_1133 = arith.constant 48 : index
      %get3A_1134 = tpu.vector_load %arg5[%get3A_1132, %get3A_1133] {strides = array<i32>} : memref<50x128xi32, #tpu.memory_space<vmem>>, vector<16xi32>,
      %add3A_1135 = arith.constant 1 : i32
      %add3A_1136 = vector.broadcast %add3A_1135 : i32 to vector<16xi32>
      %add3A_1137 = arith.addi %get3A_1134, %add3A_1136 : vector<16xi32>
      %swap3A_1138 = arith.index_cast %add3A_1104 : i32 to index
      %swap3A_1139 = arith.constant 48 : index
      %swap3A_1140 = tpu.vector_load %arg5[%swap3A_1138, %swap3A_1139] {strides = array<i32>} : memref<50x128xi32, #tpu.memory_space<vmem>>, vector<16xi32>,
      tpu.vector_store %arg5[%swap3A_1138, %swap3A_1139], %add3A_1137 {strides = array<i32>} : memref<50x128xi32, #tpu.memory_space<vmem>>, vector<16xi32>,
      %get3A_1141 = arith.index_cast %add3A_1104 : i32 to index
      %get3A_1142 = arith.constant 64 : index
      %get3A_1143 = tpu.vector_load %arg5[%get3A_1141, %get3A_1142] {strides = array<i32>} : memref<50x128xi32, #tpu.memory_space<vmem>>, vector<16xi32>,
      %add3A_1144 = arith.constant 1 : i32
      %add3A_1145 = vector.broadcast %add3A_1144 : i32 to vector<16xi32>
      %add3A_1146 = arith.addi %get3A_1143, %add3A_1145 : vector<16xi32>
      %swap3A_1147 = arith.index_cast %add3A_1104 : i32 to index
      %swap3A_1148 = arith.constant 64 : index
      %swap3A_1149 = tpu.vector_load %arg5[%swap3A_1147, %swap3A_1148] {strides = array<i32>} : memref<50x128xi32, #tpu.memory_space<vmem>>, vector<16xi32>,
      tpu.vector_store %arg5[%swap3A_1147, %swap3A_1148], %add3A_1146 {strides = array<i32>} : memref<50x128xi32, #tpu.memory_space<vmem>>, vector<16xi32>,
      %get3A_1150 = arith.index_cast %add3A_1104 : i32 to index
      %get3A_1151 = arith.constant 80 : index
      %get3A_1152 = tpu.vector_load %arg5[%get3A_1150, %get3A_1151] {strides = array<i32>} : memref<50x128xi32, #tpu.memory_space<vmem>>, vector<16xi32>,
      %add3A_1153 = arith.constant 1 : i32
      %add3A_1154 = vector.broadcast %add3A_1153 : i32 to vector<16xi32>
      %add3A_1155 = arith.addi %get3A_1152, %add3A_1154 : vector<16xi32>
      %swap3A_1156 = arith.index_cast %add3A_1104 : i32 to index
      %swap3A_1157 = arith.constant 80 : index
      %swap3A_1158 = tpu.vector_load %arg5[%swap3A_1156, %swap3A_1157] {strides = array<i32>} : memref<50x128xi32, #tpu.memory_space<vmem>>, vector<16xi32>,
      tpu.vector_store %arg5[%swap3A_1156, %swap3A_1157], %add3A_1155 {strides = array<i32>} : memref<50x128xi32, #tpu.memory_space<vmem>>, vector<16xi32>,
      %get3A_1159 = arith.index_cast %add3A_1104 : i32 to index
      %get3A_1160 = arith.constant 96 : index
      %get3A_1161 = tpu.vector_load %arg5[%get3A_1159, %get3A_1160] {strides = array<i32>} : memref<50x128xi32, #tpu.memory_space<vmem>>, vector<16xi32>,
      %add3A_1162 = arith.constant 1 : i32
      %add3A_1163 = vector.broadcast %add3A_1162 : i32 to vector<16xi32>
      %add3A_1164 = arith.addi %get3A_1161, %add3A_1163 : vector<16xi32>
      %swap3A_1165 = arith.index_cast %add3A_1104 : i32 to index
      %swap3A_1166 = arith.constant 96 : index
      %swap3A_1167 = tpu.vector_load %arg5[%swap3A_1165, %swap3A_1166] {strides = array<i32>} : memref<50x128xi32, #tpu.memory_space<vmem>>, vector<16xi32>,
      tpu.vector_store %arg5[%swap3A_1165, %swap3A_1166], %add3A_1164 {strides = array<i32>} : memref<50x128xi32, #tpu.memory_space<vmem>>, vector<16xi32>,
      %get3A_1168 = arith.index_cast %add3A_1104 : i32 to index
      %get3A_1169 = arith.constant 112 : index
      %get3A_1170 = tpu.vector_load %arg5[%get3A_1168, %get3A_1169] {strides = array<i32>} : memref<50x128xi32, #tpu.memory_space<vmem>>, vector<16xi32>,
      %add3A_1171 = arith.constant 1 : i32
      %add3A_1172 = vector.broadcast %add3A_1171 : i32 to vector<16xi32>
      %add3A_1173 = arith.addi %get3A_1170, %add3A_1172 : vector<16xi32>
      %swap3A_1174 = arith.index_cast %add3A_1104 : i32 to index
      %swap3A_1175 = arith.constant 112 : index
      %swap3A_1176 = tpu.vector_load %arg5[%swap3A_1174, %swap3A_1175] {strides = array<i32>} : memref<50x128xi32, #tpu.memory_space<vmem>>, vector<16xi32>,
      tpu.vector_store %arg5[%swap3A_1174, %swap3A_1175], %add3A_1173 {strides = array<i32>} : memref<50x128xi32, #tpu.memory_space<vmem>>, vector<16xi32>,
      %add3A_1177 = arith.constant 1 : i32
      %add3A_1178 = arith.addi %scan3A_941, %add3A_1177 : i32
      %mul3A_1179 = arith.constant 7 : i32
      %mul3A_1180 = arith.muli %add3A_1178, %mul3A_1179 : i32
      %add3A_1181 = arith.constant 3 : i32
      %add3A_1182 = arith.addi %mul3A_1180, %add3A_1181 : i32
      %get3A_1183 = arith.index_cast %add3A_1182 : i32 to index
      %get3A_1184 = arith.constant 0 : index
      %get3A_1185 = tpu.vector_load %arg5[%get3A_1183, %get3A_1184] {strides = array<i32>} : memref<50x128xi32, #tpu.memory_space<vmem>>, vector<16xi32>,
      %add3A_1186 = arith.constant 1 : i32
      %add3A_1187 = vector.broadcast %add3A_1186 : i32 to vector<16xi32>
      %add3A_1188 = arith.addi %get3A_1185, %add3A_1187 : vector<16xi32>
      %swap3A_1189 = arith.index_cast %add3A_1182 : i32 to index
      %swap3A_1190 = arith.constant 0 : index
      %swap3A_1191 = tpu.vector_load %arg5[%swap3A_1189, %swap3A_1190] {strides = array<i32>} : memref<50x128xi32, #tpu.memory_space<vmem>>, vector<16xi32>,
      tpu.vector_store %arg5[%swap3A_1189, %swap3A_1190], %add3A_1188 {strides = array<i32>} : memref<50x128xi32, #tpu.memory_space<vmem>>, vector<16xi32>,
      %get3A_1192 = arith.index_cast %add3A_1182 : i32 to index
      %get3A_1193 = arith.constant 16 : index
      %get3A_1194 = tpu.vector_load %arg5[%get3A_1192, %get3A_1193] {strides = array<i32>} : memref<50x128xi32, #tpu.memory_space<vmem>>, vector<16xi32>,
      %add3A_1195 = arith.constant 1 : i32
      %add3A_1196 = vector.broadcast %add3A_1195 : i32 to vector<16xi32>
      %add3A_1197 = arith.addi %get3A_1194, %add3A_1196 : vector<16xi32>
      %swap3A_1198 = arith.index_cast %add3A_1182 : i32 to index
      %swap3A_1199 = arith.constant 16 : index
      %swap3A_1200 = tpu.vector_load %arg5[%swap3A_1198, %swap3A_1199] {strides = array<i32>} : memref<50x128xi32, #tpu.memory_space<vmem>>, vector<16xi32>,
      tpu.vector_store %arg5[%swap3A_1198, %swap3A_1199], %add3A_1197 {strides = array<i32>} : memref<50x128xi32, #tpu.memory_space<vmem>>, vector<16xi32>,
      %get3A_1201 = arith.index_cast %add3A_1182 : i32 to index
      %get3A_1202 = arith.constant 32 : index
      %get3A_1203 = tpu.vector_load %arg5[%get3A_1201, %get3A_1202] {strides = array<i32>} : memref<50x128xi32, #tpu.memory_space<vmem>>, vector<16xi32>,
      %add3A_1204 = arith.constant 1 : i32
      %add3A_1205 = vector.broadcast %add3A_1204 : i32 to vector<16xi32>
      %add3A_1206 = arith.addi %get3A_1203, %add3A_1205 : vector<16xi32>
      %swap3A_1207 = arith.index_cast %add3A_1182 : i32 to index
      %swap3A_1208 = arith.constant 32 : index
      %swap3A_1209 = tpu.vector_load %arg5[%swap3A_1207, %swap3A_1208] {strides = array<i32>} : memref<50x128xi32, #tpu.memory_space<vmem>>, vector<16xi32>,
      tpu.vector_store %arg5[%swap3A_1207, %swap3A_1208], %add3A_1206 {strides = array<i32>} : memref<50x128xi32, #tpu.memory_space<vmem>>, vector<16xi32>,
      %get3A_1210 = arith.index_cast %add3A_1182 : i32 to index
      %get3A_1211 = arith.constant 48 : index
      %get3A_1212 = tpu.vector_load %arg5[%get3A_1210, %get3A_1211] {strides = array<i32>} : memref<50x128xi32, #tpu.memory_space<vmem>>, vector<16xi32>,
      %add3A_1213 = arith.constant 1 : i32
      %add3A_1214 = vector.broadcast %add3A_1213 : i32 to vector<16xi32>
      %add3A_1215 = arith.addi %get3A_1212, %add3A_1214 : vector<16xi32>
      %swap3A_1216 = arith.index_cast %add3A_1182 : i32 to index
      %swap3A_1217 = arith.constant 48 : index
      %swap3A_1218 = tpu.vector_load %arg5[%swap3A_1216, %swap3A_1217] {strides = array<i32>} : memref<50x128xi32, #tpu.memory_space<vmem>>, vector<16xi32>,
      tpu.vector_store %arg5[%swap3A_1216, %swap3A_1217], %add3A_1215 {strides = array<i32>} : memref<50x128xi32, #tpu.memory_space<vmem>>, vector<16xi32>,
      %get3A_1219 = arith.index_cast %add3A_1182 : i32 to index
      %get3A_1220 = arith.constant 64 : index
      %get3A_1221 = tpu.vector_load %arg5[%get3A_1219, %get3A_1220] {strides = array<i32>} : memref<50x128xi32, #tpu.memory_space<vmem>>, vector<16xi32>,
      %add3A_1222 = arith.constant 1 : i32
      %add3A_1223 = vector.broadcast %add3A_1222 : i32 to vector<16xi32>
      %add3A_1224 = arith.addi %get3A_1221, %add3A_1223 : vector<16xi32>
      %swap3A_1225 = arith.index_cast %add3A_1182 : i32 to index
      %swap3A_1226 = arith.constant 64 : index
      %swap3A_1227 = tpu.vector_load %arg5[%swap3A_1225, %swap3A_1226] {strides = array<i32>} : memref<50x128xi32, #tpu.memory_space<vmem>>, vector<16xi32>,
      tpu.vector_store %arg5[%swap3A_1225, %swap3A_1226], %add3A_1224 {strides = array<i32>} : memref<50x128xi32, #tpu.memory_space<vmem>>, vector<16xi32>,
      %get3A_1228 = arith.index_cast %add3A_1182 : i32 to index
      %get3A_1229 = arith.constant 80 : index
      %get3A_1230 = tpu.vector_load %arg5[%get3A_1228, %get3A_1229] {strides = array<i32>} : memref<50x128xi32, #tpu.memory_space<vmem>>, vector<16xi32>,
      %add3A_1231 = arith.constant 1 : i32
      %add3A_1232 = vector.broadcast %add3A_1231 : i32 to vector<16xi32>
      %add3A_1233 = arith.addi %get3A_1230, %add3A_1232 : vector<16xi32>
      %swap3A_1234 = arith.index_cast %add3A_1182 : i32 to index
      %swap3A_1235 = arith.constant 80 : index
      %swap3A_1236 = tpu.vector_load %arg5[%swap3A_1234, %swap3A_1235] {strides = array<i32>} : memref<50x128xi32, #tpu.memory_space<vmem>>, vector<16xi32>,
      tpu.vector_store %arg5[%swap3A_1234, %swap3A_1235], %add3A_1233 {strides = array<i32>} : memref<50x128xi32, #tpu.memory_space<vmem>>, vector<16xi32>,
      %get3A_1237 = arith.index_cast %add3A_1182 : i32 to index
      %get3A_1238 = arith.constant 96 : index
      %get3A_1239 = tpu.vector_load %arg5[%get3A_1237, %get3A_1238] {strides = array<i32>} : memref<50x128xi32, #tpu.memory_space<vmem>>, vector<16xi32>,
      %add3A_1240 = arith.constant 1 : i32
      %add3A_1241 = vector.broadcast %add3A_1240 : i32 to vector<16xi32>
      %add3A_1242 = arith.addi %get3A_1239, %add3A_1241 : vector<16xi32>
      %swap3A_1243 = arith.index_cast %add3A_1182 : i32 to index
      %swap3A_1244 = arith.constant 96 : index
      %swap3A_1245 = tpu.vector_load %arg5[%swap3A_1243, %swap3A_1244] {strides = array<i32>} : memref<50x128xi32, #tpu.memory_space<vmem>>, vector<16xi32>,
      tpu.vector_store %arg5[%swap3A_1243, %swap3A_1244], %add3A_1242 {strides = array<i32>} : memref<50x128xi32, #tpu.memory_space<vmem>>, vector<16xi32>,
      %get3A_1246 = arith.index_cast %add3A_1182 : i32 to index
      %get3A_1247 = arith.constant 112 : index
      %get3A_1248 = tpu.vector_load %arg5[%get3A_1246, %get3A_1247] {strides = array<i32>} : memref<50x128xi32, #tpu.memory_space<vmem>>, vector<16xi32>,
      %add3A_1249 = arith.constant 1 : i32
      %add3A_1250 = vector.broadcast %add3A_1249 : i32 to vector<16xi32>
      %add3A_1251 = arith.addi %get3A_1248, %add3A_1250 : vector<16xi32>
      %swap3A_1252 = arith.index_cast %add3A_1182 : i32 to index
      %swap3A_1253 = arith.constant 112 : index
      %swap3A_1254 = tpu.vector_load %arg5[%swap3A_1252, %swap3A_1253] {strides = array<i32>} : memref<50x128xi32, #tpu.memory_space<vmem>>, vector<16xi32>,
      tpu.vector_store %arg5[%swap3A_1252, %swap3A_1253], %add3A_1251 {strides = array<i32>} : memref<50x128xi32, #tpu.memory_space<vmem>>, vector<16xi32>,
      %add3A_1255 = arith.constant 1 : i32
      %add3A_1256 = arith.addi %scan3A_941, %add3A_1255 : i32
      %mul3A_1257 = arith.constant 7 : i32
      %mul3A_1258 = arith.muli %add3A_1256, %mul3A_1257 : i32
      %add3A_1259 = arith.constant 4 : i32
      %add3A_1260 = arith.addi %mul3A_1258, %add3A_1259 : i32
      %get3A_1261 = arith.index_cast %add3A_1260 : i32 to index
      %get3A_1262 = arith.constant 0 : index
      %get3A_1263 = tpu.vector_load %arg5[%get3A_1261, %get3A_1262] {strides = array<i32>} : memref<50x128xi32, #tpu.memory_space<vmem>>, vector<16xi32>,
      %add3A_1264 = arith.constant 1 : i32
      %add3A_1265 = vector.broadcast %add3A_1264 : i32 to vector<16xi32>
      %add3A_1266 = arith.addi %get3A_1263, %add3A_1265 : vector<16xi32>
      %swap3A_1267 = arith.index_cast %add3A_1260 : i32 to index
      %swap3A_1268 = arith.constant 0 : index
      %swap3A_1269 = tpu.vector_load %arg5[%swap3A_1267, %swap3A_1268] {strides = array<i32>} : memref<50x128xi32, #tpu.memory_space<vmem>>, vector<16xi32>,
      tpu.vector_store %arg5[%swap3A_1267, %swap3A_1268], %add3A_1266 {strides = array<i32>} : memref<50x128xi32, #tpu.memory_space<vmem>>, vector<16xi32>,
      %get3A_1270 = arith.index_cast %add3A_1260 : i32 to index
      %get3A_1271 = arith.constant 16 : index
      %get3A_1272 = tpu.vector_load %arg5[%get3A_1270, %get3A_1271] {strides = array<i32>} : memref<50x128xi32, #tpu.memory_space<vmem>>, vector<16xi32>,
      %add3A_1273 = arith.constant 1 : i32
      %add3A_1274 = vector.broadcast %add3A_1273 : i32 to vector<16xi32>
      %add3A_1275 = arith.addi %get3A_1272, %add3A_1274 : vector<16xi32>
      %swap3A_1276 = arith.index_cast %add3A_1260 : i32 to index
      %swap3A_1277 = arith.constant 16 : index
      %swap3A_1278 = tpu.vector_load %arg5[%swap3A_1276, %swap3A_1277] {strides = array<i32>} : memref<50x128xi32, #tpu.memory_space<vmem>>, vector<16xi32>,
      tpu.vector_store %arg5[%swap3A_1276, %swap3A_1277], %add3A_1275 {strides = array<i32>} : memref<50x128xi32, #tpu.memory_space<vmem>>, vector<16xi32>,
      %get3A_1279 = arith.index_cast %add3A_1260 : i32 to index
      %get3A_1280 = arith.constant 32 : index
      %get3A_1281 = tpu.vector_load %arg5[%get3A_1279, %get3A_1280] {strides = array<i32>} : memref<50x128xi32, #tpu.memory_space<vmem>>, vector<16xi32>,
      %add3A_1282 = arith.constant 1 : i32
      %add3A_1283 = vector.broadcast %add3A_1282 : i32 to vector<16xi32>
      %add3A_1284 = arith.addi %get3A_1281, %add3A_1283 : vector<16xi32>
      %swap3A_1285 = arith.index_cast %add3A_1260 : i32 to index
      %swap3A_1286 = arith.constant 32 : index
      %swap3A_1287 = tpu.vector_load %arg5[%swap3A_1285, %swap3A_1286] {strides = array<i32>} : memref<50x128xi32, #tpu.memory_space<vmem>>, vector<16xi32>,
      tpu.vector_store %arg5[%swap3A_1285, %swap3A_1286], %add3A_1284 {strides = array<i32>} : memref<50x128xi32, #tpu.memory_space<vmem>>, vector<16xi32>,
      %get3A_1288 = arith.index_cast %add3A_1260 : i32 to index
      %get3A_1289 = arith.constant 48 : index
      %get3A_1290 = tpu.vector_load %arg5[%get3A_1288, %get3A_1289] {strides = array<i32>} : memref<50x128xi32, #tpu.memory_space<vmem>>, vector<16xi32>,
      %add3A_1291 = arith.constant 1 : i32
      %add3A_1292 = vector.broadcast %add3A_1291 : i32 to vector<16xi32>
      %add3A_1293 = arith.addi %get3A_1290, %add3A_1292 : vector<16xi32>
      %swap3A_1294 = arith.index_cast %add3A_1260 : i32 to index
      %swap3A_1295 = arith.constant 48 : index
      %swap3A_1296 = tpu.vector_load %arg5[%swap3A_1294, %swap3A_1295] {strides = array<i32>} : memref<50x128xi32, #tpu.memory_space<vmem>>, vector<16xi32>,
      tpu.vector_store %arg5[%swap3A_1294, %swap3A_1295], %add3A_1293 {strides = array<i32>} : memref<50x128xi32, #tpu.memory_space<vmem>>, vector<16xi32>,
      %get3A_1297 = arith.index_cast %add3A_1260 : i32 to index
      %get3A_1298 = arith.constant 64 : index
      %get3A_1299 = tpu.vector_load %arg5[%get3A_1297, %get3A_1298] {strides = array<i32>} : memref<50x128xi32, #tpu.memory_space<vmem>>, vector<16xi32>,
      %add3A_1300 = arith.constant 1 : i32
      %add3A_1301 = vector.broadcast %add3A_1300 : i32 to vector<16xi32>
      %add3A_1302 = arith.addi %get3A_1299, %add3A_1301 : vector<16xi32>
      %swap3A_1303 = arith.index_cast %add3A_1260 : i32 to index
      %swap3A_1304 = arith.constant 64 : index
      %swap3A_1305 = tpu.vector_load %arg5[%swap3A_1303, %swap3A_1304] {strides = array<i32>} : memref<50x128xi32, #tpu.memory_space<vmem>>, vector<16xi32>,
      tpu.vector_store %arg5[%swap3A_1303, %swap3A_1304], %add3A_1302 {strides = array<i32>} : memref<50x128xi32, #tpu.memory_space<vmem>>, vector<16xi32>,
      %get3A_1306 = arith.index_cast %add3A_1260 : i32 to index
      %get3A_1307 = arith.constant 80 : index
      %get3A_1308 = tpu.vector_load %arg5[%get3A_1306, %get3A_1307] {strides = array<i32>} : memref<50x128xi32, #tpu.memory_space<vmem>>, vector<16xi32>,
      %add3A_1309 = arith.constant 1 : i32
      %add3A_1310 = vector.broadcast %add3A_1309 : i32 to vector<16xi32>
      %add3A_1311 = arith.addi %get3A_1308, %add3A_1310 : vector<16xi32>
      %swap3A_1312 = arith.index_cast %add3A_1260 : i32 to index
      %swap3A_1313 = arith.constant 80 : index
      %swap3A_1314 = tpu.vector_load %arg5[%swap3A_1312, %swap3A_1313] {strides = array<i32>} : memref<50x128xi32, #tpu.memory_space<vmem>>, vector<16xi32>,
      tpu.vector_store %arg5[%swap3A_1312, %swap3A_1313], %add3A_1311 {strides = array<i32>} : memref<50x128xi32, #tpu.memory_space<vmem>>, vector<16xi32>,
      %get3A_1315 = arith.index_cast %add3A_1260 : i32 to index
      %get3A_1316 = arith.constant 96 : index
      %get3A_1317 = tpu.vector_load %arg5[%get3A_1315, %get3A_1316] {strides = array<i32>} : memref<50x128xi32, #tpu.memory_space<vmem>>, vector<16xi32>,
      %add3A_1318 = arith.constant 1 : i32
      %add3A_1319 = vector.broadcast %add3A_1318 : i32 to vector<16xi32>
      %add3A_1320 = arith.addi %get3A_1317, %add3A_1319 : vector<16xi32>
      %swap3A_1321 = arith.index_cast %add3A_1260 : i32 to index
      %swap3A_1322 = arith.constant 96 : index
      %swap3A_1323 = tpu.vector_load %arg5[%swap3A_1321, %swap3A_1322] {strides = array<i32>} : memref<50x128xi32, #tpu.memory_space<vmem>>, vector<16xi32>,
      tpu.vector_store %arg5[%swap3A_1321, %swap3A_1322], %add3A_1320 {strides = array<i32>} : memref<50x128xi32, #tpu.memory_space<vmem>>, vector<16xi32>,
      %get3A_1324 = arith.index_cast %add3A_1260 : i32 to index
      %get3A_1325 = arith.constant 112 : index
      %get3A_1326 = tpu.vector_load %arg5[%get3A_1324, %get3A_1325] {strides = array<i32>} : memref<50x128xi32, #tpu.memory_space<vmem>>, vector<16xi32>,
      %add3A_1327 = arith.constant 1 : i32
      %add3A_1328 = vector.broadcast %add3A_1327 : i32 to vector<16xi32>
      %add3A_1329 = arith.addi %get3A_1326, %add3A_1328 : vector<16xi32>
      %swap3A_1330 = arith.index_cast %add3A_1260 : i32 to index
      %swap3A_1331 = arith.constant 112 : index
      %swap3A_1332 = tpu.vector_load %arg5[%swap3A_1330, %swap3A_1331] {strides = array<i32>} : memref<50x128xi32, #tpu.memory_space<vmem>>, vector<16xi32>,
      tpu.vector_store %arg5[%swap3A_1330, %swap3A_1331], %add3A_1329 {strides = array<i32>} : memref<50x128xi32, #tpu.memory_space<vmem>>, vector<16xi32>,
      %add3A_1333 = arith.constant 1 : i32
      %add3A_1334 = arith.addi %scan3A_941, %add3A_1333 : i32
      %mul3A_1335 = arith.constant 7 : i32
      %mul3A_1336 = arith.muli %add3A_1334, %mul3A_1335 : i32
      %add3A_1337 = arith.constant 5 : i32
      %add3A_1338 = arith.addi %mul3A_1336, %add3A_1337 : i32
      %get3A_1339 = arith.index_cast %add3A_1338 : i32 to index
      %get3A_1340 = arith.constant 0 : index
      %get3A_1341 = tpu.vector_load %arg5[%get3A_1339, %get3A_1340] {strides = array<i32>} : memref<50x128xi32, #tpu.memory_space<vmem>>, vector<16xi32>,
      %add3A_1342 = arith.constant 1 : i32
      %add3A_1343 = vector.broadcast %add3A_1342 : i32 to vector<16xi32>
      %add3A_1344 = arith.addi %get3A_1341, %add3A_1343 : vector<16xi32>
      %swap3A_1345 = arith.index_cast %add3A_1338 : i32 to index
      %swap3A_1346 = arith.constant 0 : index
      %swap3A_1347 = tpu.vector_load %arg5[%swap3A_1345, %swap3A_1346] {strides = array<i32>} : memref<50x128xi32, #tpu.memory_space<vmem>>, vector<16xi32>,
      tpu.vector_store %arg5[%swap3A_1345, %swap3A_1346], %add3A_1344 {strides = array<i32>} : memref<50x128xi32, #tpu.memory_space<vmem>>, vector<16xi32>,
      %get3A_1348 = arith.index_cast %add3A_1338 : i32 to index
      %get3A_1349 = arith.constant 16 : index
      %get3A_1350 = tpu.vector_load %arg5[%get3A_1348, %get3A_1349] {strides = array<i32>} : memref<50x128xi32, #tpu.memory_space<vmem>>, vector<16xi32>,
      %add3A_1351 = arith.constant 1 : i32
      %add3A_1352 = vector.broadcast %add3A_1351 : i32 to vector<16xi32>
      %add3A_1353 = arith.addi %get3A_1350, %add3A_1352 : vector<16xi32>
      %swap3A_1354 = arith.index_cast %add3A_1338 : i32 to index
      %swap3A_1355 = arith.constant 16 : index
      %swap3A_1356 = tpu.vector_load %arg5[%swap3A_1354, %swap3A_1355] {strides = array<i32>} : memref<50x128xi32, #tpu.memory_space<vmem>>, vector<16xi32>,
      tpu.vector_store %arg5[%swap3A_1354, %swap3A_1355], %add3A_1353 {strides = array<i32>} : memref<50x128xi32, #tpu.memory_space<vmem>>, vector<16xi32>,
      %get3A_1357 = arith.index_cast %add3A_1338 : i32 to index
      %get3A_1358 = arith.constant 32 : index
      %get3A_1359 = tpu.vector_load %arg5[%get3A_1357, %get3A_1358] {strides = array<i32>} : memref<50x128xi32, #tpu.memory_space<vmem>>, vector<16xi32>,
      %add3A_1360 = arith.constant 1 : i32
      %add3A_1361 = vector.broadcast %add3A_1360 : i32 to vector<16xi32>
      %add3A_1362 = arith.addi %get3A_1359, %add3A_1361 : vector<16xi32>
      %swap3A_1363 = arith.index_cast %add3A_1338 : i32 to index
      %swap3A_1364 = arith.constant 32 : index
      %swap3A_1365 = tpu.vector_load %arg5[%swap3A_1363, %swap3A_1364] {strides = array<i32>} : memref<50x128xi32, #tpu.memory_space<vmem>>, vector<16xi32>,
      tpu.vector_store %arg5[%swap3A_1363, %swap3A_1364], %add3A_1362 {strides = array<i32>} : memref<50x128xi32, #tpu.memory_space<vmem>>, vector<16xi32>,
      %get3A_1366 = arith.index_cast %add3A_1338 : i32 to index
      %get3A_1367 = arith.constant 48 : index
      %get3A_1368 = tpu.vector_load %arg5[%get3A_1366, %get3A_1367] {strides = array<i32>} : memref<50x128xi32, #tpu.memory_space<vmem>>, vector<16xi32>,
      %add3A_1369 = arith.constant 1 : i32
      %add3A_1370 = vector.broadcast %add3A_1369 : i32 to vector<16xi32>
      %add3A_1371 = arith.addi %get3A_1368, %add3A_1370 : vector<16xi32>
      %swap3A_1372 = arith.index_cast %add3A_1338 : i32 to index
      %swap3A_1373 = arith.constant 48 : index
      %swap3A_1374 = tpu.vector_load %arg5[%swap3A_1372, %swap3A_1373] {strides = array<i32>} : memref<50x128xi32, #tpu.memory_space<vmem>>, vector<16xi32>,
      tpu.vector_store %arg5[%swap3A_1372, %swap3A_1373], %add3A_1371 {strides = array<i32>} : memref<50x128xi32, #tpu.memory_space<vmem>>, vector<16xi32>,
      %get3A_1375 = arith.index_cast %add3A_1338 : i32 to index
      %get3A_1376 = arith.constant 64 : index
      %get3A_1377 = tpu.vector_load %arg5[%get3A_1375, %get3A_1376] {strides = array<i32>} : memref<50x128xi32, #tpu.memory_space<vmem>>, vector<16xi32>,
      %add3A_1378 = arith.constant 1 : i32
      %add3A_1379 = vector.broadcast %add3A_1378 : i32 to vector<16xi32>
      %add3A_1380 = arith.addi %get3A_1377, %add3A_1379 : vector<16xi32>
      %swap3A_1381 = arith.index_cast %add3A_1338 : i32 to index
      %swap3A_1382 = arith.constant 64 : index
      %swap3A_1383 = tpu.vector_load %arg5[%swap3A_1381, %swap3A_1382] {strides = array<i32>} : memref<50x128xi32, #tpu.memory_space<vmem>>, vector<16xi32>,
      tpu.vector_store %arg5[%swap3A_1381, %swap3A_1382], %add3A_1380 {strides = array<i32>} : memref<50x128xi32, #tpu.memory_space<vmem>>, vector<16xi32>,
      %get3A_1384 = arith.index_cast %add3A_1338 : i32 to index
      %get3A_1385 = arith.constant 80 : index
      %get3A_1386 = tpu.vector_load %arg5[%get3A_1384, %get3A_1385] {strides = array<i32>} : memref<50x128xi32, #tpu.memory_space<vmem>>, vector<16xi32>,
      %add3A_1387 = arith.constant 1 : i32
      %add3A_1388 = vector.broadcast %add3A_1387 : i32 to vector<16xi32>
      %add3A_1389 = arith.addi %get3A_1386, %add3A_1388 : vector<16xi32>
      %swap3A_1390 = arith.index_cast %add3A_1338 : i32 to index
      %swap3A_1391 = arith.constant 80 : index
      %swap3A_1392 = tpu.vector_load %arg5[%swap3A_1390, %swap3A_1391] {strides = array<i32>} : memref<50x128xi32, #tpu.memory_space<vmem>>, vector<16xi32>,
      tpu.vector_store %arg5[%swap3A_1390, %swap3A_1391], %add3A_1389 {strides = array<i32>} : memref<50x128xi32, #tpu.memory_space<vmem>>, vector<16xi32>,
      %get3A_1393 = arith.index_cast %add3A_1338 : i32 to index
      %get3A_1394 = arith.constant 96 : index
      %get3A_1395 = tpu.vector_load %arg5[%get3A_1393, %get3A_1394] {strides = array<i32>} : memref<50x128xi32, #tpu.memory_space<vmem>>, vector<16xi32>,
      %add3A_1396 = arith.constant 1 : i32
      %add3A_1397 = vector.broadcast %add3A_1396 : i32 to vector<16xi32>
      %add3A_1398 = arith.addi %get3A_1395, %add3A_1397 : vector<16xi32>
      %swap3A_1399 = arith.index_cast %add3A_1338 : i32 to index
      %swap3A_1400 = arith.constant 96 : index
      %swap3A_1401 = tpu.vector_load %arg5[%swap3A_1399, %swap3A_1400] {strides = array<i32>} : memref<50x128xi32, #tpu.memory_space<vmem>>, vector<16xi32>,
      tpu.vector_store %arg5[%swap3A_1399, %swap3A_1400], %add3A_1398 {strides = array<i32>} : memref<50x128xi32, #tpu.memory_space<vmem>>, vector<16xi32>,
      %get3A_1402 = arith.index_cast %add3A_1338 : i32 to index
      %get3A_1403 = arith.constant 112 : index
      %get3A_1404 = tpu.vector_load %arg5[%get3A_1402, %get3A_1403] {strides = array<i32>} : memref<50x128xi32, #tpu.memory_space<vmem>>, vector<16xi32>,
      %add3A_1405 = arith.constant 1 : i32
      %add3A_1406 = vector.broadcast %add3A_1405 : i32 to vector<16xi32>
      %add3A_1407 = arith.addi %get3A_1404, %add3A_1406 : vector<16xi32>
      %swap3A_1408 = arith.index_cast %add3A_1338 : i32 to index
      %swap3A_1409 = arith.constant 112 : index
      %swap3A_1410 = tpu.vector_load %arg5[%swap3A_1408, %swap3A_1409] {strides = array<i32>} : memref<50x128xi32, #tpu.memory_space<vmem>>, vector<16xi32>,
      tpu.vector_store %arg5[%swap3A_1408, %swap3A_1409], %add3A_1407 {strides = array<i32>} : memref<50x128xi32, #tpu.memory_space<vmem>>, vector<16xi32>,
      %add3A_1411 = arith.constant 1 : i32
      %add3A_1412 = arith.addi %scan3A_941, %add3A_1411 : i32
      %mul3A_1413 = arith.constant 7 : i32
      %mul3A_1414 = arith.muli %add3A_1412, %mul3A_1413 : i32
      %add3A_1415 = arith.constant 6 : i32
      %add3A_1416 = arith.addi %mul3A_1414, %add3A_1415 : i32
      %get3A_1417 = arith.index_cast %add3A_1416 : i32 to index
      %get3A_1418 = arith.constant 0 : index
      %get3A_1419 = tpu.vector_load %arg5[%get3A_1417, %get3A_1418] {strides = array<i32>} : memref<50x128xi32, #tpu.memory_space<vmem>>, vector<16xi32>,
      %add3A_1420 = arith.constant 1 : i32
      %add3A_1421 = vector.broadcast %add3A_1420 : i32 to vector<16xi32>
      %add3A_1422 = arith.addi %get3A_1419, %add3A_1421 : vector<16xi32>
      %swap3A_1423 = arith.index_cast %add3A_1416 : i32 to index
      %swap3A_1424 = arith.constant 0 : index
      %swap3A_1425 = tpu.vector_load %arg5[%swap3A_1423, %swap3A_1424] {strides = array<i32>} : memref<50x128xi32, #tpu.memory_space<vmem>>, vector<16xi32>,
      tpu.vector_store %arg5[%swap3A_1423, %swap3A_1424], %add3A_1422 {strides = array<i32>} : memref<50x128xi32, #tpu.memory_space<vmem>>, vector<16xi32>,
      %get3A_1426 = arith.index_cast %add3A_1416 : i32 to index
      %get3A_1427 = arith.constant 16 : index
      %get3A_1428 = tpu.vector_load %arg5[%get3A_1426, %get3A_1427] {strides = array<i32>} : memref<50x128xi32, #tpu.memory_space<vmem>>, vector<16xi32>,
      %add3A_1429 = arith.constant 1 : i32
      %add3A_1430 = vector.broadcast %add3A_1429 : i32 to vector<16xi32>
      %add3A_1431 = arith.addi %get3A_1428, %add3A_1430 : vector<16xi32>
      %swap3A_1432 = arith.index_cast %add3A_1416 : i32 to index
      %swap3A_1433 = arith.constant 16 : index
      %swap3A_1434 = tpu.vector_load %arg5[%swap3A_1432, %swap3A_1433] {strides = array<i32>} : memref<50x128xi32, #tpu.memory_space<vmem>>, vector<16xi32>,
      tpu.vector_store %arg5[%swap3A_1432, %swap3A_1433], %add3A_1431 {strides = array<i32>} : memref<50x128xi32, #tpu.memory_space<vmem>>, vector<16xi32>,
      %get3A_1435 = arith.index_cast %add3A_1416 : i32 to index
      %get3A_1436 = arith.constant 32 : index
      %get3A_1437 = tpu.vector_load %arg5[%get3A_1435, %get3A_1436] {strides = array<i32>} : memref<50x128xi32, #tpu.memory_space<vmem>>, vector<16xi32>,
      %add3A_1438 = arith.constant 1 : i32
      %add3A_1439 = vector.broadcast %add3A_1438 : i32 to vector<16xi32>
      %add3A_1440 = arith.addi %get3A_1437, %add3A_1439 : vector<16xi32>
      %swap3A_1441 = arith.index_cast %add3A_1416 : i32 to index
      %swap3A_1442 = arith.constant 32 : index
      %swap3A_1443 = tpu.vector_load %arg5[%swap3A_1441, %swap3A_1442] {strides = array<i32>} : memref<50x128xi32, #tpu.memory_space<vmem>>, vector<16xi32>,
      tpu.vector_store %arg5[%swap3A_1441, %swap3A_1442], %add3A_1440 {strides = array<i32>} : memref<50x128xi32, #tpu.memory_space<vmem>>, vector<16xi32>,
      %get3A_1444 = arith.index_cast %add3A_1416 : i32 to index
      %get3A_1445 = arith.constant 48 : index
      %get3A_1446 = tpu.vector_load %arg5[%get3A_1444, %get3A_1445] {strides = array<i32>} : memref<50x128xi32, #tpu.memory_space<vmem>>, vector<16xi32>,
      %add3A_1447 = arith.constant 1 : i32
      %add3A_1448 = vector.broadcast %add3A_1447 : i32 to vector<16xi32>
      %add3A_1449 = arith.addi %get3A_1446, %add3A_1448 : vector<16xi32>
      %swap3A_1450 = arith.index_cast %add3A_1416 : i32 to index
      %swap3A_1451 = arith.constant 48 : index
      %swap3A_1452 = tpu.vector_load %arg5[%swap3A_1450, %swap3A_1451] {strides = array<i32>} : memref<50x128xi32, #tpu.memory_space<vmem>>, vector<16xi32>,
      tpu.vector_store %arg5[%swap3A_1450, %swap3A_1451], %add3A_1449 {strides = array<i32>} : memref<50x128xi32, #tpu.memory_space<vmem>>, vector<16xi32>,
      %get3A_1453 = arith.index_cast %add3A_1416 : i32 to index
      %get3A_1454 = arith.constant 64 : index
      %get3A_1455 = tpu.vector_load %arg5[%get3A_1453, %get3A_1454] {strides = array<i32>} : memref<50x128xi32, #tpu.memory_space<vmem>>, vector<16xi32>,
      %add3A_1456 = arith.constant 1 : i32
      %add3A_1457 = vector.broadcast %add3A_1456 : i32 to vector<16xi32>
      %add3A_1458 = arith.addi %get3A_1455, %add3A_1457 : vector<16xi32>
      %swap3A_1459 = arith.index_cast %add3A_1416 : i32 to index
      %swap3A_1460 = arith.constant 64 : index
      %swap3A_1461 = tpu.vector_load %arg5[%swap3A_1459, %swap3A_1460] {strides = array<i32>} : memref<50x128xi32, #tpu.memory_space<vmem>>, vector<16xi32>,
      tpu.vector_store %arg5[%swap3A_1459, %swap3A_1460], %add3A_1458 {strides = array<i32>} : memref<50x128xi32, #tpu.memory_space<vmem>>, vector<16xi32>,
      %get3A_1462 = arith.index_cast %add3A_1416 : i32 to index
      %get3A_1463 = arith.constant 80 : index
      %get3A_1464 = tpu.vector_load %arg5[%get3A_1462, %get3A_1463] {strides = array<i32>} : memref<50x128xi32, #tpu.memory_space<vmem>>, vector<16xi32>,
      %add3A_1465 = arith.constant 1 : i32
      %add3A_1466 = vector.broadcast %add3A_1465 : i32 to vector<16xi32>
      %add3A_1467 = arith.addi %get3A_1464, %add3A_1466 : vector<16xi32>
      %swap3A_1468 = arith.index_cast %add3A_1416 : i32 to index
      %swap3A_1469 = arith.constant 80 : index
      %swap3A_1470 = tpu.vector_load %arg5[%swap3A_1468, %swap3A_1469] {strides = array<i32>} : memref<50x128xi32, #tpu.memory_space<vmem>>, vector<16xi32>,
      tpu.vector_store %arg5[%swap3A_1468, %swap3A_1469], %add3A_1467 {strides = array<i32>} : memref<50x128xi32, #tpu.memory_space<vmem>>, vector<16xi32>,
      %get3A_1471 = arith.index_cast %add3A_1416 : i32 to index
      %get3A_1472 = arith.constant 96 : index
      %get3A_1473 = tpu.vector_load %arg5[%get3A_1471, %get3A_1472] {strides = array<i32>} : memref<50x128xi32, #tpu.memory_space<vmem>>, vector<16xi32>,
      %add3A_1474 = arith.constant 1 : i32
      %add3A_1475 = vector.broadcast %add3A_1474 : i32 to vector<16xi32>
      %add3A_1476 = arith.addi %get3A_1473, %add3A_1475 : vector<16xi32>
      %swap3A_1477 = arith.index_cast %add3A_1416 : i32 to index
      %swap3A_1478 = arith.constant 96 : index
      %swap3A_1479 = tpu.vector_load %arg5[%swap3A_1477, %swap3A_1478] {strides = array<i32>} : memref<50x128xi32, #tpu.memory_space<vmem>>, vector<16xi32>,
      tpu.vector_store %arg5[%swap3A_1477, %swap3A_1478], %add3A_1476 {strides = array<i32>} : memref<50x128xi32, #tpu.memory_space<vmem>>, vector<16xi32>,
      %get3A_1480 = arith.index_cast %add3A_1416 : i32 to index
      %get3A_1481 = arith.constant 112 : index
      %get3A_1482 = tpu.vector_load %arg5[%get3A_1480, %get3A_1481] {strides = array<i32>} : memref<50x128xi32, #tpu.memory_space<vmem>>, vector<16xi32>,
      %add3A_1483 = arith.constant 1 : i32
      %add3A_1484 = vector.broadcast %add3A_1483 : i32 to vector<16xi32>
      %add3A_1485 = arith.addi %get3A_1482, %add3A_1484 : vector<16xi32>
      %swap3A_1486 = arith.index_cast %add3A_1416 : i32 to index
      %swap3A_1487 = arith.constant 112 : index
      %swap3A_1488 = tpu.vector_load %arg5[%swap3A_1486, %swap3A_1487] {strides = array<i32>} : memref<50x128xi32, #tpu.memory_space<vmem>>, vector<16xi32>,
      tpu.vector_store %arg5[%swap3A_1486, %swap3A_1487], %add3A_1485 {strides = array<i32>} : memref<50x128xi32, #tpu.memory_space<vmem>>, vector<16xi32>,
      %dma_wait3A_1489 = arith.constant 0 : i32
      %dma_wait3A_1490 = arith.constant 0 : i32
      %dma_wait3A_1491 = tpu.memref_slice %arg3[%dma_wait3A_1489, %dma_wait3A_1490] : memref<100001x128xf32, #tpu.memory_space<hbm>> -> memref<128x128xf32, #tpu.memory_space<hbm>>
      %dma_wait3A_1492 = arith.constant 0 : i32
      %dma_wait3A_1493 = arith.constant 0 : i32
      %dma_wait3A_1494 = tpu.memref_slice %arg3[%dma_wait3A_1492, %dma_wait3A_1493] : memref<100001x128xf32, #tpu.memory_space<hbm>> -> memref<128x128xf32, #tpu.memory_space<hbm>>
      tpu.wait_dma2 semaphore(%arg13 : memref<!tpu.dma_semaphore, #tpu.memory_space<semaphore_mem>>) src(%dma_wait3A_1494 : memref<128x128xf32, #tpu.memory_space<hbm>>) dst(%arg6 : memref<128x128xf32, #tpu.memory_space<vmem>>)
      %mul3A_1495 = arith.constant 7 : i32
      %mul3A_1496 = arith.muli %scan3A_941, %mul3A_1495 : i32
      %add3A_1497 = arith.constant 0 : i32
      %add3A_1498 = arith.addi %mul3A_1496, %add3A_1497 : i32
      %dma_start3A_1499 = arith.constant 0 : i32
      %dma_start3A_1500 = tpu.memref_slice %arg4[%add3A_1498, %mul3A_2, %dma_start3A_1499] : memref<50x4096x128xf32, #tpu.memory_space<hbm>> -> memref<1x128x128xf32, #tpu.memory_space<hbm>>
      %dma_start3A_1501 = tpu.memref_squeeze %dma_start3A_1500 : memref<1x128x128xf32, #tpu.memory_space<hbm>> -> memref<128x128xf32, #tpu.memory_space<hbm>>
      %dma_start3A_1502 = arith.constant 0 : i32
      %dma_start3A_1503 = tpu.memref_slice %arg4[%add3A_1498, %mul3A_2, %dma_start3A_1502] : memref<50x4096x128xf32, #tpu.memory_space<hbm>> -> memref<1x128x128xf32, #tpu.memory_space<hbm>>
      %dma_start3A_1504 = tpu.memref_squeeze %dma_start3A_1503 : memref<1x128x128xf32, #tpu.memory_space<hbm>> -> memref<128x128xf32, #tpu.memory_space<hbm>>
      tpu.enqueue_dma source(%arg6 : memref<128x128xf32, #tpu.memory_space<vmem>>) target(%dma_start3A_1504 : memref<128x128xf32, #tpu.memory_space<hbm>>) target_semaphore(%arg20 : memref<!tpu.dma_semaphore, #tpu.memory_space<semaphore_mem>>)
      %dma_wait3A_1505 = arith.constant 0 : i32
      %dma_wait3A_1506 = arith.constant 0 : i32
      %dma_wait3A_1507 = tpu.memref_slice %arg3[%dma_wait3A_1505, %dma_wait3A_1506] : memref<100001x128xf32, #tpu.memory_space<hbm>> -> memref<128x128xf32, #tpu.memory_space<hbm>>
      %dma_wait3A_1508 = arith.constant 0 : i32
      %dma_wait3A_1509 = arith.constant 0 : i32
      %dma_wait3A_1510 = tpu.memref_slice %arg3[%dma_wait3A_1508, %dma_wait3A_1509] : memref<100001x128xf32, #tpu.memory_space<hbm>> -> memref<128x128xf32, #tpu.memory_space<hbm>>
      tpu.wait_dma2 semaphore(%arg14 : memref<!tpu.dma_semaphore, #tpu.memory_space<semaphore_mem>>) src(%dma_wait3A_1510 : memref<128x128xf32, #tpu.memory_space<hbm>>) dst(%arg7 : memref<128x128xf32, #tpu.memory_space<vmem>>)
      %mul3A_1511 = arith.constant 7 : i32
      %mul3A_1512 = arith.muli %scan3A_941, %mul3A_1511 : i32
      %add3A_1513 = arith.constant 1 : i32
      %add3A_1514 = arith.addi %mul3A_1512, %add3A_1513 : i32
      %dma_start3A_1515 = arith.constant 0 : i32
      %dma_start3A_1516 = tpu.memref_slice %arg4[%add3A_1514, %mul3A_2, %dma_start3A_1515] : memref<50x4096x128xf32, #tpu.memory_space<hbm>> -> memref<1x128x128xf32, #tpu.memory_space<hbm>>
      %dma_start3A_1517 = tpu.memref_squeeze %dma_start3A_1516 : memref<1x128x128xf32, #tpu.memory_space<hbm>> -> memref<128x128xf32, #tpu.memory_space<hbm>>
      %dma_start3A_1518 = arith.constant 0 : i32
      %dma_start3A_1519 = tpu.memref_slice %arg4[%add3A_1514, %mul3A_2, %dma_start3A_1518] : memref<50x4096x128xf32, #tpu.memory_space<hbm>> -> memref<1x128x128xf32, #tpu.memory_space<hbm>>
      %dma_start3A_1520 = tpu.memref_squeeze %dma_start3A_1519 : memref<1x128x128xf32, #tpu.memory_space<hbm>> -> memref<128x128xf32, #tpu.memory_space<hbm>>
      tpu.enqueue_dma source(%arg7 : memref<128x128xf32, #tpu.memory_space<vmem>>) target(%dma_start3A_1520 : memref<128x128xf32, #tpu.memory_space<hbm>>) target_semaphore(%arg21 : memref<!tpu.dma_semaphore, #tpu.memory_space<semaphore_mem>>)
      %dma_wait3A_1521 = arith.constant 0 : i32
      %dma_wait3A_1522 = arith.constant 0 : i32
      %dma_wait3A_1523 = tpu.memref_slice %arg3[%dma_wait3A_1521, %dma_wait3A_1522] : memref<100001x128xf32, #tpu.memory_space<hbm>> -> memref<128x128xf32, #tpu.memory_space<hbm>>
      %dma_wait3A_1524 = arith.constant 0 : i32
      %dma_wait3A_1525 = arith.constant 0 : i32
      %dma_wait3A_1526 = tpu.memref_slice %arg3[%dma_wait3A_1524, %dma_wait3A_1525] : memref<100001x128xf32, #tpu.memory_space<hbm>> -> memref<128x128xf32, #tpu.memory_space<hbm>>
      tpu.wait_dma2 semaphore(%arg15 : memref<!tpu.dma_semaphore, #tpu.memory_space<semaphore_mem>>) src(%dma_wait3A_1526 : memref<128x128xf32, #tpu.memory_space<hbm>>) dst(%arg8 : memref<128x128xf32, #tpu.memory_space<vmem>>)
      %mul3A_1527 = arith.constant 7 : i32
      %mul3A_1528 = arith.muli %scan3A_941, %mul3A_1527 : i32
      %add3A_1529 = arith.constant 2 : i32
      %add3A_1530 = arith.addi %mul3A_1528, %add3A_1529 : i32
      %dma_start3A_1531 = arith.constant 0 : i32
      %dma_start3A_1532 = tpu.memref_slice %arg4[%add3A_1530, %mul3A_2, %dma_start3A_1531] : memref<50x4096x128xf32, #tpu.memory_space<hbm>> -> memref<1x128x128xf32, #tpu.memory_space<hbm>>
      %dma_start3A_1533 = tpu.memref_squeeze %dma_start3A_1532 : memref<1x128x128xf32, #tpu.memory_space<hbm>> -> memref<128x128xf32, #tpu.memory_space<hbm>>
      %dma_start3A_1534 = arith.constant 0 : i32
      %dma_start3A_1535 = tpu.memref_slice %arg4[%add3A_1530, %mul3A_2, %dma_start3A_1534] : memref<50x4096x128xf32, #tpu.memory_space<hbm>> -> memref<1x128x128xf32, #tpu.memory_space<hbm>>
      %dma_start3A_1536 = tpu.memref_squeeze %dma_start3A_1535 : memref<1x128x128xf32, #tpu.memory_space<hbm>> -> memref<128x128xf32, #tpu.memory_space<hbm>>
      tpu.enqueue_dma source(%arg8 : memref<128x128xf32, #tpu.memory_space<vmem>>) target(%dma_start3A_1536 : memref<128x128xf32, #tpu.memory_space<hbm>>) target_semaphore(%arg22 : memref<!tpu.dma_semaphore, #tpu.memory_space<semaphore_mem>>)
      %dma_wait3A_1537 = arith.constant 0 : i32
      %dma_wait3A_1538 = arith.constant 0 : i32
      %dma_wait3A_1539 = tpu.memref_slice %arg3[%dma_wait3A_1537, %dma_wait3A_1538] : memref<100001x128xf32, #tpu.memory_space<hbm>> -> memref<128x128xf32, #tpu.memory_space<hbm>>
      %dma_wait3A_1540 = arith.constant 0 : i32
      %dma_wait3A_1541 = arith.constant 0 : i32
      %dma_wait3A_1542 = tpu.memref_slice %arg3[%dma_wait3A_1540, %dma_wait3A_1541] : memref<100001x128xf32, #tpu.memory_space<hbm>> -> memref<128x128xf32, #tpu.memory_space<hbm>>
      tpu.wait_dma2 semaphore(%arg16 : memref<!tpu.dma_semaphore, #tpu.memory_space<semaphore_mem>>) src(%dma_wait3A_1542 : memref<128x128xf32, #tpu.memory_space<hbm>>) dst(%arg9 : memref<128x128xf32, #tpu.memory_space<vmem>>)
      %mul3A_1543 = arith.constant 7 : i32
      %mul3A_1544 = arith.muli %scan3A_941, %mul3A_1543 : i32
      %add3A_1545 = arith.constant 3 : i32
      %add3A_1546 = arith.addi %mul3A_1544, %add3A_1545 : i32
      %dma_start3A_1547 = arith.constant 0 : i32
      %dma_start3A_1548 = tpu.memref_slice %arg4[%add3A_1546, %mul3A_2, %dma_start3A_1547] : memref<50x4096x128xf32, #tpu.memory_space<hbm>> -> memref<1x128x128xf32, #tpu.memory_space<hbm>>
      %dma_start3A_1549 = tpu.memref_squeeze %dma_start3A_1548 : memref<1x128x128xf32, #tpu.memory_space<hbm>> -> memref<128x128xf32, #tpu.memory_space<hbm>>
      %dma_start3A_1550 = arith.constant 0 : i32
      %dma_start3A_1551 = tpu.memref_slice %arg4[%add3A_1546, %mul3A_2, %dma_start3A_1550] : memref<50x4096x128xf32, #tpu.memory_space<hbm>> -> memref<1x128x128xf32, #tpu.memory_space<hbm>>
      %dma_start3A_1552 = tpu.memref_squeeze %dma_start3A_1551 : memref<1x128x128xf32, #tpu.memory_space<hbm>> -> memref<128x128xf32, #tpu.memory_space<hbm>>
      tpu.enqueue_dma source(%arg9 : memref<128x128xf32, #tpu.memory_space<vmem>>) target(%dma_start3A_1552 : memref<128x128xf32, #tpu.memory_space<hbm>>) target_semaphore(%arg23 : memref<!tpu.dma_semaphore, #tpu.memory_space<semaphore_mem>>)
      %dma_wait3A_1553 = arith.constant 0 : i32
      %dma_wait3A_1554 = arith.constant 0 : i32
      %dma_wait3A_1555 = tpu.memref_slice %arg3[%dma_wait3A_1553, %dma_wait3A_1554] : memref<100001x128xf32, #tpu.memory_space<hbm>> -> memref<128x128xf32, #tpu.memory_space<hbm>>
      %dma_wait3A_1556 = arith.constant 0 : i32
      %dma_wait3A_1557 = arith.constant 0 : i32
      %dma_wait3A_1558 = tpu.memref_slice %arg3[%dma_wait3A_1556, %dma_wait3A_1557] : memref<100001x128xf32, #tpu.memory_space<hbm>> -> memref<128x128xf32, #tpu.memory_space<hbm>>
      tpu.wait_dma2 semaphore(%arg17 : memref<!tpu.dma_semaphore, #tpu.memory_space<semaphore_mem>>) src(%dma_wait3A_1558 : memref<128x128xf32, #tpu.memory_space<hbm>>) dst(%arg10 : memref<128x128xf32, #tpu.memory_space<vmem>>)
      %mul3A_1559 = arith.constant 7 : i32
      %mul3A_1560 = arith.muli %scan3A_941, %mul3A_1559 : i32
      %add3A_1561 = arith.constant 4 : i32
      %add3A_1562 = arith.addi %mul3A_1560, %add3A_1561 : i32
      %dma_start3A_1563 = arith.constant 0 : i32
      %dma_start3A_1564 = tpu.memref_slice %arg4[%add3A_1562, %mul3A_2, %dma_start3A_1563] : memref<50x4096x128xf32, #tpu.memory_space<hbm>> -> memref<1x128x128xf32, #tpu.memory_space<hbm>>
      %dma_start3A_1565 = tpu.memref_squeeze %dma_start3A_1564 : memref<1x128x128xf32, #tpu.memory_space<hbm>> -> memref<128x128xf32, #tpu.memory_space<hbm>>
      %dma_start3A_1566 = arith.constant 0 : i32
      %dma_start3A_1567 = tpu.memref_slice %arg4[%add3A_1562, %mul3A_2, %dma_start3A_1566] : memref<50x4096x128xf32, #tpu.memory_space<hbm>> -> memref<1x128x128xf32, #tpu.memory_space<hbm>>
      %dma_start3A_1568 = tpu.memref_squeeze %dma_start3A_1567 : memref<1x128x128xf32, #tpu.memory_space<hbm>> -> memref<128x128xf32, #tpu.memory_space<hbm>>
      tpu.enqueue_dma source(%arg10 : memref<128x128xf32, #tpu.memory_space<vmem>>) target(%dma_start3A_1568 : memref<128x128xf32, #tpu.memory_space<hbm>>) target_semaphore(%arg24 : memref<!tpu.dma_semaphore, #tpu.memory_space<semaphore_mem>>)
      %dma_wait3A_1569 = arith.constant 0 : i32
      %dma_wait3A_1570 = arith.constant 0 : i32
      %dma_wait3A_1571 = tpu.memref_slice %arg3[%dma_wait3A_1569, %dma_wait3A_1570] : memref<100001x128xf32, #tpu.memory_space<hbm>> -> memref<128x128xf32, #tpu.memory_space<hbm>>
      %dma_wait3A_1572 = arith.constant 0 : i32
      %dma_wait3A_1573 = arith.constant 0 : i32
      %dma_wait3A_1574 = tpu.memref_slice %arg3[%dma_wait3A_1572, %dma_wait3A_1573] : memref<100001x128xf32, #tpu.memory_space<hbm>> -> memref<128x128xf32, #tpu.memory_space<hbm>>
      tpu.wait_dma2 semaphore(%arg18 : memref<!tpu.dma_semaphore, #tpu.memory_space<semaphore_mem>>) src(%dma_wait3A_1574 : memref<128x128xf32, #tpu.memory_space<hbm>>) dst(%arg11 : memref<128x128xf32, #tpu.memory_space<vmem>>)
      %mul3A_1575 = arith.constant 7 : i32
      %mul3A_1576 = arith.muli %scan3A_941, %mul3A_1575 : i32
      %add3A_1577 = arith.constant 5 : i32
      %add3A_1578 = arith.addi %mul3A_1576, %add3A_1577 : i32
      %dma_start3A_1579 = arith.constant 0 : i32
      %dma_start3A_1580 = tpu.memref_slice %arg4[%add3A_1578, %mul3A_2, %dma_start3A_1579] : memref<50x4096x128xf32, #tpu.memory_space<hbm>> -> memref<1x128x128xf32, #tpu.memory_space<hbm>>
      %dma_start3A_1581 = tpu.memref_squeeze %dma_start3A_1580 : memref<1x128x128xf32, #tpu.memory_space<hbm>> -> memref<128x128xf32, #tpu.memory_space<hbm>>
      %dma_start3A_1582 = arith.constant 0 : i32
      %dma_start3A_1583 = tpu.memref_slice %arg4[%add3A_1578, %mul3A_2, %dma_start3A_1582] : memref<50x4096x128xf32, #tpu.memory_space<hbm>> -> memref<1x128x128xf32, #tpu.memory_space<hbm>>
      %dma_start3A_1584 = tpu.memref_squeeze %dma_start3A_1583 : memref<1x128x128xf32, #tpu.memory_space<hbm>> -> memref<128x128xf32, #tpu.memory_space<hbm>>
      tpu.enqueue_dma source(%arg11 : memref<128x128xf32, #tpu.memory_space<vmem>>) target(%dma_start3A_1584 : memref<128x128xf32, #tpu.memory_space<hbm>>) target_semaphore(%arg25 : memref<!tpu.dma_semaphore, #tpu.memory_space<semaphore_mem>>)
      %dma_wait3A_1585 = arith.constant 0 : i32
      %dma_wait3A_1586 = arith.constant 0 : i32
      %dma_wait3A_1587 = tpu.memref_slice %arg3[%dma_wait3A_1585, %dma_wait3A_1586] : memref<100001x128xf32, #tpu.memory_space<hbm>> -> memref<128x128xf32, #tpu.memory_space<hbm>>
      %dma_wait3A_1588 = arith.constant 0 : i32
      %dma_wait3A_1589 = arith.constant 0 : i32
      %dma_wait3A_1590 = tpu.memref_slice %arg3[%dma_wait3A_1588, %dma_wait3A_1589] : memref<100001x128xf32, #tpu.memory_space<hbm>> -> memref<128x128xf32, #tpu.memory_space<hbm>>
      tpu.wait_dma2 semaphore(%arg19 : memref<!tpu.dma_semaphore, #tpu.memory_space<semaphore_mem>>) src(%dma_wait3A_1590 : memref<128x128xf32, #tpu.memory_space<hbm>>) dst(%arg12 : memref<128x128xf32, #tpu.memory_space<vmem>>)
      %mul3A_1591 = arith.constant 7 : i32
      %mul3A_1592 = arith.muli %scan3A_941, %mul3A_1591 : i32
      %add3A_1593 = arith.constant 6 : i32
      %add3A_1594 = arith.addi %mul3A_1592, %add3A_1593 : i32
      %dma_start3A_1595 = arith.constant 0 : i32
      %dma_start3A_1596 = tpu.memref_slice %arg4[%add3A_1594, %mul3A_2, %dma_start3A_1595] : memref<50x4096x128xf32, #tpu.memory_space<hbm>> -> memref<1x128x128xf32, #tpu.memory_space<hbm>>
      %dma_start3A_1597 = tpu.memref_squeeze %dma_start3A_1596 : memref<1x128x128xf32, #tpu.memory_space<hbm>> -> memref<128x128xf32, #tpu.memory_space<hbm>>
      %dma_start3A_1598 = arith.constant 0 : i32
      %dma_start3A_1599 = tpu.memref_slice %arg4[%add3A_1594, %mul3A_2, %dma_start3A_1598] : memref<50x4096x128xf32, #tpu.memory_space<hbm>> -> memref<1x128x128xf32, #tpu.memory_space<hbm>>
      %dma_start3A_1600 = tpu.memref_squeeze %dma_start3A_1599 : memref<1x128x128xf32, #tpu.memory_space<hbm>> -> memref<128x128xf32, #tpu.memory_space<hbm>>
      tpu.enqueue_dma source(%arg12 : memref<128x128xf32, #tpu.memory_space<vmem>>) target(%dma_start3A_1600 : memref<128x128xf32, #tpu.memory_space<hbm>>) target_semaphore(%arg26 : memref<!tpu.dma_semaphore, #tpu.memory_space<semaphore_mem>>)
      %dma_wait3A_1601 = arith.constant 0 : i32
      %dma_wait3A_1602 = arith.constant 0 : i32
      %dma_wait3A_1603 = arith.constant 0 : i32
      %dma_wait3A_1604 = tpu.memref_slice %arg4[%dma_wait3A_1601, %dma_wait3A_1602, %dma_wait3A_1603] : memref<50x4096x128xf32, #tpu.memory_space<hbm>> -> memref<1x128x128xf32, #tpu.memory_space<hbm>>
      %dma_wait3A_1605 = tpu.memref_squeeze %dma_wait3A_1604 : memref<1x128x128xf32, #tpu.memory_space<hbm>> -> memref<128x128xf32, #tpu.memory_space<hbm>>
      %dma_wait3A_1606 = arith.constant 0 : i32
      %dma_wait3A_1607 = arith.constant 0 : i32
      %dma_wait3A_1608 = tpu.memref_slice %arg4[%dma_wait3A_1601, %dma_wait3A_1606, %dma_wait3A_1607] : memref<50x4096x128xf32, #tpu.memory_space<hbm>> -> memref<1x128x128xf32, #tpu.memory_space<hbm>>
      %dma_wait3A_1609 = tpu.memref_squeeze %dma_wait3A_1608 : memref<1x128x128xf32, #tpu.memory_space<hbm>> -> memref<128x128xf32, #tpu.memory_space<hbm>>
      tpu.wait_dma2 semaphore(%arg20 : memref<!tpu.dma_semaphore, #tpu.memory_space<semaphore_mem>>) src(%arg6 : memref<128x128xf32, #tpu.memory_space<vmem>>) dst(%dma_wait3A_1609 : memref<128x128xf32, #tpu.memory_space<hbm>>)
      %add3A_1610 = arith.constant 1 : i32
      %add3A_1611 = arith.addi %scan3A_941, %add3A_1610 : i32
      %mul3A_1612 = arith.constant 7 : i32
      %mul3A_1613 = arith.muli %add3A_1611, %mul3A_1612 : i32
      %add3A_1614 = arith.constant 0 : i32
      %add3A_1615 = arith.addi %mul3A_1613, %add3A_1614 : i32
      %dma_start3A_1616 = arith.constant 0 : i32
      %dma_start3A_1617 = tpu.memref_slice %arg5[%add3A_1615, %dma_start3A_1616] : memref<50x128xi32, #tpu.memory_space<vmem>> -> memref<1x128xi32, #tpu.memory_space<vmem>>
      %dma_start3A_1618 = tpu.memref_squeeze %dma_start3A_1617 : memref<1x128xi32, #tpu.memory_space<vmem>> -> memref<128xi32, #tpu.memory_space<vmem>>
      %dma_start3A_1619 = arith.constant 0 : i32
      %dma_start3A_1620 = arith.constant 0 : i32
      %dma_start3A_1621 = tpu.memref_slice %arg3[%dma_start3A_1619, %dma_start3A_1620] : memref<100001x128xf32, #tpu.memory_space<hbm>> -> memref<100001x128xf32, #tpu.memory_space<hbm>>
      tpu.enqueue_indirect_dma source(%dma_start3A_1621 : memref<100001x128xf32, #tpu.memory_space<hbm>>) target(%arg6 : memref<128x128xf32, #tpu.memory_space<vmem>>) offsets(%dma_start3A_1618 : memref<128xi32, #tpu.memory_space<vmem>>) semaphore(%arg13 : memref<!tpu.dma_semaphore, #tpu.memory_space<semaphore_mem>>)
      %dma_wait3A_1622 = arith.constant 0 : i32
      %dma_wait3A_1623 = arith.constant 0 : i32
      %dma_wait3A_1624 = arith.constant 0 : i32
      %dma_wait3A_1625 = tpu.memref_slice %arg4[%dma_wait3A_1622, %dma_wait3A_1623, %dma_wait3A_1624] : memref<50x4096x128xf32, #tpu.memory_space<hbm>> -> memref<1x128x128xf32, #tpu.memory_space<hbm>>
      %dma_wait3A_1626 = tpu.memref_squeeze %dma_wait3A_1625 : memref<1x128x128xf32, #tpu.memory_space<hbm>> -> memref<128x128xf32, #tpu.memory_space<hbm>>
      %dma_wait3A_1627 = arith.constant 0 : i32
      %dma_wait3A_1628 = arith.constant 0 : i32
      %dma_wait3A_1629 = tpu.memref_slice %arg4[%dma_wait3A_1622, %dma_wait3A_1627, %dma_wait3A_1628] : memref<50x4096x128xf32, #tpu.memory_space<hbm>> -> memref<1x128x128xf32, #tpu.memory_space<hbm>>
      %dma_wait3A_1630 = tpu.memref_squeeze %dma_wait3A_1629 : memref<1x128x128xf32, #tpu.memory_space<hbm>> -> memref<128x128xf32, #tpu.memory_space<hbm>>
      tpu.wait_dma2 semaphore(%arg21 : memref<!tpu.dma_semaphore, #tpu.memory_space<semaphore_mem>>) src(%arg7 : memref<128x128xf32, #tpu.memory_space<vmem>>) dst(%dma_wait3A_1630 : memref<128x128xf32, #tpu.memory_space<hbm>>)
      %add3A_1631 = arith.constant 1 : i32
      %add3A_1632 = arith.addi %scan3A_941, %add3A_1631 : i32
      %mul3A_1633 = arith.constant 7 : i32
      %mul3A_1634 = arith.muli %add3A_1632, %mul3A_1633 : i32
      %add3A_1635 = arith.constant 1 : i32
      %add3A_1636 = arith.addi %mul3A_1634, %add3A_1635 : i32
      %dma_start3A_1637 = arith.constant 0 : i32
      %dma_start3A_1638 = tpu.memref_slice %arg5[%add3A_1636, %dma_start3A_1637] : memref<50x128xi32, #tpu.memory_space<vmem>> -> memref<1x128xi32, #tpu.memory_space<vmem>>
      %dma_start3A_1639 = tpu.memref_squeeze %dma_start3A_1638 : memref<1x128xi32, #tpu.memory_space<vmem>> -> memref<128xi32, #tpu.memory_space<vmem>>
      %dma_start3A_1640 = arith.constant 0 : i32
      %dma_start3A_1641 = arith.constant 0 : i32
      %dma_start3A_1642 = tpu.memref_slice %arg3[%dma_start3A_1640, %dma_start3A_1641] : memref<100001x128xf32, #tpu.memory_space<hbm>> -> memref<100001x128xf32, #tpu.memory_space<hbm>>
      tpu.enqueue_indirect_dma source(%dma_start3A_1642 : memref<100001x128xf32, #tpu.memory_space<hbm>>) target(%arg7 : memref<128x128xf32, #tpu.memory_space<vmem>>) offsets(%dma_start3A_1639 : memref<128xi32, #tpu.memory_space<vmem>>) semaphore(%arg14 : memref<!tpu.dma_semaphore, #tpu.memory_space<semaphore_mem>>)
      %dma_wait3A_1643 = arith.constant 0 : i32
      %dma_wait3A_1644 = arith.constant 0 : i32
      %dma_wait3A_1645 = arith.constant 0 : i32
      %dma_wait3A_1646 = tpu.memref_slice %arg4[%dma_wait3A_1643, %dma_wait3A_1644, %dma_wait3A_1645] : memref<50x4096x128xf32, #tpu.memory_space<hbm>> -> memref<1x128x128xf32, #tpu.memory_space<hbm>>
      %dma_wait3A_1647 = tpu.memref_squeeze %dma_wait3A_1646 : memref<1x128x128xf32, #tpu.memory_space<hbm>> -> memref<128x128xf32, #tpu.memory_space<hbm>>
      %dma_wait3A_1648 = arith.constant 0 : i32
      %dma_wait3A_1649 = arith.constant 0 : i32
      %dma_wait3A_1650 = tpu.memref_slice %arg4[%dma_wait3A_1643, %dma_wait3A_1648, %dma_wait3A_1649] : memref<50x4096x128xf32, #tpu.memory_space<hbm>> -> memref<1x128x128xf32, #tpu.memory_space<hbm>>
      %dma_wait3A_1651 = tpu.memref_squeeze %dma_wait3A_1650 : memref<1x128x128xf32, #tpu.memory_space<hbm>> -> memref<128x128xf32, #tpu.memory_space<hbm>>
      tpu.wait_dma2 semaphore(%arg22 : memref<!tpu.dma_semaphore, #tpu.memory_space<semaphore_mem>>) src(%arg8 : memref<128x128xf32, #tpu.memory_space<vmem>>) dst(%dma_wait3A_1651 : memref<128x128xf32, #tpu.memory_space<hbm>>)
      %add3A_1652 = arith.constant 1 : i32
      %add3A_1653 = arith.addi %scan3A_941, %add3A_1652 : i32
      %mul3A_1654 = arith.constant 7 : i32
      %mul3A_1655 = arith.muli %add3A_1653, %mul3A_1654 : i32
      %add3A_1656 = arith.constant 2 : i32
      %add3A_1657 = arith.addi %mul3A_1655, %add3A_1656 : i32
      %dma_start3A_1658 = arith.constant 0 : i32
      %dma_start3A_1659 = tpu.memref_slice %arg5[%add3A_1657, %dma_start3A_1658] : memref<50x128xi32, #tpu.memory_space<vmem>> -> memref<1x128xi32, #tpu.memory_space<vmem>>
      %dma_start3A_1660 = tpu.memref_squeeze %dma_start3A_1659 : memref<1x128xi32, #tpu.memory_space<vmem>> -> memref<128xi32, #tpu.memory_space<vmem>>
      %dma_start3A_1661 = arith.constant 0 : i32
      %dma_start3A_1662 = arith.constant 0 : i32
      %dma_start3A_1663 = tpu.memref_slice %arg3[%dma_start3A_1661, %dma_start3A_1662] : memref<100001x128xf32, #tpu.memory_space<hbm>> -> memref<100001x128xf32, #tpu.memory_space<hbm>>
      tpu.enqueue_indirect_dma source(%dma_start3A_1663 : memref<100001x128xf32, #tpu.memory_space<hbm>>) target(%arg8 : memref<128x128xf32, #tpu.memory_space<vmem>>) offsets(%dma_start3A_1660 : memref<128xi32, #tpu.memory_space<vmem>>) semaphore(%arg15 : memref<!tpu.dma_semaphore, #tpu.memory_space<semaphore_mem>>)
      %dma_wait3A_1664 = arith.constant 0 : i32
      %dma_wait3A_1665 = arith.constant 0 : i32
      %dma_wait3A_1666 = arith.constant 0 : i32
      %dma_wait3A_1667 = tpu.memref_slice %arg4[%dma_wait3A_1664, %dma_wait3A_1665, %dma_wait3A_1666] : memref<50x4096x128xf32, #tpu.memory_space<hbm>> -> memref<1x128x128xf32, #tpu.memory_space<hbm>>
      %dma_wait3A_1668 = tpu.memref_squeeze %dma_wait3A_1667 : memref<1x128x128xf32, #tpu.memory_space<hbm>> -> memref<128x128xf32, #tpu.memory_space<hbm>>
      %dma_wait3A_1669 = arith.constant 0 : i32
      %dma_wait3A_1670 = arith.constant 0 : i32
      %dma_wait3A_1671 = tpu.memref_slice %arg4[%dma_wait3A_1664, %dma_wait3A_1669, %dma_wait3A_1670] : memref<50x4096x128xf32, #tpu.memory_space<hbm>> -> memref<1x128x128xf32, #tpu.memory_space<hbm>>
      %dma_wait3A_1672 = tpu.memref_squeeze %dma_wait3A_1671 : memref<1x128x128xf32, #tpu.memory_space<hbm>> -> memref<128x128xf32, #tpu.memory_space<hbm>>
      tpu.wait_dma2 semaphore(%arg23 : memref<!tpu.dma_semaphore, #tpu.memory_space<semaphore_mem>>) src(%arg9 : memref<128x128xf32, #tpu.memory_space<vmem>>) dst(%dma_wait3A_1672 : memref<128x128xf32, #tpu.memory_space<hbm>>)
      %add3A_1673 = arith.constant 1 : i32
      %add3A_1674 = arith.addi %scan3A_941, %add3A_1673 : i32
      %mul3A_1675 = arith.constant 7 : i32
      %mul3A_1676 = arith.muli %add3A_1674, %mul3A_1675 : i32
      %add3A_1677 = arith.constant 3 : i32
      %add3A_1678 = arith.addi %mul3A_1676, %add3A_1677 : i32
      %dma_start3A_1679 = arith.constant 0 : i32
      %dma_start3A_1680 = tpu.memref_slice %arg5[%add3A_1678, %dma_start3A_1679] : memref<50x128xi32, #tpu.memory_space<vmem>> -> memref<1x128xi32, #tpu.memory_space<vmem>>
      %dma_start3A_1681 = tpu.memref_squeeze %dma_start3A_1680 : memref<1x128xi32, #tpu.memory_space<vmem>> -> memref<128xi32, #tpu.memory_space<vmem>>
      %dma_start3A_1682 = arith.constant 0 : i32
      %dma_start3A_1683 = arith.constant 0 : i32
      %dma_start3A_1684 = tpu.memref_slice %arg3[%dma_start3A_1682, %dma_start3A_1683] : memref<100001x128xf32, #tpu.memory_space<hbm>> -> memref<100001x128xf32, #tpu.memory_space<hbm>>
      tpu.enqueue_indirect_dma source(%dma_start3A_1684 : memref<100001x128xf32, #tpu.memory_space<hbm>>) target(%arg9 : memref<128x128xf32, #tpu.memory_space<vmem>>) offsets(%dma_start3A_1681 : memref<128xi32, #tpu.memory_space<vmem>>) semaphore(%arg16 : memref<!tpu.dma_semaphore, #tpu.memory_space<semaphore_mem>>)
      %dma_wait3A_1685 = arith.constant 0 : i32
      %dma_wait3A_1686 = arith.constant 0 : i32
      %dma_wait3A_1687 = arith.constant 0 : i32
      %dma_wait3A_1688 = tpu.memref_slice %arg4[%dma_wait3A_1685, %dma_wait3A_1686, %dma_wait3A_1687] : memref<50x4096x128xf32, #tpu.memory_space<hbm>> -> memref<1x128x128xf32, #tpu.memory_space<hbm>>
      %dma_wait3A_1689 = tpu.memref_squeeze %dma_wait3A_1688 : memref<1x128x128xf32, #tpu.memory_space<hbm>> -> memref<128x128xf32, #tpu.memory_space<hbm>>
      %dma_wait3A_1690 = arith.constant 0 : i32
      %dma_wait3A_1691 = arith.constant 0 : i32
      %dma_wait3A_1692 = tpu.memref_slice %arg4[%dma_wait3A_1685, %dma_wait3A_1690, %dma_wait3A_1691] : memref<50x4096x128xf32, #tpu.memory_space<hbm>> -> memref<1x128x128xf32, #tpu.memory_space<hbm>>
      %dma_wait3A_1693 = tpu.memref_squeeze %dma_wait3A_1692 : memref<1x128x128xf32, #tpu.memory_space<hbm>> -> memref<128x128xf32, #tpu.memory_space<hbm>>
      tpu.wait_dma2 semaphore(%arg24 : memref<!tpu.dma_semaphore, #tpu.memory_space<semaphore_mem>>) src(%arg10 : memref<128x128xf32, #tpu.memory_space<vmem>>) dst(%dma_wait3A_1693 : memref<128x128xf32, #tpu.memory_space<hbm>>)
      %add3A_1694 = arith.constant 1 : i32
      %add3A_1695 = arith.addi %scan3A_941, %add3A_1694 : i32
      %mul3A_1696 = arith.constant 7 : i32
      %mul3A_1697 = arith.muli %add3A_1695, %mul3A_1696 : i32
      %add3A_1698 = arith.constant 4 : i32
      %add3A_1699 = arith.addi %mul3A_1697, %add3A_1698 : i32
      %dma_start3A_1700 = arith.constant 0 : i32
      %dma_start3A_1701 = tpu.memref_slice %arg5[%add3A_1699, %dma_start3A_1700] : memref<50x128xi32, #tpu.memory_space<vmem>> -> memref<1x128xi32, #tpu.memory_space<vmem>>
      %dma_start3A_1702 = tpu.memref_squeeze %dma_start3A_1701 : memref<1x128xi32, #tpu.memory_space<vmem>> -> memref<128xi32, #tpu.memory_space<vmem>>
      %dma_start3A_1703 = arith.constant 0 : i32
      %dma_start3A_1704 = arith.constant 0 : i32
      %dma_start3A_1705 = tpu.memref_slice %arg3[%dma_start3A_1703, %dma_start3A_1704] : memref<100001x128xf32, #tpu.memory_space<hbm>> -> memref<100001x128xf32, #tpu.memory_space<hbm>>
      tpu.enqueue_indirect_dma source(%dma_start3A_1705 : memref<100001x128xf32, #tpu.memory_space<hbm>>) target(%arg10 : memref<128x128xf32, #tpu.memory_space<vmem>>) offsets(%dma_start3A_1702 : memref<128xi32, #tpu.memory_space<vmem>>) semaphore(%arg17 : memref<!tpu.dma_semaphore, #tpu.memory_space<semaphore_mem>>)
      %dma_wait3A_1706 = arith.constant 0 : i32
      %dma_wait3A_1707 = arith.constant 0 : i32
      %dma_wait3A_1708 = arith.constant 0 : i32
      %dma_wait3A_1709 = tpu.memref_slice %arg4[%dma_wait3A_1706, %dma_wait3A_1707, %dma_wait3A_1708] : memref<50x4096x128xf32, #tpu.memory_space<hbm>> -> memref<1x128x128xf32, #tpu.memory_space<hbm>>
      %dma_wait3A_1710 = tpu.memref_squeeze %dma_wait3A_1709 : memref<1x128x128xf32, #tpu.memory_space<hbm>> -> memref<128x128xf32, #tpu.memory_space<hbm>>
      %dma_wait3A_1711 = arith.constant 0 : i32
      %dma_wait3A_1712 = arith.constant 0 : i32
      %dma_wait3A_1713 = tpu.memref_slice %arg4[%dma_wait3A_1706, %dma_wait3A_1711, %dma_wait3A_1712] : memref<50x4096x128xf32, #tpu.memory_space<hbm>> -> memref<1x128x128xf32, #tpu.memory_space<hbm>>
      %dma_wait3A_1714 = tpu.memref_squeeze %dma_wait3A_1713 : memref<1x128x128xf32, #tpu.memory_space<hbm>> -> memref<128x128xf32, #tpu.memory_space<hbm>>
      tpu.wait_dma2 semaphore(%arg25 : memref<!tpu.dma_semaphore, #tpu.memory_space<semaphore_mem>>) src(%arg11 : memref<128x128xf32, #tpu.memory_space<vmem>>) dst(%dma_wait3A_1714 : memref<128x128xf32, #tpu.memory_space<hbm>>)
      %add3A_1715 = arith.constant 1 : i32
      %add3A_1716 = arith.addi %scan3A_941, %add3A_1715 : i32
      %mul3A_1717 = arith.constant 7 : i32
      %mul3A_1718 = arith.muli %add3A_1716, %mul3A_1717 : i32
      %add3A_1719 = arith.constant 5 : i32
      %add3A_1720 = arith.addi %mul3A_1718, %add3A_1719 : i32
      %dma_start3A_1721 = arith.constant 0 : i32
      %dma_start3A_1722 = tpu.memref_slice %arg5[%add3A_1720, %dma_start3A_1721] : memref<50x128xi32, #tpu.memory_space<vmem>> -> memref<1x128xi32, #tpu.memory_space<vmem>>
      %dma_start3A_1723 = tpu.memref_squeeze %dma_start3A_1722 : memref<1x128xi32, #tpu.memory_space<vmem>> -> memref<128xi32, #tpu.memory_space<vmem>>
      %dma_start3A_1724 = arith.constant 0 : i32
      %dma_start3A_1725 = arith.constant 0 : i32
      %dma_start3A_1726 = tpu.memref_slice %arg3[%dma_start3A_1724, %dma_start3A_1725] : memref<100001x128xf32, #tpu.memory_space<hbm>> -> memref<100001x128xf32, #tpu.memory_space<hbm>>
      tpu.enqueue_indirect_dma source(%dma_start3A_1726 : memref<100001x128xf32, #tpu.memory_space<hbm>>) target(%arg11 : memref<128x128xf32, #tpu.memory_space<vmem>>) offsets(%dma_start3A_1723 : memref<128xi32, #tpu.memory_space<vmem>>) semaphore(%arg18 : memref<!tpu.dma_semaphore, #tpu.memory_space<semaphore_mem>>)
      %dma_wait3A_1727 = arith.constant 0 : i32
      %dma_wait3A_1728 = arith.constant 0 : i32
      %dma_wait3A_1729 = arith.constant 0 : i32
      %dma_wait3A_1730 = tpu.memref_slice %arg4[%dma_wait3A_1727, %dma_wait3A_1728, %dma_wait3A_1729] : memref<50x4096x128xf32, #tpu.memory_space<hbm>> -> memref<1x128x128xf32, #tpu.memory_space<hbm>>
      %dma_wait3A_1731 = tpu.memref_squeeze %dma_wait3A_1730 : memref<1x128x128xf32, #tpu.memory_space<hbm>> -> memref<128x128xf32, #tpu.memory_space<hbm>>
      %dma_wait3A_1732 = arith.constant 0 : i32
      %dma_wait3A_1733 = arith.constant 0 : i32
      %dma_wait3A_1734 = tpu.memref_slice %arg4[%dma_wait3A_1727, %dma_wait3A_1732, %dma_wait3A_1733] : memref<50x4096x128xf32, #tpu.memory_space<hbm>> -> memref<1x128x128xf32, #tpu.memory_space<hbm>>
      %dma_wait3A_1735 = tpu.memref_squeeze %dma_wait3A_1734 : memref<1x128x128xf32, #tpu.memory_space<hbm>> -> memref<128x128xf32, #tpu.memory_space<hbm>>
      tpu.wait_dma2 semaphore(%arg26 : memref<!tpu.dma_semaphore, #tpu.memory_space<semaphore_mem>>) src(%arg12 : memref<128x128xf32, #tpu.memory_space<vmem>>) dst(%dma_wait3A_1735 : memref<128x128xf32, #tpu.memory_space<hbm>>)
      %add3A_1736 = arith.constant 1 : i32
      %add3A_1737 = arith.addi %scan3A_941, %add3A_1736 : i32
      %mul3A_1738 = arith.constant 7 : i32
      %mul3A_1739 = arith.muli %add3A_1737, %mul3A_1738 : i32
      %add3A_1740 = arith.constant 6 : i32
      %add3A_1741 = arith.addi %mul3A_1739, %add3A_1740 : i32
      %dma_start3A_1742 = arith.constant 0 : i32
      %dma_start3A_1743 = tpu.memref_slice %arg5[%add3A_1741, %dma_start3A_1742] : memref<50x128xi32, #tpu.memory_space<vmem>> -> memref<1x128xi32, #tpu.memory_space<vmem>>
      %dma_start3A_1744 = tpu.memref_squeeze %dma_start3A_1743 : memref<1x128xi32, #tpu.memory_space<vmem>> -> memref<128xi32, #tpu.memory_space<vmem>>
      %dma_start3A_1745 = arith.constant 0 : i32
      %dma_start3A_1746 = arith.constant 0 : i32
      %dma_start3A_1747 = tpu.memref_slice %arg3[%dma_start3A_1745, %dma_start3A_1746] : memref<100001x128xf32, #tpu.memory_space<hbm>> -> memref<100001x128xf32, #tpu.memory_space<hbm>>
      tpu.enqueue_indirect_dma source(%dma_start3A_1747 : memref<100001x128xf32, #tpu.memory_space<hbm>>) target(%arg12 : memref<128x128xf32, #tpu.memory_space<vmem>>) offsets(%dma_start3A_1744 : memref<128xi32, #tpu.memory_space<vmem>>) semaphore(%arg19 : memref<!tpu.dma_semaphore, #tpu.memory_space<semaphore_mem>>)
      %scan3A_1748 = arith.constant 0 : i32
      scf.yield %scan3A_1748 : i32
    }
    %scan3A_670 = arith.constant 6 : i32
    %get3A_671 = arith.constant 49 : i32
    %get3A_672 = arith.index_cast %get3A_671 : i32 to index
    %get3A_673 = arith.constant 0 : index
    %get3A_674 = tpu.vector_load %arg5[%get3A_672, %get3A_673] {strides = array<i32>} : memref<50x128xi32, #tpu.memory_space<vmem>>, vector<16xi32>,
    %add3A_675 = arith.constant 1 : i32
    %add3A_676 = vector.broadcast %add3A_675 : i32 to vector<16xi32>
    %add3A_677 = arith.addi %get3A_674, %add3A_676 : vector<16xi32>
    %swap3A_678 = arith.constant 49 : i32
    %swap3A_679 = arith.index_cast %swap3A_678 : i32 to index
    %swap3A_680 = arith.constant 0 : index
    %swap3A_681 = tpu.vector_load %arg5[%swap3A_679, %swap3A_680] {strides = array<i32>} : memref<50x128xi32, #tpu.memory_space<vmem>>, vector<16xi32>,
    tpu.vector_store %arg5[%swap3A_679, %swap3A_680], %add3A_677 {strides = array<i32>} : memref<50x128xi32, #tpu.memory_space<vmem>>, vector<16xi32>,
    %get3A_682 = arith.constant 49 : i32
    %get3A_683 = arith.index_cast %get3A_682 : i32 to index
    %get3A_684 = arith.constant 16 : index
    %get3A_685 = tpu.vector_load %arg5[%get3A_683, %get3A_684] {strides = array<i32>} : memref<50x128xi32, #tpu.memory_space<vmem>>, vector<16xi32>,
    %add3A_686 = arith.constant 1 : i32
    %add3A_687 = vector.broadcast %add3A_686 : i32 to vector<16xi32>
    %add3A_688 = arith.addi %get3A_685, %add3A_687 : vector<16xi32>
    %swap3A_689 = arith.constant 49 : i32
    %swap3A_690 = arith.index_cast %swap3A_689 : i32 to index
    %swap3A_691 = arith.constant 16 : index
    %swap3A_692 = tpu.vector_load %arg5[%swap3A_690, %swap3A_691] {strides = array<i32>} : memref<50x128xi32, #tpu.memory_space<vmem>>, vector<16xi32>,
    tpu.vector_store %arg5[%swap3A_690, %swap3A_691], %add3A_688 {strides = array<i32>} : memref<50x128xi32, #tpu.memory_space<vmem>>, vector<16xi32>,
    %get3A_693 = arith.constant 49 : i32
    %get3A_694 = arith.index_cast %get3A_693 : i32 to index
    %get3A_695 = arith.constant 32 : index
    %get3A_696 = tpu.vector_load %arg5[%get3A_694, %get3A_695] {strides = array<i32>} : memref<50x128xi32, #tpu.memory_space<vmem>>, vector<16xi32>,
    %add3A_697 = arith.constant 1 : i32
    %add3A_698 = vector.broadcast %add3A_697 : i32 to vector<16xi32>
    %add3A_699 = arith.addi %get3A_696, %add3A_698 : vector<16xi32>
    %swap3A_700 = arith.constant 49 : i32
    %swap3A_701 = arith.index_cast %swap3A_700 : i32 to index
    %swap3A_702 = arith.constant 32 : index
    %swap3A_703 = tpu.vector_load %arg5[%swap3A_701, %swap3A_702] {strides = array<i32>} : memref<50x128xi32, #tpu.memory_space<vmem>>, vector<16xi32>,
    tpu.vector_store %arg5[%swap3A_701, %swap3A_702], %add3A_699 {strides = array<i32>} : memref<50x128xi32, #tpu.memory_space<vmem>>, vector<16xi32>,
    %get3A_704 = arith.constant 49 : i32
    %get3A_705 = arith.index_cast %get3A_704 : i32 to index
    %get3A_706 = arith.constant 48 : index
    %get3A_707 = tpu.vector_load %arg5[%get3A_705, %get3A_706] {strides = array<i32>} : memref<50x128xi32, #tpu.memory_space<vmem>>, vector<16xi32>,
    %add3A_708 = arith.constant 1 : i32
    %add3A_709 = vector.broadcast %add3A_708 : i32 to vector<16xi32>
    %add3A_710 = arith.addi %get3A_707, %add3A_709 : vector<16xi32>
    %swap3A_711 = arith.constant 49 : i32
    %swap3A_712 = arith.index_cast %swap3A_711 : i32 to index
    %swap3A_713 = arith.constant 48 : index
    %swap3A_714 = tpu.vector_load %arg5[%swap3A_712, %swap3A_713] {strides = array<i32>} : memref<50x128xi32, #tpu.memory_space<vmem>>, vector<16xi32>,
    tpu.vector_store %arg5[%swap3A_712, %swap3A_713], %add3A_710 {strides = array<i32>} : memref<50x128xi32, #tpu.memory_space<vmem>>, vector<16xi32>,
    %get3A_715 = arith.constant 49 : i32
    %get3A_716 = arith.index_cast %get3A_715 : i32 to index
    %get3A_717 = arith.constant 64 : index
    %get3A_718 = tpu.vector_load %arg5[%get3A_716, %get3A_717] {strides = array<i32>} : memref<50x128xi32, #tpu.memory_space<vmem>>, vector<16xi32>,
    %add3A_719 = arith.constant 1 : i32
    %add3A_720 = vector.broadcast %add3A_719 : i32 to vector<16xi32>
    %add3A_721 = arith.addi %get3A_718, %add3A_720 : vector<16xi32>
    %swap3A_722 = arith.constant 49 : i32
    %swap3A_723 = arith.index_cast %swap3A_722 : i32 to index
    %swap3A_724 = arith.constant 64 : index
    %swap3A_725 = tpu.vector_load %arg5[%swap3A_723, %swap3A_724] {strides = array<i32>} : memref<50x128xi32, #tpu.memory_space<vmem>>, vector<16xi32>,
    tpu.vector_store %arg5[%swap3A_723, %swap3A_724], %add3A_721 {strides = array<i32>} : memref<50x128xi32, #tpu.memory_space<vmem>>, vector<16xi32>,
    %get3A_726 = arith.constant 49 : i32
    %get3A_727 = arith.index_cast %get3A_726 : i32 to index
    %get3A_728 = arith.constant 80 : index
    %get3A_729 = tpu.vector_load %arg5[%get3A_727, %get3A_728] {strides = array<i32>} : memref<50x128xi32, #tpu.memory_space<vmem>>, vector<16xi32>,
    %add3A_730 = arith.constant 1 : i32
    %add3A_731 = vector.broadcast %add3A_730 : i32 to vector<16xi32>
    %add3A_732 = arith.addi %get3A_729, %add3A_731 : vector<16xi32>
    %swap3A_733 = arith.constant 49 : i32
    %swap3A_734 = arith.index_cast %swap3A_733 : i32 to index
    %swap3A_735 = arith.constant 80 : index
    %swap3A_736 = tpu.vector_load %arg5[%swap3A_734, %swap3A_735] {strides = array<i32>} : memref<50x128xi32, #tpu.memory_space<vmem>>, vector<16xi32>,
    tpu.vector_store %arg5[%swap3A_734, %swap3A_735], %add3A_732 {strides = array<i32>} : memref<50x128xi32, #tpu.memory_space<vmem>>, vector<16xi32>,
    %get3A_737 = arith.constant 49 : i32
    %get3A_738 = arith.index_cast %get3A_737 : i32 to index
    %get3A_739 = arith.constant 96 : index
    %get3A_740 = tpu.vector_load %arg5[%get3A_738, %get3A_739] {strides = array<i32>} : memref<50x128xi32, #tpu.memory_space<vmem>>, vector<16xi32>,
    %add3A_741 = arith.constant 1 : i32
    %add3A_742 = vector.broadcast %add3A_741 : i32 to vector<16xi32>
    %add3A_743 = arith.addi %get3A_740, %add3A_742 : vector<16xi32>
    %swap3A_744 = arith.constant 49 : i32
    %swap3A_745 = arith.index_cast %swap3A_744 : i32 to index
    %swap3A_746 = arith.constant 96 : index
    %swap3A_747 = tpu.vector_load %arg5[%swap3A_745, %swap3A_746] {strides = array<i32>} : memref<50x128xi32, #tpu.memory_space<vmem>>, vector<16xi32>,
    tpu.vector_store %arg5[%swap3A_745, %swap3A_746], %add3A_743 {strides = array<i32>} : memref<50x128xi32, #tpu.memory_space<vmem>>, vector<16xi32>,
    %get3A_748 = arith.constant 49 : i32
    %get3A_749 = arith.index_cast %get3A_748 : i32 to index
    %get3A_750 = arith.constant 112 : index
    %get3A_751 = tpu.vector_load %arg5[%get3A_749, %get3A_750] {strides = array<i32>} : memref<50x128xi32, #tpu.memory_space<vmem>>, vector<16xi32>,
    %add3A_752 = arith.constant 1 : i32
    %add3A_753 = vector.broadcast %add3A_752 : i32 to vector<16xi32>
    %add3A_754 = arith.addi %get3A_751, %add3A_753 : vector<16xi32>
    %swap3A_755 = arith.constant 49 : i32
    %swap3A_756 = arith.index_cast %swap3A_755 : i32 to index
    %swap3A_757 = arith.constant 112 : index
    %swap3A_758 = tpu.vector_load %arg5[%swap3A_756, %swap3A_757] {strides = array<i32>} : memref<50x128xi32, #tpu.memory_space<vmem>>, vector<16xi32>,
    tpu.vector_store %arg5[%swap3A_756, %swap3A_757], %add3A_754 {strides = array<i32>} : memref<50x128xi32, #tpu.memory_space<vmem>>, vector<16xi32>,
    %dma_wait3A = arith.constant 0 : i32
    %dma_wait3A_759 = arith.constant 0 : i32
    %dma_wait3A_760 = tpu.memref_slice %arg3[%dma_wait3A, %dma_wait3A_759] : memref<100001x128xf32, #tpu.memory_space<hbm>> -> memref<128x128xf32, #tpu.memory_space<hbm>>
    %dma_wait3A_761 = arith.constant 0 : i32
    %dma_wait3A_762 = arith.constant 0 : i32
    %dma_wait3A_763 = tpu.memref_slice %arg3[%dma_wait3A_761, %dma_wait3A_762] : memref<100001x128xf32, #tpu.memory_space<hbm>> -> memref<128x128xf32, #tpu.memory_space<hbm>>
    tpu.wait_dma2 semaphore(%arg13 : memref<!tpu.dma_semaphore, #tpu.memory_space<semaphore_mem>>) src(%dma_wait3A_763 : memref<128x128xf32, #tpu.memory_space<hbm>>) dst(%arg6 : memref<128x128xf32, #tpu.memory_space<vmem>>)
    %dma_start3A_764 = arith.constant 42 : i32
    %dma_start3A_765 = arith.constant 0 : i32
    %dma_start3A_766 = tpu.memref_slice %arg4[%dma_start3A_764, %mul3A_2, %dma_start3A_765] : memref<50x4096x128xf32, #tpu.memory_space<hbm>> -> memref<1x128x128xf32, #tpu.memory_space<hbm>>
    %dma_start3A_767 = tpu.memref_squeeze %dma_start3A_766 : memref<1x128x128xf32, #tpu.memory_space<hbm>> -> memref<128x128xf32, #tpu.memory_space<hbm>>
    %dma_start3A_768 = arith.constant 0 : i32
    %dma_start3A_769 = tpu.memref_slice %arg4[%dma_start3A_764, %mul3A_2, %dma_start3A_768] : memref<50x4096x128xf32, #tpu.memory_space<hbm>> -> memref<1x128x128xf32, #tpu.memory_space<hbm>>
    %dma_start3A_770 = tpu.memref_squeeze %dma_start3A_769 : memref<1x128x128xf32, #tpu.memory_space<hbm>> -> memref<128x128xf32, #tpu.memory_space<hbm>>
    tpu.enqueue_dma source(%arg6 : memref<128x128xf32, #tpu.memory_space<vmem>>) target(%dma_start3A_770 : memref<128x128xf32, #tpu.memory_space<hbm>>) target_semaphore(%arg20 : memref<!tpu.dma_semaphore, #tpu.memory_space<semaphore_mem>>)
    %dma_wait3A_771 = arith.constant 0 : i32
    %dma_wait3A_772 = arith.constant 0 : i32
    %dma_wait3A_773 = tpu.memref_slice %arg3[%dma_wait3A_771, %dma_wait3A_772] : memref<100001x128xf32, #tpu.memory_space<hbm>> -> memref<128x128xf32, #tpu.memory_space<hbm>>
    %dma_wait3A_774 = arith.constant 0 : i32
    %dma_wait3A_775 = arith.constant 0 : i32
    %dma_wait3A_776 = tpu.memref_slice %arg3[%dma_wait3A_774, %dma_wait3A_775] : memref<100001x128xf32, #tpu.memory_space<hbm>> -> memref<128x128xf32, #tpu.memory_space<hbm>>
    tpu.wait_dma2 semaphore(%arg14 : memref<!tpu.dma_semaphore, #tpu.memory_space<semaphore_mem>>) src(%dma_wait3A_776 : memref<128x128xf32, #tpu.memory_space<hbm>>) dst(%arg7 : memref<128x128xf32, #tpu.memory_space<vmem>>)
    %dma_start3A_777 = arith.constant 43 : i32
    %dma_start3A_778 = arith.constant 0 : i32
    %dma_start3A_779 = tpu.memref_slice %arg4[%dma_start3A_777, %mul3A_2, %dma_start3A_778] : memref<50x4096x128xf32, #tpu.memory_space<hbm>> -> memref<1x128x128xf32, #tpu.memory_space<hbm>>
    %dma_start3A_780 = tpu.memref_squeeze %dma_start3A_779 : memref<1x128x128xf32, #tpu.memory_space<hbm>> -> memref<128x128xf32, #tpu.memory_space<hbm>>
    %dma_start3A_781 = arith.constant 0 : i32
    %dma_start3A_782 = tpu.memref_slice %arg4[%dma_start3A_777, %mul3A_2, %dma_start3A_781] : memref<50x4096x128xf32, #tpu.memory_space<hbm>> -> memref<1x128x128xf32, #tpu.memory_space<hbm>>
    %dma_start3A_783 = tpu.memref_squeeze %dma_start3A_782 : memref<1x128x128xf32, #tpu.memory_space<hbm>> -> memref<128x128xf32, #tpu.memory_space<hbm>>
    tpu.enqueue_dma source(%arg7 : memref<128x128xf32, #tpu.memory_space<vmem>>) target(%dma_start3A_783 : memref<128x128xf32, #tpu.memory_space<hbm>>) target_semaphore(%arg21 : memref<!tpu.dma_semaphore, #tpu.memory_space<semaphore_mem>>)
    %dma_wait3A_784 = arith.constant 0 : i32
    %dma_wait3A_785 = arith.constant 0 : i32
    %dma_wait3A_786 = tpu.memref_slice %arg3[%dma_wait3A_784, %dma_wait3A_785] : memref<100001x128xf32, #tpu.memory_space<hbm>> -> memref<128x128xf32, #tpu.memory_space<hbm>>
    %dma_wait3A_787 = arith.constant 0 : i32
    %dma_wait3A_788 = arith.constant 0 : i32
    %dma_wait3A_789 = tpu.memref_slice %arg3[%dma_wait3A_787, %dma_wait3A_788] : memref<100001x128xf32, #tpu.memory_space<hbm>> -> memref<128x128xf32, #tpu.memory_space<hbm>>
    tpu.wait_dma2 semaphore(%arg15 : memref<!tpu.dma_semaphore, #tpu.memory_space<semaphore_mem>>) src(%dma_wait3A_789 : memref<128x128xf32, #tpu.memory_space<hbm>>) dst(%arg8 : memref<128x128xf32, #tpu.memory_space<vmem>>)
    %dma_start3A_790 = arith.constant 44 : i32
    %dma_start3A_791 = arith.constant 0 : i32
    %dma_start3A_792 = tpu.memref_slice %arg4[%dma_start3A_790, %mul3A_2, %dma_start3A_791] : memref<50x4096x128xf32, #tpu.memory_space<hbm>> -> memref<1x128x128xf32, #tpu.memory_space<hbm>>
    %dma_start3A_793 = tpu.memref_squeeze %dma_start3A_792 : memref<1x128x128xf32, #tpu.memory_space<hbm>> -> memref<128x128xf32, #tpu.memory_space<hbm>>
    %dma_start3A_794 = arith.constant 0 : i32
    %dma_start3A_795 = tpu.memref_slice %arg4[%dma_start3A_790, %mul3A_2, %dma_start3A_794] : memref<50x4096x128xf32, #tpu.memory_space<hbm>> -> memref<1x128x128xf32, #tpu.memory_space<hbm>>
    %dma_start3A_796 = tpu.memref_squeeze %dma_start3A_795 : memref<1x128x128xf32, #tpu.memory_space<hbm>> -> memref<128x128xf32, #tpu.memory_space<hbm>>
    tpu.enqueue_dma source(%arg8 : memref<128x128xf32, #tpu.memory_space<vmem>>) target(%dma_start3A_796 : memref<128x128xf32, #tpu.memory_space<hbm>>) target_semaphore(%arg22 : memref<!tpu.dma_semaphore, #tpu.memory_space<semaphore_mem>>)
    %dma_wait3A_797 = arith.constant 0 : i32
    %dma_wait3A_798 = arith.constant 0 : i32
    %dma_wait3A_799 = tpu.memref_slice %arg3[%dma_wait3A_797, %dma_wait3A_798] : memref<100001x128xf32, #tpu.memory_space<hbm>> -> memref<128x128xf32, #tpu.memory_space<hbm>>
    %dma_wait3A_800 = arith.constant 0 : i32
    %dma_wait3A_801 = arith.constant 0 : i32
    %dma_wait3A_802 = tpu.memref_slice %arg3[%dma_wait3A_800, %dma_wait3A_801] : memref<100001x128xf32, #tpu.memory_space<hbm>> -> memref<128x128xf32, #tpu.memory_space<hbm>>
    tpu.wait_dma2 semaphore(%arg16 : memref<!tpu.dma_semaphore, #tpu.memory_space<semaphore_mem>>) src(%dma_wait3A_802 : memref<128x128xf32, #tpu.memory_space<hbm>>) dst(%arg9 : memref<128x128xf32, #tpu.memory_space<vmem>>)
    %dma_start3A_803 = arith.constant 45 : i32
    %dma_start3A_804 = arith.constant 0 : i32
    %dma_start3A_805 = tpu.memref_slice %arg4[%dma_start3A_803, %mul3A_2, %dma_start3A_804] : memref<50x4096x128xf32, #tpu.memory_space<hbm>> -> memref<1x128x128xf32, #tpu.memory_space<hbm>>
    %dma_start3A_806 = tpu.memref_squeeze %dma_start3A_805 : memref<1x128x128xf32, #tpu.memory_space<hbm>> -> memref<128x128xf32, #tpu.memory_space<hbm>>
    %dma_start3A_807 = arith.constant 0 : i32
    %dma_start3A_808 = tpu.memref_slice %arg4[%dma_start3A_803, %mul3A_2, %dma_start3A_807] : memref<50x4096x128xf32, #tpu.memory_space<hbm>> -> memref<1x128x128xf32, #tpu.memory_space<hbm>>
    %dma_start3A_809 = tpu.memref_squeeze %dma_start3A_808 : memref<1x128x128xf32, #tpu.memory_space<hbm>> -> memref<128x128xf32, #tpu.memory_space<hbm>>
    tpu.enqueue_dma source(%arg9 : memref<128x128xf32, #tpu.memory_space<vmem>>) target(%dma_start3A_809 : memref<128x128xf32, #tpu.memory_space<hbm>>) target_semaphore(%arg23 : memref<!tpu.dma_semaphore, #tpu.memory_space<semaphore_mem>>)
    %dma_wait3A_810 = arith.constant 0 : i32
    %dma_wait3A_811 = arith.constant 0 : i32
    %dma_wait3A_812 = tpu.memref_slice %arg3[%dma_wait3A_810, %dma_wait3A_811] : memref<100001x128xf32, #tpu.memory_space<hbm>> -> memref<128x128xf32, #tpu.memory_space<hbm>>
    %dma_wait3A_813 = arith.constant 0 : i32
    %dma_wait3A_814 = arith.constant 0 : i32
    %dma_wait3A_815 = tpu.memref_slice %arg3[%dma_wait3A_813, %dma_wait3A_814] : memref<100001x128xf32, #tpu.memory_space<hbm>> -> memref<128x128xf32, #tpu.memory_space<hbm>>
    tpu.wait_dma2 semaphore(%arg17 : memref<!tpu.dma_semaphore, #tpu.memory_space<semaphore_mem>>) src(%dma_wait3A_815 : memref<128x128xf32, #tpu.memory_space<hbm>>) dst(%arg10 : memref<128x128xf32, #tpu.memory_space<vmem>>)
    %dma_start3A_816 = arith.constant 46 : i32
    %dma_start3A_817 = arith.constant 0 : i32
    %dma_start3A_818 = tpu.memref_slice %arg4[%dma_start3A_816, %mul3A_2, %dma_start3A_817] : memref<50x4096x128xf32, #tpu.memory_space<hbm>> -> memref<1x128x128xf32, #tpu.memory_space<hbm>>
    %dma_start3A_819 = tpu.memref_squeeze %dma_start3A_818 : memref<1x128x128xf32, #tpu.memory_space<hbm>> -> memref<128x128xf32, #tpu.memory_space<hbm>>
    %dma_start3A_820 = arith.constant 0 : i32
    %dma_start3A_821 = tpu.memref_slice %arg4[%dma_start3A_816, %mul3A_2, %dma_start3A_820] : memref<50x4096x128xf32, #tpu.memory_space<hbm>> -> memref<1x128x128xf32, #tpu.memory_space<hbm>>
    %dma_start3A_822 = tpu.memref_squeeze %dma_start3A_821 : memref<1x128x128xf32, #tpu.memory_space<hbm>> -> memref<128x128xf32, #tpu.memory_space<hbm>>
    tpu.enqueue_dma source(%arg10 : memref<128x128xf32, #tpu.memory_space<vmem>>) target(%dma_start3A_822 : memref<128x128xf32, #tpu.memory_space<hbm>>) target_semaphore(%arg24 : memref<!tpu.dma_semaphore, #tpu.memory_space<semaphore_mem>>)
    %dma_wait3A_823 = arith.constant 0 : i32
    %dma_wait3A_824 = arith.constant 0 : i32
    %dma_wait3A_825 = tpu.memref_slice %arg3[%dma_wait3A_823, %dma_wait3A_824] : memref<100001x128xf32, #tpu.memory_space<hbm>> -> memref<128x128xf32, #tpu.memory_space<hbm>>
    %dma_wait3A_826 = arith.constant 0 : i32
    %dma_wait3A_827 = arith.constant 0 : i32
    %dma_wait3A_828 = tpu.memref_slice %arg3[%dma_wait3A_826, %dma_wait3A_827] : memref<100001x128xf32, #tpu.memory_space<hbm>> -> memref<128x128xf32, #tpu.memory_space<hbm>>
    tpu.wait_dma2 semaphore(%arg18 : memref<!tpu.dma_semaphore, #tpu.memory_space<semaphore_mem>>) src(%dma_wait3A_828 : memref<128x128xf32, #tpu.memory_space<hbm>>) dst(%arg11 : memref<128x128xf32, #tpu.memory_space<vmem>>)
    %dma_start3A_829 = arith.constant 47 : i32
    %dma_start3A_830 = arith.constant 0 : i32
    %dma_start3A_831 = tpu.memref_slice %arg4[%dma_start3A_829, %mul3A_2, %dma_start3A_830] : memref<50x4096x128xf32, #tpu.memory_space<hbm>> -> memref<1x128x128xf32, #tpu.memory_space<hbm>>
    %dma_start3A_832 = tpu.memref_squeeze %dma_start3A_831 : memref<1x128x128xf32, #tpu.memory_space<hbm>> -> memref<128x128xf32, #tpu.memory_space<hbm>>
    %dma_start3A_833 = arith.constant 0 : i32
    %dma_start3A_834 = tpu.memref_slice %arg4[%dma_start3A_829, %mul3A_2, %dma_start3A_833] : memref<50x4096x128xf32, #tpu.memory_space<hbm>> -> memref<1x128x128xf32, #tpu.memory_space<hbm>>
    %dma_start3A_835 = tpu.memref_squeeze %dma_start3A_834 : memref<1x128x128xf32, #tpu.memory_space<hbm>> -> memref<128x128xf32, #tpu.memory_space<hbm>>
    tpu.enqueue_dma source(%arg11 : memref<128x128xf32, #tpu.memory_space<vmem>>) target(%dma_start3A_835 : memref<128x128xf32, #tpu.memory_space<hbm>>) target_semaphore(%arg25 : memref<!tpu.dma_semaphore, #tpu.memory_space<semaphore_mem>>)
    %dma_wait3A_836 = arith.constant 0 : i32
    %dma_wait3A_837 = arith.constant 0 : i32
    %dma_wait3A_838 = tpu.memref_slice %arg3[%dma_wait3A_836, %dma_wait3A_837] : memref<100001x128xf32, #tpu.memory_space<hbm>> -> memref<128x128xf32, #tpu.memory_space<hbm>>
    %dma_wait3A_839 = arith.constant 0 : i32
    %dma_wait3A_840 = arith.constant 0 : i32
    %dma_wait3A_841 = tpu.memref_slice %arg3[%dma_wait3A_839, %dma_wait3A_840] : memref<100001x128xf32, #tpu.memory_space<hbm>> -> memref<128x128xf32, #tpu.memory_space<hbm>>
    tpu.wait_dma2 semaphore(%arg19 : memref<!tpu.dma_semaphore, #tpu.memory_space<semaphore_mem>>) src(%dma_wait3A_841 : memref<128x128xf32, #tpu.memory_space<hbm>>) dst(%arg12 : memref<128x128xf32, #tpu.memory_space<vmem>>)
    %dma_start3A_842 = arith.constant 48 : i32
    %dma_start3A_843 = arith.constant 0 : i32
    %dma_start3A_844 = tpu.memref_slice %arg4[%dma_start3A_842, %mul3A_2, %dma_start3A_843] : memref<50x4096x128xf32, #tpu.memory_space<hbm>> -> memref<1x128x128xf32, #tpu.memory_space<hbm>>
    %dma_start3A_845 = tpu.memref_squeeze %dma_start3A_844 : memref<1x128x128xf32, #tpu.memory_space<hbm>> -> memref<128x128xf32, #tpu.memory_space<hbm>>
    %dma_start3A_846 = arith.constant 0 : i32
    %dma_start3A_847 = tpu.memref_slice %arg4[%dma_start3A_842, %mul3A_2, %dma_start3A_846] : memref<50x4096x128xf32, #tpu.memory_space<hbm>> -> memref<1x128x128xf32, #tpu.memory_space<hbm>>
    %dma_start3A_848 = tpu.memref_squeeze %dma_start3A_847 : memref<1x128x128xf32, #tpu.memory_space<hbm>> -> memref<128x128xf32, #tpu.memory_space<hbm>>
    tpu.enqueue_dma source(%arg12 : memref<128x128xf32, #tpu.memory_space<vmem>>) target(%dma_start3A_848 : memref<128x128xf32, #tpu.memory_space<hbm>>) target_semaphore(%arg26 : memref<!tpu.dma_semaphore, #tpu.memory_space<semaphore_mem>>)
    %dma_wait3A_849 = arith.constant 0 : i32
    %dma_wait3A_850 = arith.constant 0 : i32
    %dma_wait3A_851 = arith.constant 0 : i32
    %dma_wait3A_852 = tpu.memref_slice %arg4[%dma_wait3A_849, %dma_wait3A_850, %dma_wait3A_851] : memref<50x4096x128xf32, #tpu.memory_space<hbm>> -> memref<1x128x128xf32, #tpu.memory_space<hbm>>
    %dma_wait3A_853 = tpu.memref_squeeze %dma_wait3A_852 : memref<1x128x128xf32, #tpu.memory_space<hbm>> -> memref<128x128xf32, #tpu.memory_space<hbm>>
    %dma_wait3A_854 = arith.constant 0 : i32
    %dma_wait3A_855 = arith.constant 0 : i32
    %dma_wait3A_856 = tpu.memref_slice %arg4[%dma_wait3A_849, %dma_wait3A_854, %dma_wait3A_855] : memref<50x4096x128xf32, #tpu.memory_space<hbm>> -> memref<1x128x128xf32, #tpu.memory_space<hbm>>
    %dma_wait3A_857 = tpu.memref_squeeze %dma_wait3A_856 : memref<1x128x128xf32, #tpu.memory_space<hbm>> -> memref<128x128xf32, #tpu.memory_space<hbm>>
    tpu.wait_dma2 semaphore(%arg20 : memref<!tpu.dma_semaphore, #tpu.memory_space<semaphore_mem>>) src(%arg6 : memref<128x128xf32, #tpu.memory_space<vmem>>) dst(%dma_wait3A_857 : memref<128x128xf32, #tpu.memory_space<hbm>>)
    %dma_start3A_858 = arith.constant 49 : i32
    %dma_start3A_859 = arith.constant 0 : i32
    %dma_start3A_860 = tpu.memref_slice %arg5[%dma_start3A_858, %dma_start3A_859] : memref<50x128xi32, #tpu.memory_space<vmem>> -> memref<1x128xi32, #tpu.memory_space<vmem>>
    %dma_start3A_861 = tpu.memref_squeeze %dma_start3A_860 : memref<1x128xi32, #tpu.memory_space<vmem>> -> memref<128xi32, #tpu.memory_space<vmem>>
    %dma_start3A_862 = arith.constant 0 : i32
    %dma_start3A_863 = arith.constant 0 : i32
    %dma_start3A_864 = tpu.memref_slice %arg3[%dma_start3A_862, %dma_start3A_863] : memref<100001x128xf32, #tpu.memory_space<hbm>> -> memref<100001x128xf32, #tpu.memory_space<hbm>>
    tpu.enqueue_indirect_dma source(%dma_start3A_864 : memref<100001x128xf32, #tpu.memory_space<hbm>>) target(%arg6 : memref<128x128xf32, #tpu.memory_space<vmem>>) offsets(%dma_start3A_861 : memref<128xi32, #tpu.memory_space<vmem>>) semaphore(%arg13 : memref<!tpu.dma_semaphore, #tpu.memory_space<semaphore_mem>>)
    %dma_wait3A_865 = arith.constant 0 : i32
    %dma_wait3A_866 = arith.constant 0 : i32
    %dma_wait3A_867 = tpu.memref_slice %arg3[%dma_wait3A_865, %dma_wait3A_866] : memref<100001x128xf32, #tpu.memory_space<hbm>> -> memref<128x128xf32, #tpu.memory_space<hbm>>
    %dma_wait3A_868 = arith.constant 0 : i32
    %dma_wait3A_869 = arith.constant 0 : i32
    %dma_wait3A_870 = tpu.memref_slice %arg3[%dma_wait3A_868, %dma_wait3A_869] : memref<100001x128xf32, #tpu.memory_space<hbm>> -> memref<128x128xf32, #tpu.memory_space<hbm>>
    tpu.wait_dma2 semaphore(%arg13 : memref<!tpu.dma_semaphore, #tpu.memory_space<semaphore_mem>>) src(%dma_wait3A_870 : memref<128x128xf32, #tpu.memory_space<hbm>>) dst(%arg6 : memref<128x128xf32, #tpu.memory_space<vmem>>)
    %dma_start3A_871 = arith.constant 49 : i32
    %dma_start3A_872 = arith.constant 0 : i32
    %dma_start3A_873 = tpu.memref_slice %arg4[%dma_start3A_871, %mul3A_2, %dma_start3A_872] : memref<50x4096x128xf32, #tpu.memory_space<hbm>> -> memref<1x128x128xf32, #tpu.memory_space<hbm>>
    %dma_start3A_874 = tpu.memref_squeeze %dma_start3A_873 : memref<1x128x128xf32, #tpu.memory_space<hbm>> -> memref<128x128xf32, #tpu.memory_space<hbm>>
    %dma_start3A_875 = arith.constant 0 : i32
    %dma_start3A_876 = tpu.memref_slice %arg4[%dma_start3A_871, %mul3A_2, %dma_start3A_875] : memref<50x4096x128xf32, #tpu.memory_space<hbm>> -> memref<1x128x128xf32, #tpu.memory_space<hbm>>
    %dma_start3A_877 = tpu.memref_squeeze %dma_start3A_876 : memref<1x128x128xf32, #tpu.memory_space<hbm>> -> memref<128x128xf32, #tpu.memory_space<hbm>>
    tpu.enqueue_dma source(%arg6 : memref<128x128xf32, #tpu.memory_space<vmem>>) target(%dma_start3A_877 : memref<128x128xf32, #tpu.memory_space<hbm>>) target_semaphore(%arg20 : memref<!tpu.dma_semaphore, #tpu.memory_space<semaphore_mem>>)
    %dma_wait3A_878 = arith.constant 0 : i32
    %dma_wait3A_879 = arith.constant 0 : i32
    %dma_wait3A_880 = arith.constant 0 : i32
    %dma_wait3A_881 = tpu.memref_slice %arg4[%dma_wait3A_878, %dma_wait3A_879, %dma_wait3A_880] : memref<50x4096x128xf32, #tpu.memory_space<hbm>> -> memref<1x128x128xf32, #tpu.memory_space<hbm>>
    %dma_wait3A_882 = tpu.memref_squeeze %dma_wait3A_881 : memref<1x128x128xf32, #tpu.memory_space<hbm>> -> memref<128x128xf32, #tpu.memory_space<hbm>>
    %dma_wait3A_883 = arith.constant 0 : i32
    %dma_wait3A_884 = arith.constant 0 : i32
    %dma_wait3A_885 = tpu.memref_slice %arg4[%dma_wait3A_878, %dma_wait3A_883, %dma_wait3A_884] : memref<50x4096x128xf32, #tpu.memory_space<hbm>> -> memref<1x128x128xf32, #tpu.memory_space<hbm>>
    %dma_wait3A_886 = tpu.memref_squeeze %dma_wait3A_885 : memref<1x128x128xf32, #tpu.memory_space<hbm>> -> memref<128x128xf32, #tpu.memory_space<hbm>>
    tpu.wait_dma2 semaphore(%arg20 : memref<!tpu.dma_semaphore, #tpu.memory_space<semaphore_mem>>) src(%arg6 : memref<128x128xf32, #tpu.memory_space<vmem>>) dst(%dma_wait3A_886 : memref<128x128xf32, #tpu.memory_space<hbm>>)
    %dma_wait3A_887 = arith.constant 0 : i32
    %dma_wait3A_888 = arith.constant 0 : i32
    %dma_wait3A_889 = arith.constant 0 : i32
    %dma_wait3A_890 = tpu.memref_slice %arg4[%dma_wait3A_887, %dma_wait3A_888, %dma_wait3A_889] : memref<50x4096x128xf32, #tpu.memory_space<hbm>> -> memref<1x128x128xf32, #tpu.memory_space<hbm>>
    %dma_wait3A_891 = tpu.memref_squeeze %dma_wait3A_890 : memref<1x128x128xf32, #tpu.memory_space<hbm>> -> memref<128x128xf32, #tpu.memory_space<hbm>>
    %dma_wait3A_892 = arith.constant 0 : i32
    %dma_wait3A_893 = arith.constant 0 : i32
    %dma_wait3A_894 = tpu.memref_slice %arg4[%dma_wait3A_887, %dma_wait3A_892, %dma_wait3A_893] : memref<50x4096x128xf32, #tpu.memory_space<hbm>> -> memref<1x128x128xf32, #tpu.memory_space<hbm>>
    %dma_wait3A_895 = tpu.memref_squeeze %dma_wait3A_894 : memref<1x128x128xf32, #tpu.memory_space<hbm>> -> memref<128x128xf32, #tpu.memory_space<hbm>>
    tpu.wait_dma2 semaphore(%arg21 : memref<!tpu.dma_semaphore, #tpu.memory_space<semaphore_mem>>) src(%arg7 : memref<128x128xf32, #tpu.memory_space<vmem>>) dst(%dma_wait3A_895 : memref<128x128xf32, #tpu.memory_space<hbm>>)
    %dma_wait3A_896 = arith.constant 0 : i32
    %dma_wait3A_897 = arith.constant 0 : i32
    %dma_wait3A_898 = arith.constant 0 : i32
    %dma_wait3A_899 = tpu.memref_slice %arg4[%dma_wait3A_896, %dma_wait3A_897, %dma_wait3A_898] : memref<50x4096x128xf32, #tpu.memory_space<hbm>> -> memref<1x128x128xf32, #tpu.memory_space<hbm>>
    %dma_wait3A_900 = tpu.memref_squeeze %dma_wait3A_899 : memref<1x128x128xf32, #tpu.memory_space<hbm>> -> memref<128x128xf32, #tpu.memory_space<hbm>>
    %dma_wait3A_901 = arith.constant 0 : i32
    %dma_wait3A_902 = arith.constant 0 : i32
    %dma_wait3A_903 = tpu.memref_slice %arg4[%dma_wait3A_896, %dma_wait3A_901, %dma_wait3A_902] : memref<50x4096x128xf32, #tpu.memory_space<hbm>> -> memref<1x128x128xf32, #tpu.memory_space<hbm>>
    %dma_wait3A_904 = tpu.memref_squeeze %dma_wait3A_903 : memref<1x128x128xf32, #tpu.memory_space<hbm>> -> memref<128x128xf32, #tpu.memory_space<hbm>>
    tpu.wait_dma2 semaphore(%arg22 : memref<!tpu.dma_semaphore, #tpu.memory_space<semaphore_mem>>) src(%arg8 : memref<128x128xf32, #tpu.memory_space<vmem>>) dst(%dma_wait3A_904 : memref<128x128xf32, #tpu.memory_space<hbm>>)
    %dma_wait3A_905 = arith.constant 0 : i32
    %dma_wait3A_906 = arith.constant 0 : i32
    %dma_wait3A_907 = arith.constant 0 : i32
    %dma_wait3A_908 = tpu.memref_slice %arg4[%dma_wait3A_905, %dma_wait3A_906, %dma_wait3A_907] : memref<50x4096x128xf32, #tpu.memory_space<hbm>> -> memref<1x128x128xf32, #tpu.memory_space<hbm>>
    %dma_wait3A_909 = tpu.memref_squeeze %dma_wait3A_908 : memref<1x128x128xf32, #tpu.memory_space<hbm>> -> memref<128x128xf32, #tpu.memory_space<hbm>>
    %dma_wait3A_910 = arith.constant 0 : i32
    %dma_wait3A_911 = arith.constant 0 : i32
    %dma_wait3A_912 = tpu.memref_slice %arg4[%dma_wait3A_905, %dma_wait3A_910, %dma_wait3A_911] : memref<50x4096x128xf32, #tpu.memory_space<hbm>> -> memref<1x128x128xf32, #tpu.memory_space<hbm>>
    %dma_wait3A_913 = tpu.memref_squeeze %dma_wait3A_912 : memref<1x128x128xf32, #tpu.memory_space<hbm>> -> memref<128x128xf32, #tpu.memory_space<hbm>>
    tpu.wait_dma2 semaphore(%arg23 : memref<!tpu.dma_semaphore, #tpu.memory_space<semaphore_mem>>) src(%arg9 : memref<128x128xf32, #tpu.memory_space<vmem>>) dst(%dma_wait3A_913 : memref<128x128xf32, #tpu.memory_space<hbm>>)
    %dma_wait3A_914 = arith.constant 0 : i32
    %dma_wait3A_915 = arith.constant 0 : i32
    %dma_wait3A_916 = arith.constant 0 : i32
    %dma_wait3A_917 = tpu.memref_slice %arg4[%dma_wait3A_914, %dma_wait3A_915, %dma_wait3A_916] : memref<50x4096x128xf32, #tpu.memory_space<hbm>> -> memref<1x128x128xf32, #tpu.memory_space<hbm>>
    %dma_wait3A_918 = tpu.memref_squeeze %dma_wait3A_917 : memref<1x128x128xf32, #tpu.memory_space<hbm>> -> memref<128x128xf32, #tpu.memory_space<hbm>>
    %dma_wait3A_919 = arith.constant 0 : i32
    %dma_wait3A_920 = arith.constant 0 : i32
    %dma_wait3A_921 = tpu.memref_slice %arg4[%dma_wait3A_914, %dma_wait3A_919, %dma_wait3A_920] : memref<50x4096x128xf32, #tpu.memory_space<hbm>> -> memref<1x128x128xf32, #tpu.memory_space<hbm>>
    %dma_wait3A_922 = tpu.memref_squeeze %dma_wait3A_921 : memref<1x128x128xf32, #tpu.memory_space<hbm>> -> memref<128x128xf32, #tpu.memory_space<hbm>>
    tpu.wait_dma2 semaphore(%arg24 : memref<!tpu.dma_semaphore, #tpu.memory_space<semaphore_mem>>) src(%arg10 : memref<128x128xf32, #tpu.memory_space<vmem>>) dst(%dma_wait3A_922 : memref<128x128xf32, #tpu.memory_space<hbm>>)
    %dma_wait3A_923 = arith.constant 0 : i32
    %dma_wait3A_924 = arith.constant 0 : i32
    %dma_wait3A_925 = arith.constant 0 : i32
    %dma_wait3A_926 = tpu.memref_slice %arg4[%dma_wait3A_923, %dma_wait3A_924, %dma_wait3A_925] : memref<50x4096x128xf32, #tpu.memory_space<hbm>> -> memref<1x128x128xf32, #tpu.memory_space<hbm>>
    %dma_wait3A_927 = tpu.memref_squeeze %dma_wait3A_926 : memref<1x128x128xf32, #tpu.memory_space<hbm>> -> memref<128x128xf32, #tpu.memory_space<hbm>>
    %dma_wait3A_928 = arith.constant 0 : i32
    %dma_wait3A_929 = arith.constant 0 : i32
    %dma_wait3A_930 = tpu.memref_slice %arg4[%dma_wait3A_923, %dma_wait3A_928, %dma_wait3A_929] : memref<50x4096x128xf32, #tpu.memory_space<hbm>> -> memref<1x128x128xf32, #tpu.memory_space<hbm>>
    %dma_wait3A_931 = tpu.memref_squeeze %dma_wait3A_930 : memref<1x128x128xf32, #tpu.memory_space<hbm>> -> memref<128x128xf32, #tpu.memory_space<hbm>>
    tpu.wait_dma2 semaphore(%arg25 : memref<!tpu.dma_semaphore, #tpu.memory_space<semaphore_mem>>) src(%arg11 : memref<128x128xf32, #tpu.memory_space<vmem>>) dst(%dma_wait3A_931 : memref<128x128xf32, #tpu.memory_space<hbm>>)
    %dma_wait3A_932 = arith.constant 0 : i32
    %dma_wait3A_933 = arith.constant 0 : i32
    %dma_wait3A_934 = arith.constant 0 : i32
    %dma_wait3A_935 = tpu.memref_slice %arg4[%dma_wait3A_932, %dma_wait3A_933, %dma_wait3A_934] : memref<50x4096x128xf32, #tpu.memory_space<hbm>> -> memref<1x128x128xf32, #tpu.memory_space<hbm>>
    %dma_wait3A_936 = tpu.memref_squeeze %dma_wait3A_935 : memref<1x128x128xf32, #tpu.memory_space<hbm>> -> memref<128x128xf32, #tpu.memory_space<hbm>>
    %dma_wait3A_937 = arith.constant 0 : i32
    %dma_wait3A_938 = arith.constant 0 : i32
    %dma_wait3A_939 = tpu.memref_slice %arg4[%dma_wait3A_932, %dma_wait3A_937, %dma_wait3A_938] : memref<50x4096x128xf32, #tpu.memory_space<hbm>> -> memref<1x128x128xf32, #tpu.memory_space<hbm>>
    %dma_wait3A_940 = tpu.memref_squeeze %dma_wait3A_939 : memref<1x128x128xf32, #tpu.memory_space<hbm>> -> memref<128x128xf32, #tpu.memory_space<hbm>>
    tpu.wait_dma2 semaphore(%arg26 : memref<!tpu.dma_semaphore, #tpu.memory_space<semaphore_mem>>) src(%arg12 : memref<128x128xf32, #tpu.memory_space<vmem>>) dst(%dma_wait3A_940 : memref<128x128xf32, #tpu.memory_space<hbm>>)
    return
  }
}

</mosaic_0001>

<sc_bundles>
// kernel: kernel.3.cloned.1.call-start
scs
__scs_entry_jumppad:
0x0: {  	(pc) =	sbr.rel $0x88, $3  }
0x1: {  	(tag) =	ssettag $0x0;
	lr =	simm.s32 $0x1  }
0x2: {  	[smem:$0x3F9F] =	sst lr;
	_ =	strace $0xD0000000  }
0x3: {  	_ = 	snop  }
0x4: {  	_ = 	snop  }
0x5: {  	_ = 	snop  }
0x6: {  	_ = 	snop  }
0x7: {  	_ = 	snop  }
__scs_overlays_trampoline_lowered:
0x8: {  	[smem:$0x3FAE] =	sst s0  }
0x9: {  	[smem:$0x3FAF] =	sst s1  }
0xa: {  	[smem:$0x3FB0] =	sst s2  }
0xb: {  	[smem:$0x3FB1] =	sst s3  }
0xc: {  	[smem:$0x3FB2] =	sst s4  }
0xd: {  	[smem:$0x3FB3] =	sst s5  }
0xe: {  	[smem:$0x3FB4] =	sst s6  }
0xf: {  	[smem:$0x3FB5] =	sst s7  }
0x10: {  	[smem:$0x3FB6] =	sst s8  }
0x11: {  	[smem:$0x3FB7] =	sst s9;
	s0 =	simm.s32 @!p0 $0x0  }
0x12: {  	s1 =	sld [smem:$0x3F9D];
	s0 =	simm.s32 @p0 $0x1  }
0x13: {  	[smem:$0x3FB8] =	sst s0;
	s0 =	simm.s32 @!p1 $0x0  }
0x14: {  	s2 =	sld [smem:$0x3F9C];
	s0 =	simm.s32 @p1 $0x1  }
0x15: {  	[smem:$0x3FB9] =	sst s0;
	s0 =	simm.s32 @!p2 $0x0  }
0x16: {  	s3 =	sld [smem:$0x3FDB];
	s0 =	simm.s32 @p2 $0x1  }
0x17: {  	s4 =	simm.s32 $0x1BF5;
	[smem:$0x3FBB] =	sst s0  }
0x18: {  	s0 =	sld [smem:$0x3F9E];
	_ =	swait.ge [sflag:s4], $0x0  }
0x19: {  	s7 =	sld [smem:$0x3F9F]  }
0x1a: {  	s8 =	sadd.s32 $0xFFFFE003, lr  }
0x1b: {  	s9 =	sadd.s32 $0xFFFFFEF7, lr;
	s5 =	simm.s32 $0xFFFFFFFF;
	p2 =	slt.u32 s8, $0xFFFFF086  }
0x1c: {  	p1 =	slt.u32 s9, $0xF7A;
	s5 =	simm.s32 @!p2 $0x0  }
0x1d: {  	s5 =	simm.s32 @p1 $0x1;
	p0 =	seq.s32 s7, s2  }
0x1e: {  	s7 =	smul.u32 @!p0 $0xF7A, s2;
	p2 =	seq.s32 @!p0 s5, $0x0  }
0x1f: {  	s9 =	smul.u32 $0xF7A, s1;
	s8 =	simm.s32 @!p0 $0x1BF5;
	p2 =	por !p2, p0  }
0x20: {  	[sflag:s8] =	ssyncset.s32 @!p0 $0xFFFFF086;
	s6 =	sadd.s32 @!p0 s3, s7;
	s7 =	simm.s32 @!p0 $0x108  }
0x21: {  	s3 =	sadd.s32 s3, s9;
	s6 =	sadd.s32 @!p0 $0x88, s6;
	s7 =	simm.s32 @p2 $0x1082  }
0x22: {  	[simem:s7], [sflag:s8] =	dma.local @!p0 [hbm:s6], $0xF7A  }
0x23: {  	s9 =	sor.u32 $0xD0000000, s2;
	s6 =	simm.s32 $0x108;
	_ =	swait.ge @!p0 [sflag:s8], $0x0  }
0x24: {  	s3 =	sadd.s32 $0x88, s3;
	s6 =	simm.s32 @!p1 $0x1082;
	[sflag:s4] =	ssyncset.s32 $0xFFFFF086  }
0x25: {  	[simem:s6], [sflag:s4] =	dma.local [hbm:s3], $0xF7A  }
0x26: {  	[smem:$0x3F9F] =	sst s1;
	(tag) =	ssettag s2;
	_ =	strace s9  }
0x27: {  	s1 =	sld [smem:$0x3FAF]  }
0x28: {  	s2 =	sld [smem:$0x3FB0]  }
0x29: {  	s4 =	sld [smem:$0x3FB2]  }
0x2a: {  	p0 =	seq.s32 s5, $0x0;
	s5 =	sld [smem:$0x3FB3]  }
0x2b: {  	s6 =	sld [smem:$0x3FB4]  }
0x2c: {  	s7 =	sld [smem:$0x3FB5]  }
0x2d: {  	s3 =	simm.s32 $0x108;
	s8 =	sld [smem:$0x3FB6]  }
0x2e: {  	s3 =	simm.s32 @!p0 $0x1082;
	s9 =	sld [smem:$0x3FB7]  }
0x2f: {  	lr =	sadd.s32 s0, s3;
	s0 =	sld [smem:$0x3FAE]  }
0x30: {  	s3 =	sld [smem:$0x3FB1]  }
0x31: {  	[smem:$0x3FBA] =	sst s10  }
0x32: {  	s10 =	sld [smem:$0x3FB8];
	_ =	sdelay $0x3  }
0x33: {  	p0 =	seq.s32 s10, $0x1;
	s10 =	sld [smem:$0x3FBA];
	_ =	sdelay $0x3  }
0x34: {  	[smem:$0x3FBA] =	sst s10  }
0x35: {  	s10 =	sld [smem:$0x3FB9];
	_ =	sdelay $0x3  }
0x36: {  	p1 =	seq.s32 s10, $0x1;
	s10 =	sld [smem:$0x3FBA];
	_ =	sdelay $0x3  }
0x37: {  	[smem:$0x3FBA] =	sst s10  }
0x38: {  	s10 =	sld [smem:$0x3FBB]  }
0x39: {  	_ = 	snop;
	(pc) =	sbr.ind lr, $3  }
0x3a: {  	_ = 	snop  }
0x3b: {  	_ = 	snop  }
0x3c: {  	p2 =	seq.s32 s10, $0x1;
	s10 =	sld [smem:$0x3FBA]  }
0x3d: {  	_ =	shalt  }
0x3e: {  	_ =	shalt  }
0x3f: {  	_ =	shalt  }
0x40: {  	_ =	shalt  }
0x41: {  	_ =	shalt  }
0x42: {  	_ =	shalt  }
0x43: {  	_ =	shalt  }
0x44: {  	_ =	shalt  }
0x45: {  	_ =	shalt  }
0x46: {  	_ =	shalt  }
0x47: {  	_ =	shalt  }
0x48: {  	_ =	shalt  }
0x49: {  	_ =	shalt  }
0x4a: {  	_ =	shalt  }
0x4b: {  	_ =	shalt  }
0x4c: {  	_ =	shalt  }
0x4d: {  	_ =	shalt  }
0x4e: {  	_ =	shalt  }
0x4f: {  	_ =	shalt  }
0x50: {  	_ =	shalt  }
0x51: {  	_ =	shalt  }
0x52: {  	_ =	shalt  }
0x53: {  	_ =	shalt  }
0x54: {  	_ =	shalt  }
0x55: {  	_ =	shalt  }
0x56: {  	_ =	shalt  }
0x57: {  	_ =	shalt  }
0x58: {  	_ =	shalt  }
0x59: {  	_ =	shalt  }
0x5a: {  	_ =	shalt  }
0x5b: {  	_ =	shalt  }
0x5c: {  	_ =	shalt  }
0x5d: {  	_ =	shalt  }
0x5e: {  	_ =	shalt  }
0x5f: {  	_ =	shalt  }
0x60: {  	_ =	shalt  }
0x61: {  	_ =	shalt  }
0x62: {  	_ =	shalt  }
0x63: {  	_ =	shalt  }
0x64: {  	_ =	shalt  }
0x65: {  	_ =	shalt  }
0x66: {  	_ =	shalt  }
0x67: {  	_ =	shalt  }
0x68: {  	_ =	shalt  }
0x69: {  	_ =	shalt  }
0x6a: {  	_ =	shalt  }
0x6b: {  	_ =	shalt  }
0x6c: {  	_ =	shalt  }
0x6d: {  	_ =	shalt  }
0x6e: {  	_ =	shalt  }
0x6f: {  	_ =	shalt  }
0x70: {  	_ =	shalt  }
0x71: {  	_ =	shalt  }
0x72: {  	_ =	shalt  }
0x73: {  	_ =	shalt  }
0x74: {  	_ =	shalt  }
0x75: {  	_ =	shalt  }
0x76: {  	_ =	shalt  }
0x77: {  	_ =	shalt  }
0x78: {  	_ =	shalt  }
0x79: {  	_ =	shalt  }
0x7a: {  	_ =	shalt  }
0x7b: {  	_ =	shalt  }
0x7c: {  	_ =	shalt  }
0x7d: {  	_ =	shalt  }
0x7e: {  	_ =	shalt  }
0x7f: {  	_ =	shalt  }
0x80: {  	_ =	shalt  }
0x81: {  	_ =	shalt  }
0x82: {  	_ =	shalt  }
0x83: {  	_ =	shalt  }
0x84: {  	_ =	shalt  }
0x85: {  	_ =	shalt  }
0x86: {  	_ =	shalt  }
0x87: {  	_ =	shalt  }
.Lfunc_end0:
.L_simem_size_0:
called_computation_lowered:
.L_overlay_start_0:
0x88: {  	s2 =	sld [smem:$0x3FD9]  }
0x89: {  	s3 =	sld [smem:$0x3FFE];
	_ =	sdelay $0x1  }
0x8a: {  	s1 =	srdreg.scid  }
0x8b: {  	s0 =	sand.u32 $0x1, s1  }
0x8c: {  	s18 =	sshll.u32 s0, $0xA;
	s2 =	sadd.s32 s3, s2  }
0x8d: {  	s2 =	sadd.s32 s2, s18  }
0x8e: {  	[smem:$0x3FC6] =	sst s2  }
0x8f: {  	_ = 	snop  }
0x90: {  	s2 =	sld [smem:$0x3FC9]  }
0x91: {  	s19 =	sld [smem:$0x3FC8]  }
0x92: {  	s4 =	sld [smem:$0x3FD0];
	(tm) =	ssettm $0x1  }
0x93: {  	s5 =	sld [smem:$0x3FFB];
	_ =	sdelay $0x3  }
0x94: {  	_ =	strace s5  }
0x95: {  	s5 =	sld [smem:$0x3FFC];
	_ =	sdelay $0x3  }
0x96: {  	_ =	strace s5  }
0x97: {  	s5 =	sld [smem:$0x3FFD];
	_ =	sdelay $0x3  }
0x98: {  	_ =	strace s5  }
0x99: {  	_ =	strace $0x8FFFFFFF  }
0x9a: {  	s20 =	sld [smem:$0x3FDB];
	_ =	sdelay $0x1  }
0x9b: {  	s6 =	simm.s32 $_scs_section_size  }
0x9c: {  	s7 =	simm.s32 $_size__tile_overlayer_lowered;
	s8 =	simm.s32 $_tile_overlayer_lowered  }
0x9d: {  	s23 =	simm.s32 $0x1BFF;
	s22 =	sshll.u32 s8, $0x1;
	s5 =	sadd.s32 s6, s20  }
0x9e: {  	s9 =	simm.s32 $0x0;
	s21 =	sshll.u32 s7, $0x1;
	s7 =	sadd.s32 s22, s5  }
0x9f: {  	[timem:s9], [sflag:s23] =	dma.local [hbm:s7], s21  }
0xa0: {  	_ =	swait.ge [sflag:s23], s21  }
0xa1: {  	s6 =	ssub.s32 $0x0, s21;
	[sflag:s23] =	ssyncset.done $0x0  }
0xa2: {  	[sflag:s23] =	ssyncadd.s32 s6;
	_ =	sdelay $0x1  }
0xa3: {  	s24 =	simm.s32 $0x1B8B  }
0xa4: {  	_ =	swait.ge [sflag:s24], $0x1  }
0xa5: {  	[sflag:s24] =	ssyncset.done $0x0  }
0xa6: {  	s25 =	simm.s32 $0x1B8E;
	[sflag:s24] =	ssyncadd.s32 $0xFFFFFFFF  }
0xa7: {  	s26 =	simm.s32 $execute0_lowered;
	[smem:$0x3FD2] =	sst s25  }
0xa8: {  	s6 =	sshll.u32 s26, $0x1;
	_ =	strace $0x80000046;
	[dreg:$0x1] =	wrdreg $0xFFFFFFFF  }
0xa9: {  	s28 =	simm.s32 $_size_execute0_lowered;
	s5 =	sadd.s32 s5, s6;
	[dreg:$0x0] =	wrdreg $0x0  }
0xaa: {  	s6 =	sshll.u32 s28, $0x1;
	[dreg:$0x2] =	wrdreg s5  }
0xab: {  	[dreg:$0x3] =	wrdreg s6  }
0xac: {  	[dreg:$0x4] =	wrdreg $0xC0  }
0xad: {  	_ =	task [dreg:s9], $0x5FFFF  }
0xae: {  	[dreg:$0x1] =	wrdreg $0xFFFFFFFF  }
0xaf: {  	[dreg:$0x0] =	wrdreg $0x60  }
0xb0: {  	[dreg:$0x2] =	wrdreg s2  }
0xb1: {  	[dreg:$0x3] =	wrdreg s19  }
0xb2: {  	[dreg:$0x4] =	wrdreg s4  }
0xb3: {  	[dreg:$0x5] =	wrdreg $0x9  }
0xb4: {  	_ =	task.clear_ibuf [dreg:s9], $0x6FFFF;
	_ =	strace $0x90000046  }
0xb5: {  	s29 =	simm.s32 $0x9;
	_ =	strace $0x80000048  }
0xb6: {  	_ =	swait.ge [sflag:s29], $0x1  }
0xb7: {  	[sflag:s29] =	ssyncadd.s32 $0xFFFFFFFF  }
0xb8: {  	_ =	strace $0x90000048  }
0xb9: {  	_ =	sfence  }
0xba: {  	s30 =	sld [smem:$0x0];
	_ =	sdelay $0x2  }
0xbb: {  	s31 =	sshll.u32 s1, $0xD;
	s1 =	sshrl.u32 s1, $0x2  }
0xbc: {  	s3 =	sand.u32 $0x4000, s31;
	s1 =	sadd.s32 s1, s30  }
0xbd: {  	s0 =	sor.u32 s3, s0;
	s1 =	sshll.u32 s1, $0x11  }
0xbe: {  	s0 =	sor.u32 s1, s0  }
0xbf: {  	s0 =	sadd.s32 $0x8F2B, s0  }
0xc0: {  	[sflag:s0] =	ssyncadd.remote.s32 $0x1  }
0xc1: {  	_ =	sfence.sel $0xFFFF  }
0xc2: {  	[dreg:$0x0] =	wrdreg $0xFFFFFFFF;
	(pc) =	sbr.abs _section_cstart, $3  }
0xc3: {  	[dreg:$0x1] =	wrdreg $0xFFFFFFFF  }
0xc4: {  	_ =	task.clear_ibuf [dreg:s9], $0x2FFFF;
	_ =	strace $0x9FFFFFFF  }
0xc5: {  	(tm) =	ssettm $0x7FFFFFFF  }
tec
execute0_lowered:
.L_overlay_start_1:
0x0: {  	(tag) =	ssettag $0x1  }
0x1: {  	s0 =	rddreg [dreg:$0x0]  }
0x2: {  	s2 =	rddreg [dreg:$0x1]  }
0x3: {  	s8 =	rddreg [dreg:$0x2];
	s1 =	srdreg.scid  }
0x4: {  	s7 =	stileid.u32;
	s4 =	simm.s32 $0x0;
	s29 =	simm.s32 $0x11C00  }
0x5: {  	s31 =	simm.s32 $0x15C00;
	s28 =	simm.s32 $0x7;
	s30 =	simm.s32 $0x8  }
0x6: {  	s1 =	sand.u32 $0x1, s1;
	s3 =	sshll.u32 s7, $0x8;
	[smem:$0x7FF] =	sst s4  }
0x7: {  	s5 =	sshll.u32 s1, $0x7;
	s6 =	ssub.s32 $0x2, s1;
	_ =	strace $0x80000047  }
0x8: {  	s1 =	sshll.u32 s1, $0xE;
	s3 =	sor.u32 s5, s3;
	s26 =	sshrl.u32 s6, $0x1  }
0x9: {  	s9 =	sadd.s32 s0, s3;
	s0 =	ssub.s32 s6, s26;
	s3 =	sshll.u32 s3, $0x4  }
0xa: {  	[dreg:$0xb] =	wrdreg s9;
	s6 =	sadd.s32 $0x6000, s9;
	s3 =	sadd.s32 s3, s8  }
0xb: {  	s8 =	sshll.u32 s7, $0xF;
	s7 =	simm.s32 $0xB;
	[dreg:$0xc] =	wrdreg s6  }
0xc: {  	s9 =	sadd.s32 $0x2A0000, s3;
	s10 =	sadd.s32 $0x2B0000, s3;
	s1 =	sor.u32 s1, s8  }
0xd: {  	s11 =	sadd.s32 $0x2C0000, s3;
	s12 =	sadd.s32 $0x2D0000, s3;
	[dreg:$0xd] =	wrdreg s9  }
0xe: {  	s14 =	sadd.s32 $0x2E0000, s3;
	s24 =	sadd.s32 $0x2F0000, s3;
	[dreg:$0xe] =	wrdreg s10  }
0xf: {  	s26 =	sadd.s32 $0x300000, s3;
	s3 =	sadd.s32 $0x310000, s3;
	[dreg:$0xf] =	wrdreg s11  }
0x10: {  	s6 =	simm.s32 $0xA;
	s8 =	simm.s32 $0xC;
	[dreg:$0x10] =	wrdreg s12  }
0x11: {  	s13 =	sor.u32 $0x300000, s1;
	[dreg:$0x11] =	wrdreg s14;
	s15 =	sor.u32 $0x280000, s1  }
0x12: {  	s17 =	sor.u32 $0x200000, s1;
	s19 =	sor.u32 $0x180000, s1;
	[dreg:$0x12] =	wrdreg s24  }
0x13: {  	s21 =	sor.u32 $0x100000, s1;
	s23 =	sor.u32 $0x80000, s1;
	[dreg:$0x13] =	wrdreg s26  }
0x14: {  	s1 =	sshrl.u32 s1, $0x3;
	[dreg:$0x14] =	wrdreg s3;
	s24 =	simm.s32 $0x9C00  }
0x15: {  	s26 =	simm.s32 $0xDC00;
	s3 =	simm.s32 $0x1;
	s9 =	simm.s32 $0xD  }
0x16: {  	s10 =	simm.s32 $0xE;
	s11 =	simm.s32 $0x0;
	s5 =	sshrl.u32 s13, $0x3  }
0x17: {  	s16 =	sshrl.u32 s15, $0x3;
	s18 =	sshrl.u32 s17, $0x3;
	[dreg:$0xa] =	wrdreg s1  }
0x18: {  	s20 =	sshrl.u32 s19, $0x3;
	s22 =	sshrl.u32 s21, $0x3;
	[dreg:$0x4] =	wrdreg s5  }
0x19: {  	s25 =	sshrl.u32 s23, $0x3;
	s15 =	smax.u32 s0, $0x1;
	[dreg:$0x5] =	wrdreg s16  }
0x1a: {  	s19 =	simm.s32 $0xF;
	s21 =	simm.s32 $0x1C00;
	[dreg:$0x6] =	wrdreg s18  }
0x1b: {  	s1 =	simm.s32 $0x19C00;
	s17 =	simm.s32 $0x3;
	[dreg:$0x7] =	wrdreg s20  }
0x1c: {  	s23 =	simm.s32 $0x5;
	s0 =	simm.s32 $0x9;
	[dreg:$0x8] =	wrdreg s22  }
0x1d: {  	[dreg:$0x9] =	wrdreg s25;
	s20 =	simm.s32 $0x80;
	s22 =	simm.s32 $0x5C00  }
0x1e: {  	s16 =	simm.s32 $0x2;
	s18 =	simm.s32 $0x4;
	s25 =	simm.s32 $0x6  }
.LBB2_1:
0x1f: {  	s5 =	rddreg [dreg:$0xb];
	s12 =	simm.s32 $0x400;
	s13 =	simm.s32 $0x8000  }
0x20: {  	[tilespmem:s4], [sflag:$0xF] =	stream.strided.gather [hbm4b:s5+s12], $0x1800, s13, s12, $0x38;
	[tilespmem:$0x1DC00] =	vst v63  }
0x21: {  	s14 =	simm.s32 $0x1800;
	s13 =	rddreg [dreg:$0xc]  }
0x22: {  	[tilespmem:s14], [sflag:$0xF] =	stream.linear.gather [hbm4b:s13+s4], $0x100, $0x38;
	[tilespmem:$0x1DC00] =	vst v63  }
0x23: {  	_ =	swait.ge [sflag:s19], $0x1900  }
0x24: {  	[sflag:s19] =	ssyncset.done $0x0  }
0x25: {  	[sflag:s19] =	ssyncadd.s32 $0xFFFFE700  }
0x26: {  	v0 =	vld [tilespmem:$0x0]  }
0x27: {  	v1 =	vld [tilespmem:$0x10]  }
0x28: {  	v2 =	vld [tilespmem:$0x20]  }
0x29: {  	v3 =	vld [tilespmem:$0x30]  }
0x2a: {  	v4 =	vld [tilespmem:$0x40]  }
0x2b: {  	v5 =	vld [tilespmem:$0x50];
	v0 =	vadd.s32 $0x1, v0  }
0x2c: {  	v16 =	vld [tilespmem:$0x60];
	v15 =	vadd.s32 $0x1, v1;
	[tilespmem:$0x0] =	vst v0  }
0x2d: {  	v18 =	vld [tilespmem:$0x70];
	v17 =	vadd.s32 $0x1, v2;
	[tilespmem:$0x10] =	vst v15  }
0x2e: {  	v20 =	vld [tilespmem:$0x80];
	v19 =	vadd.s32 $0x1, v3;
	[tilespmem:$0x20] =	vst v17  }
0x2f: {  	v22 =	vld [tilespmem:$0x90];
	v21 =	vadd.s32 $0x1, v4;
	[tilespmem:$0x30] =	vst v19  }
0x30: {  	v24 =	vld [tilespmem:$0xA0];
	v23 =	vadd.s32 $0x1, v5;
	[tilespmem:$0x40] =	vst v21  }
0x31: {  	v26 =	vld [tilespmem:$0xB0];
	v25 =	vadd.s32 $0x1, v16;
	[tilespmem:$0x50] =	vst v23  }
0x32: {  	v28 =	vld [tilespmem:$0xC0];
	v27 =	vadd.s32 $0x1, v18;
	[tilespmem:$0x60] =	vst v25  }
0x33: {  	v30 =	vld [tilespmem:$0xD0];
	v29 =	vadd.s32 $0x1, v20;
	[tilespmem:$0x70] =	vst v27  }
0x34: {  	v32 =	vld [tilespmem:$0xE0];
	v31 =	vadd.s32 $0x1, v22;
	[tilespmem:$0x80] =	vst v29  }
0x35: {  	v34 =	vld [tilespmem:$0xF0];
	v33 =	vadd.s32 $0x1, v24;
	[tilespmem:$0x90] =	vst v31  }
0x36: {  	v36 =	vld [tilespmem:$0x100];
	v35 =	vadd.s32 $0x1, v26;
	[tilespmem:$0xA0] =	vst v33  }
0x37: {  	v38 =	vld [tilespmem:$0x110];
	v37 =	vadd.s32 $0x1, v28;
	[tilespmem:$0xB0] =	vst v35  }
0x38: {  	v40 =	vld [tilespmem:$0x120];
	v39 =	vadd.s32 $0x1, v30;
	[tilespmem:$0xC0] =	vst v37  }
0x39: {  	v42 =	vld [tilespmem:$0x130];
	v41 =	vadd.s32 $0x1, v32;
	[tilespmem:$0xD0] =	vst v39  }
0x3a: {  	v44 =	vld [tilespmem:$0x140];
	v43 =	vadd.s32 $0x1, v34;
	[tilespmem:$0xE0] =	vst v41  }
0x3b: {  	v46 =	vld [tilespmem:$0x150];
	v45 =	vadd.s32 $0x1, v36;
	[tilespmem:$0xF0] =	vst v43  }
0x3c: {  	v48 =	vld [tilespmem:$0x160];
	v47 =	vadd.s32 $0x1, v38;
	[tilespmem:$0x100] =	vst v45  }
0x3d: {  	v50 =	vld [tilespmem:$0x170];
	v49 =	vadd.s32 $0x1, v40;
	[tilespmem:$0x110] =	vst v47  }
0x3e: {  	v52 =	vld [tilespmem:$0x180];
	v51 =	vadd.s32 $0x1, v42;
	[tilespmem:$0x120] =	vst v49  }
0x3f: {  	v54 =	vld [tilespmem:$0x190];
	v53 =	vadd.s32 $0x1, v44;
	[tilespmem:$0x130] =	vst v51  }
0x40: {  	v56 =	vld [tilespmem:$0x1A0];
	v55 =	vadd.s32 $0x1, v46;
	[tilespmem:$0x140] =	vst v53  }
0x41: {  	v58 =	vld [tilespmem:$0x1B0];
	v57 =	vadd.s32 $0x1, v48;
	[tilespmem:$0x150] =	vst v55  }
0x42: {  	v60 =	vld [tilespmem:$0x1C0];
	v59 =	vadd.s32 $0x1, v50;
	[tilespmem:$0x160] =	vst v57  }
0x43: {  	v62 =	vld [tilespmem:$0x1D0];
	v61 =	vadd.s32 $0x1, v52;
	[tilespmem:$0x170] =	vst v59  }
0x44: {  	v8 =	vld [tilespmem:$0x1E0];
	v63 =	vadd.s32 $0x1, v54;
	[tilespmem:$0x180] =	vst v61  }
0x45: {  	v10 =	vld [tilespmem:$0x1F0];
	v9 =	vadd.s32 $0x1, v56;
	[tilespmem:$0x190] =	vst v63  }
0x46: {  	v12 =	vld [tilespmem:$0x200];
	v11 =	vadd.s32 $0x1, v58;
	[tilespmem:$0x1A0] =	vst v9  }
0x47: {  	v14 =	vld [tilespmem:$0x210];
	v13 =	vadd.s32 $0x1, v60;
	[tilespmem:$0x1B0] =	vst v11  }
0x48: {  	v16 =	vld [tilespmem:$0x220];
	[tilespmem:$0x1C0] =	vst v13;
	v15 =	vadd.s32 $0x1, v62  }
0x49: {  	v18 =	vld [tilespmem:$0x230];
	v17 =	vadd.s32 $0x1, v8;
	[tilespmem:$0x1D0] =	vst v15  }
0x4a: {  	v20 =	vld [tilespmem:$0x240];
	v19 =	vadd.s32 $0x1, v10;
	[tilespmem:$0x1E0] =	vst v17  }
0x4b: {  	v22 =	vld [tilespmem:$0x250];
	v21 =	vadd.s32 $0x1, v12;
	[tilespmem:$0x1F0] =	vst v19  }
0x4c: {  	v24 =	vld [tilespmem:$0x260];
	v23 =	vadd.s32 $0x1, v14;
	[tilespmem:$0x200] =	vst v21  }
0x4d: {  	v26 =	vld [tilespmem:$0x270];
	[tilespmem:$0x210] =	vst v23;
	v25 =	vadd.s32 $0x1, v16  }
0x4e: {  	v28 =	vld [tilespmem:$0x280];
	v27 =	vadd.s32 $0x1, v18;
	[tilespmem:$0x220] =	vst v25  }
0x4f: {  	v30 =	vld [tilespmem:$0x290];
	v29 =	vadd.s32 $0x1, v20;
	[tilespmem:$0x230] =	vst v27  }
0x50: {  	v32 =	vld [tilespmem:$0x2A0];
	v31 =	vadd.s32 $0x1, v22;
	[tilespmem:$0x240] =	vst v29  }
0x51: {  	v34 =	vld [tilespmem:$0x2B0];
	v33 =	vadd.s32 $0x1, v24;
	[tilespmem:$0x250] =	vst v31  }
0x52: {  	v36 =	vld [tilespmem:$0x2C0];
	v35 =	vadd.s32 $0x1, v26;
	[tilespmem:$0x260] =	vst v33  }
0x53: {  	v38 =	vld [tilespmem:$0x2D0];
	v37 =	vadd.s32 $0x1, v28;
	[tilespmem:$0x270] =	vst v35  }
0x54: {  	v40 =	vld [tilespmem:$0x2E0];
	v39 =	vadd.s32 $0x1, v30;
	[tilespmem:$0x280] =	vst v37  }
0x55: {  	v42 =	vld [tilespmem:$0x2F0];
	v41 =	vadd.s32 $0x1, v32;
	[tilespmem:$0x290] =	vst v39  }
0x56: {  	v44 =	vld [tilespmem:$0x300];
	v43 =	vadd.s32 $0x1, v34;
	[tilespmem:$0x2A0] =	vst v41  }
0x57: {  	v46 =	vld [tilespmem:$0x310];
	v45 =	vadd.s32 $0x1, v36;
	[tilespmem:$0x2B0] =	vst v43  }
0x58: {  	v48 =	vld [tilespmem:$0x320];
	v47 =	vadd.s32 $0x1, v38;
	[tilespmem:$0x2C0] =	vst v45  }
0x59: {  	v50 =	vld [tilespmem:$0x330];
	v49 =	vadd.s32 $0x1, v40;
	[tilespmem:$0x2D0] =	vst v47  }
0x5a: {  	v52 =	vld [tilespmem:$0x340];
	v51 =	vadd.s32 $0x1, v42;
	[tilespmem:$0x2E0] =	vst v49  }
0x5b: {  	v54 =	vld [tilespmem:$0x350];
	v53 =	vadd.s32 $0x1, v44;
	[tilespmem:$0x2F0] =	vst v51  }
0x5c: {  	v56 =	vld [tilespmem:$0x360];
	v55 =	vadd.s32 $0x1, v46;
	[tilespmem:$0x300] =	vst v53  }
0x5d: {  	v58 =	vld [tilespmem:$0x370];
	v57 =	vadd.s32 $0x1, v48;
	[tilespmem:$0x310] =	vst v55  }
0x5e: {  	v59 =	vadd.s32 $0x1, v50;
	[tilespmem:$0x320] =	vst v57  }
0x5f: {  	v60 =	vadd.s32 $0x1, v52;
	[tilespmem:$0x330] =	vst v59  }
0x60: {  	v61 =	vadd.s32 $0x1, v54;
	[tilespmem:$0x340] =	vst v60  }
0x61: {  	v62 =	vadd.s32 $0x1, v56;
	[tilespmem:$0x350] =	vst v61  }
0x62: {  	v63 =	vadd.s32 $0x1, v58;
	[tilespmem:$0x360] =	vst v62  }
0x63: {  	[tilespmem:$0x370] =	vst v63  }
0x64: {  	[tilespmem:s21], [sflag:$0x1] =	stream.indirect.gather [hbm4b:s2+s20], $0x80, s4, s20, $0xb8;
	[tilespmem:$0x1DC00] =	vst v63  }
0x65: {  	_ = 	snop  }
0x66: {  	[tilespmem:s22], [sflag:$0x2] =	stream.indirect.gather [hbm4b:s2+s20], $0x80, s20, s20, $0xb8;
	[tilespmem:$0x1DC00] =	vst v63  }
0x67: {  	s13 =	simm.s32 $0x100  }
0x68: {  	[tilespmem:s24], [sflag:$0x3] =	stream.indirect.gather [hbm4b:s2+s20], $0x80, s13, s20, $0xb8;
	[tilespmem:$0x1DC00] =	vst v63  }
0x69: {  	s14 =	simm.s32 $0x180  }
0x6a: {  	[tilespmem:s26], [sflag:$0x4] =	stream.indirect.gather [hbm4b:s2+s20], $0x80, s14, s20, $0xb8;
	[tilespmem:$0x1DC00] =	vst v63  }
0x6b: {  	s12 =	simm.s32 $0x200  }
0x6c: {  	[tilespmem:s29], [sflag:$0x5] =	stream.indirect.gather [hbm4b:s2+s20], $0x80, s12, s20, $0xb8;
	[tilespmem:$0x1DC00] =	vst v63  }
0x6d: {  	s13 =	simm.s32 $0x280  }
0x6e: {  	[tilespmem:s31], [sflag:$0x6] =	stream.indirect.gather [hbm4b:s2+s20], $0x80, s13, s20, $0xb8;
	[tilespmem:$0x1DC00] =	vst v63  }
0x6f: {  	s5 =	simm.s32 $0x0;
	s14 =	simm.s32 $0x300;
	s12 =	rddreg [dreg:$0x2]  }
0x70: {  	[tilespmem:s1], [sflag:$0x7] =	stream.indirect.gather [hbm4b:s2+s20], $0x80, s14, s20, $0xb8;
	[tilespmem:$0x1DC00] =	vst v63  }
.LBB2_2:
0x71: {  	s13 =	sshra.s32 s5, $0x2  }
0x72: {  	v0 =	vld [tilespmem:s13+$0x380]  }
0x73: {  	v1 =	vld [tilespmem:s13+$0x390]  }
0x74: {  	v2 =	vld [tilespmem:s13+$0x3A0]  }
0x75: {  	v3 =	vld [tilespmem:s13+$0x3B0]  }
0x76: {  	v4 =	vld [tilespmem:s13+$0x3C0]  }
0x77: {  	v5 =	vld [tilespmem:s13+$0x3D0];
	v0 =	vadd.s32 $0x1, v0  }
0x78: {  	v16 =	vld [tilespmem:s13+$0x3E0];
	v15 =	vadd.s32 $0x1, v1;
	[tilespmem:s13+$0x380] =	vst v0  }
0x79: {  	v18 =	vld [tilespmem:s13+$0x3F0];
	v17 =	vadd.s32 $0x1, v2;
	[tilespmem:s13+$0x390] =	vst v15  }
0x7a: {  	v20 =	vld [tilespmem:s13+$0x400];
	v19 =	vadd.s32 $0x1, v3;
	[tilespmem:s13+$0x3A0] =	vst v17  }
0x7b: {  	v22 =	vld [tilespmem:s13+$0x410];
	v21 =	vadd.s32 $0x1, v4;
	[tilespmem:s13+$0x3B0] =	vst v19  }
0x7c: {  	v24 =	vld [tilespmem:s13+$0x420];
	v23 =	vadd.s32 $0x1, v5;
	[tilespmem:s13+$0x3C0] =	vst v21  }
0x7d: {  	v26 =	vld [tilespmem:s13+$0x430];
	v25 =	vadd.s32 $0x1, v16;
	[tilespmem:s13+$0x3D0] =	vst v23  }
0x7e: {  	v28 =	vld [tilespmem:s13+$0x440];
	v27 =	vadd.s32 $0x1, v18;
	[tilespmem:s13+$0x3E0] =	vst v25  }
0x7f: {  	v30 =	vld [tilespmem:s13+$0x450];
	v29 =	vadd.s32 $0x1, v20;
	[tilespmem:s13+$0x3F0] =	vst v27  }
0x80: {  	v32 =	vld [tilespmem:s13+$0x460];
	v31 =	vadd.s32 $0x1, v22;
	[tilespmem:s13+$0x400] =	vst v29  }
0x81: {  	v34 =	vld [tilespmem:s13+$0x470];
	v33 =	vadd.s32 $0x1, v24;
	[tilespmem:s13+$0x410] =	vst v31  }
0x82: {  	v36 =	vld [tilespmem:s13+$0x480];
	v35 =	vadd.s32 $0x1, v26;
	[tilespmem:s13+$0x420] =	vst v33  }
0x83: {  	v38 =	vld [tilespmem:s13+$0x490];
	v37 =	vadd.s32 $0x1, v28;
	[tilespmem:s13+$0x430] =	vst v35  }
0x84: {  	v40 =	vld [tilespmem:s13+$0x4A0];
	v39 =	vadd.s32 $0x1, v30;
	[tilespmem:s13+$0x440] =	vst v37  }
0x85: {  	v42 =	vld [tilespmem:s13+$0x4B0];
	v41 =	vadd.s32 $0x1, v32;
	[tilespmem:s13+$0x450] =	vst v39  }
0x86: {  	v44 =	vld [tilespmem:s13+$0x4C0];
	v43 =	vadd.s32 $0x1, v34;
	[tilespmem:s13+$0x460] =	vst v41  }
0x87: {  	v46 =	vld [tilespmem:s13+$0x4D0];
	v45 =	vadd.s32 $0x1, v36;
	[tilespmem:s13+$0x470] =	vst v43  }
0x88: {  	v48 =	vld [tilespmem:s13+$0x4E0];
	v47 =	vadd.s32 $0x1, v38;
	[tilespmem:s13+$0x480] =	vst v45  }
0x89: {  	v50 =	vld [tilespmem:s13+$0x4F0];
	v49 =	vadd.s32 $0x1, v40;
	[tilespmem:s13+$0x490] =	vst v47  }
0x8a: {  	v52 =	vld [tilespmem:s13+$0x500];
	v51 =	vadd.s32 $0x1, v42;
	[tilespmem:s13+$0x4A0] =	vst v49  }
0x8b: {  	v54 =	vld [tilespmem:s13+$0x510];
	v53 =	vadd.s32 $0x1, v44;
	[tilespmem:s13+$0x4B0] =	vst v51  }
0x8c: {  	v56 =	vld [tilespmem:s13+$0x520];
	v55 =	vadd.s32 $0x1, v46;
	[tilespmem:s13+$0x4C0] =	vst v53  }
0x8d: {  	v58 =	vld [tilespmem:s13+$0x530];
	v57 =	vadd.s32 $0x1, v48;
	[tilespmem:s13+$0x4D0] =	vst v55  }
0x8e: {  	v60 =	vld [tilespmem:s13+$0x540];
	v59 =	vadd.s32 $0x1, v50;
	[tilespmem:s13+$0x4E0] =	vst v57  }
0x8f: {  	v62 =	vld [tilespmem:s13+$0x550];
	v61 =	vadd.s32 $0x1, v52;
	[tilespmem:s13+$0x4F0] =	vst v59  }
0x90: {  	v8 =	vld [tilespmem:s13+$0x560];
	v63 =	vadd.s32 $0x1, v54;
	[tilespmem:s13+$0x500] =	vst v61  }
0x91: {  	v10 =	vld [tilespmem:s13+$0x570];
	v9 =	vadd.s32 $0x1, v56;
	[tilespmem:s13+$0x510] =	vst v63  }
0x92: {  	v12 =	vld [tilespmem:s13+$0x580];
	v11 =	vadd.s32 $0x1, v58;
	[tilespmem:s13+$0x520] =	vst v9  }
0x93: {  	v14 =	vld [tilespmem:s13+$0x590];
	v13 =	vadd.s32 $0x1, v60;
	[tilespmem:s13+$0x530] =	vst v11  }
0x94: {  	v16 =	vld [tilespmem:s13+$0x5A0];
	[tilespmem:s13+$0x540] =	vst v13;
	v15 =	vadd.s32 $0x1, v62  }
0x95: {  	v18 =	vld [tilespmem:s13+$0x5B0];
	v17 =	vadd.s32 $0x1, v8;
	[tilespmem:s13+$0x550] =	vst v15  }
0x96: {  	v20 =	vld [tilespmem:s13+$0x5C0];
	v19 =	vadd.s32 $0x1, v10;
	[tilespmem:s13+$0x560] =	vst v17  }
0x97: {  	v22 =	vld [tilespmem:s13+$0x5D0];
	v21 =	vadd.s32 $0x1, v12;
	[tilespmem:s13+$0x570] =	vst v19  }
0x98: {  	v24 =	vld [tilespmem:s13+$0x5E0];
	v23 =	vadd.s32 $0x1, v14;
	[tilespmem:s13+$0x580] =	vst v21  }
0x99: {  	v26 =	vld [tilespmem:s13+$0x5F0];
	[tilespmem:s13+$0x590] =	vst v23;
	v25 =	vadd.s32 $0x1, v16  }
0x9a: {  	v28 =	vld [tilespmem:s13+$0x600];
	v27 =	vadd.s32 $0x1, v18;
	[tilespmem:s13+$0x5A0] =	vst v25  }
0x9b: {  	v30 =	vld [tilespmem:s13+$0x610];
	v29 =	vadd.s32 $0x1, v20;
	[tilespmem:s13+$0x5B0] =	vst v27  }
0x9c: {  	v32 =	vld [tilespmem:s13+$0x620];
	v31 =	vadd.s32 $0x1, v22;
	[tilespmem:s13+$0x5C0] =	vst v29  }
0x9d: {  	v34 =	vld [tilespmem:s13+$0x630];
	v33 =	vadd.s32 $0x1, v24;
	[tilespmem:s13+$0x5D0] =	vst v31  }
0x9e: {  	v36 =	vld [tilespmem:s13+$0x640];
	v35 =	vadd.s32 $0x1, v26;
	[tilespmem:s13+$0x5E0] =	vst v33  }
0x9f: {  	v38 =	vld [tilespmem:s13+$0x650];
	v37 =	vadd.s32 $0x1, v28;
	[tilespmem:s13+$0x5F0] =	vst v35  }
0xa0: {  	v40 =	vld [tilespmem:s13+$0x660];
	v39 =	vadd.s32 $0x1, v30;
	[tilespmem:s13+$0x600] =	vst v37  }
0xa1: {  	v42 =	vld [tilespmem:s13+$0x670];
	v41 =	vadd.s32 $0x1, v32;
	[tilespmem:s13+$0x610] =	vst v39  }
0xa2: {  	v44 =	vld [tilespmem:s13+$0x680];
	v43 =	vadd.s32 $0x1, v34;
	[tilespmem:s13+$0x620] =	vst v41  }
0xa3: {  	v46 =	vld [tilespmem:s13+$0x690];
	v45 =	vadd.s32 $0x1, v36;
	[tilespmem:s13+$0x630] =	vst v43  }
0xa4: {  	v48 =	vld [tilespmem:s13+$0x6A0];
	v47 =	vadd.s32 $0x1, v38;
	[tilespmem:s13+$0x640] =	vst v45  }
0xa5: {  	v50 =	vld [tilespmem:s13+$0x6B0];
	v49 =	vadd.s32 $0x1, v40;
	[tilespmem:s13+$0x650] =	vst v47  }
0xa6: {  	v52 =	vld [tilespmem:s13+$0x6C0];
	v51 =	vadd.s32 $0x1, v42;
	[tilespmem:s13+$0x660] =	vst v49  }
0xa7: {  	v54 =	vld [tilespmem:s13+$0x6D0];
	v53 =	vadd.s32 $0x1, v44;
	[tilespmem:s13+$0x670] =	vst v51  }
0xa8: {  	v56 =	vld [tilespmem:s13+$0x6E0];
	v55 =	vadd.s32 $0x1, v46;
	[tilespmem:s13+$0x680] =	vst v53  }
0xa9: {  	v58 =	vld [tilespmem:s13+$0x6F0];
	v57 =	vadd.s32 $0x1, v48;
	[tilespmem:s13+$0x690] =	vst v55  }
0xaa: {  	v59 =	vadd.s32 $0x1, v50;
	[tilespmem:s13+$0x6A0] =	vst v57  }
0xab: {  	v60 =	vadd.s32 $0x1, v52;
	[tilespmem:s13+$0x6B0] =	vst v59  }
0xac: {  	v61 =	vadd.s32 $0x1, v54;
	[tilespmem:s13+$0x6C0] =	vst v60  }
0xad: {  	v62 =	vadd.s32 $0x1, v56;
	[tilespmem:s13+$0x6D0] =	vst v61  }
0xae: {  	v63 =	vadd.s32 $0x1, v58;
	[tilespmem:s13+$0x6E0] =	vst v62  }
0xaf: {  	[tilespmem:s13+$0x6F0] =	vst v63  }
0xb0: {  	_ =	swait.ge [sflag:s3], $0x4000  }
0xb1: {  	s14 =	rddreg [dreg:$0xa];
	[sflag:s3] =	ssyncset.done $0x0  }
0xb2: {  	[sflag:s3] =	ssyncadd.s32 $0xFFFFC000;
	s14 =	sadd.s32 s12, s14  }
0xb3: {  	[hbm4b:s14+s4] =	stream.linear.scatter [tilespmem:s21], [sflag:$0x8], $0x4000, $0x38;
	[tilespmem:$0x1DC00] =	vst v63  }
0xb4: {  	_ =	swait.ge [sflag:s16], $0x4000  }
0xb5: {  	s14 =	rddreg [dreg:$0x9];
	[sflag:s16] =	ssyncset.done $0x0  }
0xb6: {  	[sflag:s16] =	ssyncadd.s32 $0xFFFFC000;
	s14 =	sadd.s32 s12, s14  }
0xb7: {  	[hbm4b:s14+s4] =	stream.linear.scatter [tilespmem:s22], [sflag:$0x9], $0x4000, $0x38;
	[tilespmem:$0x1DC00] =	vst v63  }
0xb8: {  	_ =	swait.ge [sflag:s17], $0x4000  }
0xb9: {  	s14 =	rddreg [dreg:$0x8];
	[sflag:s17] =	ssyncset.done $0x0  }
0xba: {  	[sflag:s17] =	ssyncadd.s32 $0xFFFFC000;
	s14 =	sadd.s32 s12, s14  }
0xbb: {  	[hbm4b:s14+s4] =	stream.linear.scatter [tilespmem:s24], [sflag:$0xA], $0x4000, $0x38;
	[tilespmem:$0x1DC00] =	vst v63  }
0xbc: {  	_ =	swait.ge [sflag:s18], $0x4000  }
0xbd: {  	s14 =	rddreg [dreg:$0x7];
	[sflag:s18] =	ssyncset.done $0x0  }
0xbe: {  	[sflag:s18] =	ssyncadd.s32 $0xFFFFC000;
	s14 =	sadd.s32 s12, s14  }
0xbf: {  	[hbm4b:s14+s4] =	stream.linear.scatter [tilespmem:s26], [sflag:$0xB], $0x4000, $0x38;
	[tilespmem:$0x1DC00] =	vst v63  }
0xc0: {  	_ =	swait.ge [sflag:s23], $0x4000  }
0xc1: {  	s14 =	rddreg [dreg:$0x6];
	[sflag:s23] =	ssyncset.done $0x0  }
0xc2: {  	[sflag:s23] =	ssyncadd.s32 $0xFFFFC000;
	s14 =	sadd.s32 s12, s14  }
0xc3: {  	[hbm4b:s14+s4] =	stream.linear.scatter [tilespmem:s29], [sflag:$0xC], $0x4000, $0x38;
	[tilespmem:$0x1DC00] =	vst v63  }
0xc4: {  	_ =	swait.ge [sflag:s25], $0x4000  }
0xc5: {  	s14 =	rddreg [dreg:$0x5];
	[sflag:s25] =	ssyncset.done $0x0  }
0xc6: {  	[sflag:s25] =	ssyncadd.s32 $0xFFFFC000;
	s14 =	sadd.s32 s12, s14  }
0xc7: {  	[hbm4b:s14+s4] =	stream.linear.scatter [tilespmem:s31], [sflag:$0xD], $0x4000, $0x38;
	[tilespmem:$0x1DC00] =	vst v63  }
0xc8: {  	_ =	swait.ge [sflag:s28], $0x4000  }
0xc9: {  	s14 =	rddreg [dreg:$0x4];
	[sflag:s28] =	ssyncset.done $0x0  }
0xca: {  	[sflag:s28] =	ssyncadd.s32 $0xFFFFC000;
	s14 =	sadd.s32 s12, s14  }
0xcb: {  	[hbm4b:s14+s4] =	stream.linear.scatter [tilespmem:s1], [sflag:$0xE], $0x4000, $0x38;
	[tilespmem:$0x1DC00] =	vst v63  }
0xcc: {  	_ =	swait.ge [sflag:s30], $0x4000  }
0xcd: {  	[sflag:s30] =	ssyncset.done $0x0  }
0xce: {  	s14 =	sadd.s32 $0x380, s13;
	[sflag:s30] =	ssyncadd.s32 $0xFFFFC000  }
0xcf: {  	[tilespmem:s21], [sflag:$0x1] =	stream.indirect.gather [hbm4b:s2+s20], $0x80, s14, s20, $0xb8;
	[tilespmem:$0x1DC00] =	vst v63  }
0xd0: {  	_ =	swait.ge [sflag:s0], $0x4000  }
0xd1: {  	[sflag:s0] =	ssyncset.done $0x0  }
0xd2: {  	s14 =	sadd.s32 $0x400, s13;
	[sflag:s0] =	ssyncadd.s32 $0xFFFFC000  }
0xd3: {  	[tilespmem:s22], [sflag:$0x2] =	stream.indirect.gather [hbm4b:s2+s20], $0x80, s14, s20, $0xb8;
	[tilespmem:$0x1DC00] =	vst v63  }
0xd4: {  	_ =	swait.ge [sflag:s6], $0x4000  }
0xd5: {  	[sflag:s6] =	ssyncset.done $0x0  }
0xd6: {  	s14 =	sadd.s32 $0x480, s13;
	[sflag:s6] =	ssyncadd.s32 $0xFFFFC000  }
0xd7: {  	[tilespmem:s24], [sflag:$0x3] =	stream.indirect.gather [hbm4b:s2+s20], $0x80, s14, s20, $0xb8;
	[tilespmem:$0x1DC00] =	vst v63  }
0xd8: {  	_ =	swait.ge [sflag:s7], $0x4000  }
0xd9: {  	[sflag:s7] =	ssyncset.done $0x0  }
0xda: {  	s14 =	sadd.s32 $0x500, s13;
	[sflag:s7] =	ssyncadd.s32 $0xFFFFC000  }
0xdb: {  	[tilespmem:s26], [sflag:$0x4] =	stream.indirect.gather [hbm4b:s2+s20], $0x80, s14, s20, $0xb8;
	[tilespmem:$0x1DC00] =	vst v63  }
0xdc: {  	_ =	swait.ge [sflag:s8], $0x4000  }
0xdd: {  	[sflag:s8] =	ssyncset.done $0x0  }
0xde: {  	s14 =	sadd.s32 $0x580, s13;
	[sflag:s8] =	ssyncadd.s32 $0xFFFFC000  }
0xdf: {  	[tilespmem:s29], [sflag:$0x5] =	stream.indirect.gather [hbm4b:s2+s20], $0x80, s14, s20, $0xb8;
	[tilespmem:$0x1DC00] =	vst v63  }
0xe0: {  	_ =	swait.ge [sflag:s9], $0x4000  }
0xe1: {  	[sflag:s9] =	ssyncset.done $0x0  }
0xe2: {  	p0 =	sne.s32 s5, $0x4600;
	s14 =	sadd.s32 $0x600, s13;
	[sflag:s9] =	ssyncadd.s32 $0xFFFFC000  }
0xe3: {  	[tilespmem:s31], [sflag:$0x6] =	stream.indirect.gather [hbm4b:s2+s20], $0x80, s14, s20, $0xb8;
	[tilespmem:$0x1DC00] =	vst v63  }
.Ltmp0:
0xe4: {  	_ = 	snop;
	(pc) =	sbr.rel @p0 .LBB2_2-.Ltmp0, $4  }
0xe5: {  	_ =	swait.ge [sflag:s10], $0x4000  }
0xe6: {  	s5 =	sadd.s32 $0xE00, s5;
	[sflag:s10] =	ssyncset.done $0x0  }
0xe7: {  	s12 =	sadd.s32 $0x70000, s12;
	s13 =	sadd.s32 $0x680, s13;
	[sflag:s10] =	ssyncadd.s32 $0xFFFFC000  }
0xe8: {  	[tilespmem:s1], [sflag:$0x7] =	stream.indirect.gather [hbm4b:s2+s20], $0x80, s13, s20, $0xb8;
	[tilespmem:$0x1DC00] =	vst v63  }
0xe9: {  	v0 =	vld [tilespmem:$0x1880]  }
0xea: {  	v1 =	vld [tilespmem:$0x1890]  }
0xeb: {  	v2 =	vld [tilespmem:$0x18A0]  }
0xec: {  	v3 =	vld [tilespmem:$0x18B0]  }
0xed: {  	v4 =	vld [tilespmem:$0x18C0]  }
0xee: {  	v5 =	vld [tilespmem:$0x18D0];
	v0 =	vadd.s32 $0x1, v0  }
0xef: {  	v56 =	vld [tilespmem:$0x18E0];
	v55 =	vadd.s32 $0x1, v1;
	[tilespmem:$0x1880] =	vst v0  }
0xf0: {  	v58 =	vld [tilespmem:$0x18F0];
	v57 =	vadd.s32 $0x1, v2;
	[tilespmem:$0x1890] =	vst v55  }
0xf1: {  	v59 =	vadd.s32 $0x1, v3;
	[tilespmem:$0x18A0] =	vst v57  }
0xf2: {  	v60 =	vadd.s32 $0x1, v4;
	[tilespmem:$0x18B0] =	vst v59  }
0xf3: {  	v61 =	vadd.s32 $0x1, v5;
	[tilespmem:$0x18C0] =	vst v60  }
0xf4: {  	v62 =	vadd.s32 $0x1, v56;
	[tilespmem:$0x18D0] =	vst v61  }
0xf5: {  	v63 =	vadd.s32 $0x1, v58;
	[tilespmem:$0x18E0] =	vst v62  }
0xf6: {  	[tilespmem:$0x18F0] =	vst v63  }
0xf7: {  	_ =	swait.ge [sflag:s3], $0x4000  }
0xf8: {  	[sflag:s3] =	ssyncset.done $0x0  }
0xf9: {  	s5 =	rddreg [dreg:$0xd];
	[sflag:s3] =	ssyncadd.s32 $0xFFFFC000  }
0xfa: {  	[hbm4b:s5+s4] =	stream.linear.scatter [tilespmem:s21], [sflag:$0x8], $0x4000, $0x38;
	[tilespmem:$0x1DC00] =	vst v63  }
0xfb: {  	_ =	swait.ge [sflag:s16], $0x4000  }
0xfc: {  	[sflag:s16] =	ssyncset.done $0x0  }
0xfd: {  	s13 =	rddreg [dreg:$0xe];
	[sflag:s16] =	ssyncadd.s32 $0xFFFFC000  }
0xfe: {  	[hbm4b:s13+s4] =	stream.linear.scatter [tilespmem:s22], [sflag:$0x9], $0x4000, $0x38;
	[tilespmem:$0x1DC00] =	vst v63  }
0xff: {  	_ =	swait.ge [sflag:s17], $0x4000  }
0x100: {  	[sflag:s17] =	ssyncset.done $0x0  }
0x101: {  	s14 =	rddreg [dreg:$0xf];
	[sflag:s17] =	ssyncadd.s32 $0xFFFFC000  }
0x102: {  	[hbm4b:s14+s4] =	stream.linear.scatter [tilespmem:s24], [sflag:$0xA], $0x4000, $0x38;
	[tilespmem:$0x1DC00] =	vst v63  }
0x103: {  	_ =	swait.ge [sflag:s18], $0x4000  }
0x104: {  	[sflag:s18] =	ssyncset.done $0x0  }
0x105: {  	s12 =	rddreg [dreg:$0x10];
	[sflag:s18] =	ssyncadd.s32 $0xFFFFC000  }
0x106: {  	[hbm4b:s12+s4] =	stream.linear.scatter [tilespmem:s26], [sflag:$0xB], $0x4000, $0x38;
	[tilespmem:$0x1DC00] =	vst v63  }
0x107: {  	_ =	swait.ge [sflag:s23], $0x4000  }
0x108: {  	[sflag:s23] =	ssyncset.done $0x0  }
0x109: {  	s13 =	rddreg [dreg:$0x11];
	[sflag:s23] =	ssyncadd.s32 $0xFFFFC000  }
0x10a: {  	[hbm4b:s13+s4] =	stream.linear.scatter [tilespmem:s29], [sflag:$0xC], $0x4000, $0x38;
	[tilespmem:$0x1DC00] =	vst v63  }
0x10b: {  	_ =	swait.ge [sflag:s25], $0x4000  }
0x10c: {  	[sflag:s25] =	ssyncset.done $0x0  }
0x10d: {  	s14 =	rddreg [dreg:$0x12];
	[sflag:s25] =	ssyncadd.s32 $0xFFFFC000  }
0x10e: {  	[hbm4b:s14+s4] =	stream.linear.scatter [tilespmem:s31], [sflag:$0xD], $0x4000, $0x38;
	[tilespmem:$0x1DC00] =	vst v63  }
0x10f: {  	_ =	swait.ge [sflag:s28], $0x4000  }
0x110: {  	[sflag:s28] =	ssyncset.done $0x0  }
0x111: {  	s12 =	rddreg [dreg:$0x13];
	[sflag:s28] =	ssyncadd.s32 $0xFFFFC000  }
0x112: {  	[hbm4b:s12+s4] =	stream.linear.scatter [tilespmem:s1], [sflag:$0xE], $0x4000, $0x38;
	[tilespmem:$0x1DC00] =	vst v63  }
0x113: {  	_ =	swait.ge [sflag:s30], $0x4000  }
0x114: {  	[sflag:s30] =	ssyncset.done $0x0  }
0x115: {  	s13 =	simm.s32 $0x1880;
	[sflag:s30] =	ssyncadd.s32 $0xFFFFC000  }
0x116: {  	[tilespmem:s21], [sflag:$0x1] =	stream.indirect.gather [hbm4b:s2+s20], $0x80, s13, s20, $0xb8;
	[tilespmem:$0x1DC00] =	vst v63  }
0x117: {  	_ =	swait.ge [sflag:s3], $0x4000  }
0x118: {  	[sflag:s3] =	ssyncset.done $0x0  }
0x119: {  	s14 =	rddreg [dreg:$0x14];
	[sflag:s3] =	ssyncadd.s32 $0xFFFFC000  }
0x11a: {  	[hbm4b:s14+s4] =	stream.linear.scatter [tilespmem:s21], [sflag:$0x8], $0x4000, $0x38;
	[tilespmem:$0x1DC00] =	vst v63  }
0x11b: {  	_ =	swait.ge [sflag:s30], $0x4000  }
0x11c: {  	[sflag:s30] =	ssyncset.done $0x0  }
0x11d: {  	[sflag:s30] =	ssyncadd.s32 $0xFFFFC000  }
0x11e: {  	_ =	swait.ge [sflag:s0], $0x4000  }
0x11f: {  	[sflag:s0] =	ssyncset.done $0x0  }
0x120: {  	[sflag:s0] =	ssyncadd.s32 $0xFFFFC000  }
0x121: {  	_ =	swait.ge [sflag:s6], $0x4000  }
0x122: {  	[sflag:s6] =	ssyncset.done $0x0  }
0x123: {  	[sflag:s6] =	ssyncadd.s32 $0xFFFFC000  }
0x124: {  	_ =	swait.ge [sflag:s7], $0x4000  }
0x125: {  	[sflag:s7] =	ssyncset.done $0x0  }
0x126: {  	[sflag:s7] =	ssyncadd.s32 $0xFFFFC000  }
0x127: {  	_ =	swait.ge [sflag:s8], $0x4000  }
0x128: {  	[sflag:s8] =	ssyncset.done $0x0  }
0x129: {  	s11 =	sadd.s32 $0x1, s11;
	[sflag:s8] =	ssyncadd.s32 $0xFFFFC000  }
0x12a: {  	p0 =	sne.s32 s11, s15;
	_ =	swait.ge [sflag:s9], $0x4000  }
.Ltmp1:
0x12b: {  	[sflag:s9] =	ssyncset.done $0x0;
	(pc) =	sbr.rel @p0 .LBB2_1-.Ltmp1, $4  }
0x12c: {  	[sflag:s9] =	ssyncadd.s32 $0xFFFFC000  }
0x12d: {  	_ =	swait.ge [sflag:s10], $0x4000  }
0x12e: {  	[sflag:s10] =	ssyncset.done $0x0  }
0x12f: {  	[sflag:s10] =	ssyncadd.s32 $0xFFFFC000  }
0x130: {  	_ =	sfence.sel $0x180000  }
0x131: {  	[bflag:$0x0] =	sbarrier.arrive $0xFFFF  }
0x132: {  	_ =	strace $0x90000047  }
0x133: {  	s0 =	stileid.u32;
	[bflag:$0x2] =	sbarrier.arrive $0xFFFF  }
0x134: {  	p0 =	sne.s32 s0, $0x0;
	s0 =	rddreg [dreg:$0x3]  }
0x135: {  	s0 =	sadd.s32 @!p0 $0x100000, s0  }
0x136: {  	[sflag:s0] =	ssyncadd.tile.s32 @!p0 $0x1;
	_ =	shalt  }
.Lfunc_end2:
_tile_overlayer_lowered:
.L_overlay_start_2:
0x137: {  	(tag) =	ssettag $0x2  }
0x138: {  	s0 =	rddreg [dreg:$0x0];
	s2 =	stileid.u32  }
0x139: {  	s1 =	rddreg [dreg:$0x1];
	p0 =	sne.s32 s2, $0x0  }
0x13a: {  	s3 =	rddreg [dreg:$0x2];
	[bflag:$0x3] =	sbarrier.arrive $0xFFFF;
	s2 =	simm.s32 @!p0 $0x1C0F  }
0x13b: {  	[timem:s3], [sflag:s2] =	dma.local @!p0 [hbm:s0], s1  }
0x13c: {  	s0 =	simm.s32 @!p0 $0xF  }
0x13d: {  	_ =	swait.ge @!p0 [sflag:s0], s1  }
0x13e: {  	s1 =	ssub.s32 @!p0 $0x0, s1;
	[sflag:s0] =	ssyncset.done @!p0 $0x0  }
0x13f: {  	[sflag:s0] =	ssyncadd.s32 @!p0 s1  }
0x140: {  	[bflag:$0x3] =	sbarrier.arrive $0xFFFF  }
0x141: {  	_ =	shalt  }

</sc_bundles>
